<compile_context>
chip_gen: v7x
topology: tpu7x:2x2x1
jax: 0.10.2.dev20260603
libtpu: 0.0.44.dev20260713+nightly
codegen_flags: <defaults>
</compile_context>

<pallas_src>
import jax
import jax.numpy as jnp
from jax import lax
from jax.experimental import pallas as pl
from jax.experimental.pallas import tpu as pltpu
from jax.experimental.pallas import tpu_sc as plsc

_B, _L, _D = 4, 2048, 768
_NPOS = 30
_NW = 32
_ROWS = _B * _L
_RPW = _ROWS // _NW
_CHUNK = 64
_NCHUNK = _RPW // _CHUNK
_CT = _D // 128


def _sc_body(x_hbm, idx_hbm, tab_hbm, out_hbm,
             idx_v, tab_v, buf0, buf1, sin0, sin1, sout0, sout1, stab):
    wid = lax.axis_index("s") * 2 + lax.axis_index("c")
    base = wid * _RPW
    bufs = (buf0, buf1)
    sins = (sin0, sin1)
    souts = (sout0, sout1)
    iota = lax.iota(jnp.int32, 16)

    def start_load(c):
        b = c & 1
        r0 = base + c * _CHUNK
        return pltpu.async_copy(
            x_hbm.at[pl.ds(r0, _CHUNK), :], bufs[b], sins[b])

    def start_store(c):
        b = c & 1
        r0 = base + c * _CHUNK
        return pltpu.async_copy(
            bufs[b], out_hbm.at[pl.ds(r0, _CHUNK), :], souts[b])

    loads = {0: start_load(0)}
    tcopies = [
        pltpu.async_copy(tab_hbm.at[i, :], tab_v.at[pl.ds(i * _D, _D)], stab)
        for i in range(_NPOS)
    ]
    tcopies.append(
        pltpu.async_copy(
            idx_hbm.at[wid >> 3, pl.ds((wid & 7) * _RPW, _RPW)], idx_v, stab))
    zv = jnp.zeros((16,), jnp.float32)
    for k in range(_NPOS * _D, (_NPOS + 2) * _D, 16):
        tab_v[pl.ds(k, 16)] = zv
    for t in tcopies:
        t.wait()
    stores = {}
    for c in range(_NCHUNK):
        b = c & 1
        loads.pop(c).wait()
        buf = bufs[b]

        def row_body(rp, carry, _c=c, _buf=buf):
            rr = [rp * 4 + k for k in range(4)]
            ts = [plsc.load_gather(
                idx_v, [jnp.broadcast_to(_c * _CHUNK + r, (16,))])
                for r in rr]
            pad = jnp.full((16,), _NPOS, jnp.int32)
            ts = [
                jnp.where(
                    jnp.broadcast_to(
                        ((base + _c * _CHUNK + r) & (_L - 1)) == 0, (16,)),
                    pad, t)
                for r, t in zip(rr, ts)
            ]
            aa = [t * _D + iota for t in ts]

            @plsc.parallel_loop(0, _D, 16, unroll=4)
            def jbody(j, _aa=aa, _rr=rr, _b=_buf):
                jv = jnp.broadcast_to(j, (16,)).astype(jnp.int32)
                for k in range(4):
                    v = plsc.load_gather(tab_v, [_aa[k] + jv])
                    plsc.addupdate(_b.at[_rr[k], pl.ds(j, 16)], v)

            return carry

        lax.fori_loop(0, _CHUNK // 4, row_body, 0)

        stores[c] = start_store(c)
        if c + 1 < _NCHUNK:
            if c - 1 >= 0:
                stores.pop(c - 1).wait()
            loads[c + 1] = start_load(c + 1)
    stores.pop(_NCHUNK - 1).wait()


def kernel(inputs, times, pos_table):
    x = inputs.reshape(_ROWS, _D)
    idx = times.astype(jnp.int32)
    tab = pos_table.astype(jnp.float32)

    mesh = plsc.VectorSubcoreMesh(core_axis_name="c", subcore_axis_name="s")
    f = pl.kernel(
        _sc_body,
        out_type=jax.ShapeDtypeStruct((_ROWS, _D), jnp.float32),
        mesh=mesh,
        compiler_params=pltpu.CompilerParams(
            use_tc_tiling_on_sc=True, needs_layout_passes=False
        ),
        scratch_types=[
            pltpu.VMEM((_RPW,), jnp.int32),
            pltpu.VMEM(((_NPOS + 2) * _D,), jnp.float32),
            pltpu.VMEM((_CHUNK, _D), jnp.float32),
            pltpu.VMEM((_CHUNK, _D), jnp.float32),
            pltpu.SemaphoreType.DMA,
            pltpu.SemaphoreType.DMA,
            pltpu.SemaphoreType.DMA,
            pltpu.SemaphoreType.DMA,
            pltpu.SemaphoreType.DMA,
        ],
    )
    out = f(x, idx, tab)
    return out.reshape(_B, _L, _D)

# --- scband reference (transcript-rebuilt; emitter-appended) ---
"""Pipeline reference for scband-time-encoding-21517786153062 (READ-ONLY COPY).

The authoritative reference and input builder live on the scoring server;
editing this copy changes nothing except your own understanding.
"""

import jax, jax.numpy as jnp
import numpy as np

B, L, D = 4, 2048, 768
NUM_POS = 30

def setup_inputs(seed: int = 0) -> dict:
    key = jax.random.key(seed)
    k1, k2, k3 = jax.random.split(key, 3)
    inputs = jax.random.normal(k1, (B, L, D), dtype=jnp.float32)
    times = jax.random.randint(k2, (B, L), 0, NUM_POS, dtype=jnp.int64)
    pos_table = jax.random.normal(k3, (NUM_POS, D), dtype=jnp.float32) * 0.02
    return {"inputs": inputs, "times": times, "pos_table": pos_table}

def reference(inputs, times, pos_table):
    # embeddings = PositionalEmbedding(inputs, positions=times.long())
    # learned positional embedding with explicit positions -> plain table gather
    embeddings = jnp.take(pos_table, times.astype(jnp.int32), axis=0)  # [B, L, D]
    # inputs[:, 1:, :] = inputs[:, 1:, :] + embeddings[:, 1:, :]
    out = inputs.at[:, 1:, :].add(embeddings[:, 1:, :])
    return out

if __name__ == "__main__":
    import jax
    _d = setup_inputs()
    print(jax.jit(kernel)(*tuple(_d.values())))

</pallas_src>

<mosaic_0001>
#map = affine_map<(d0, d1) -> (0, 0)>
module attributes {stable_mosaic.version = 14 : i64} {
  func.func @_sc_body(%arg0: i32, %arg1: i32, %arg2: memref<8192x768xf32, #tpu.memory_space<hbm>>, %arg3: memref<4x2048xi32, #tpu.memory_space<hbm>>, %arg4: memref<30x768xf32, #tpu.memory_space<hbm>>, %arg5: memref<8192x768xf32, #tpu.memory_space<hbm>>, %arg6: memref<256xi32, #tpu.memory_space<vmem>>, %arg7: memref<24576xf32, #tpu.memory_space<vmem>>, %arg8: memref<64x768xf32, #tpu.memory_space<vmem>>, %arg9: memref<64x768xf32, #tpu.memory_space<vmem>>, %arg10: memref<!tpu.dma_semaphore, #tpu.memory_space<semaphore_mem>>, %arg11: memref<!tpu.dma_semaphore, #tpu.memory_space<semaphore_mem>>, %arg12: memref<!tpu.dma_semaphore, #tpu.memory_space<semaphore_mem>>, %arg13: memref<!tpu.dma_semaphore, #tpu.memory_space<semaphore_mem>>, %arg14: memref<!tpu.dma_semaphore, #tpu.memory_space<semaphore_mem>>) attributes {dimension_semantics = [#tpu.dimension_semantics<core_parallel>, #tpu.dimension_semantics<subcore_parallel>], iteration_bounds = array<i64: 2, 16>, scalar_prefetch = 0 : i64, scratch_operands = 9 : i64, tpu.core_type = #tpu.core_type<sc_vector_subcore>, window_params = [{transform_indices = #map}, {transform_indices = #map}, {transform_indices = #map}, {transform_indices = #map}]} {
    %mul3A = arith.constant 2 : i32
    %mul3A_0 = arith.muli %arg1, %mul3A : i32
    %add3A = arith.addi %mul3A_0, %arg0 : i32
    %mul3A_1 = arith.constant 256 : i32
    %mul3A_2 = arith.muli %add3A, %mul3A_1 : i32
    %iota3A = tpu.iota {dimensions = array<i32: 0>} : vector<16xi32>
    %add3A_3 = arith.constant 0 : i32
    %add3A_4 = arith.addi %mul3A_2, %add3A_3 : i32
    %dma_start3A = arith.constant 0 : i32
    %dma_start3A_5 = tpu.memref_slice %arg2[%add3A_4, %dma_start3A] : memref<8192x768xf32, #tpu.memory_space<hbm>> -> memref<64x768xf32, #tpu.memory_space<hbm>>
    %dma_start3A_6 = arith.constant 0 : i32
    %dma_start3A_7 = tpu.memref_slice %arg2[%add3A_4, %dma_start3A_6] : memref<8192x768xf32, #tpu.memory_space<hbm>> -> memref<64x768xf32, #tpu.memory_space<hbm>>
    tpu.enqueue_dma source(%dma_start3A_7 : memref<64x768xf32, #tpu.memory_space<hbm>>) target(%arg8 : memref<64x768xf32, #tpu.memory_space<vmem>>) target_semaphore(%arg10 : memref<!tpu.dma_semaphore, #tpu.memory_space<semaphore_mem>>)
    %dma_start3A_8 = arith.constant 0 : i32
    %dma_start3A_9 = arith.constant 0 : i32
    %dma_start3A_10 = tpu.memref_slice %arg7[%dma_start3A_9] : memref<24576xf32, #tpu.memory_space<vmem>> -> memref<768xf32, #tpu.memory_space<vmem>>
    %dma_start3A_11 = arith.constant 0 : i32
    %dma_start3A_12 = tpu.memref_slice %arg4[%dma_start3A_8, %dma_start3A_11] : memref<30x768xf32, #tpu.memory_space<hbm>> -> memref<1x768xf32, #tpu.memory_space<hbm>>
    %dma_start3A_13 = tpu.memref_squeeze %dma_start3A_12 : memref<1x768xf32, #tpu.memory_space<hbm>> -> memref<768xf32, #tpu.memory_space<hbm>>
    %dma_start3A_14 = arith.constant 0 : i32
    %dma_start3A_15 = tpu.memref_slice %arg7[%dma_start3A_14] : memref<24576xf32, #tpu.memory_space<vmem>> -> memref<768xf32, #tpu.memory_space<vmem>>
    %dma_start3A_16 = arith.constant 0 : i32
    %dma_start3A_17 = tpu.memref_slice %arg4[%dma_start3A_8, %dma_start3A_16] : memref<30x768xf32, #tpu.memory_space<hbm>> -> memref<1x768xf32, #tpu.memory_space<hbm>>
    %dma_start3A_18 = tpu.memref_squeeze %dma_start3A_17 : memref<1x768xf32, #tpu.memory_space<hbm>> -> memref<768xf32, #tpu.memory_space<hbm>>
    tpu.enqueue_dma source(%dma_start3A_18 : memref<768xf32, #tpu.memory_space<hbm>>) target(%dma_start3A_15 : memref<768xf32, #tpu.memory_space<vmem>>) target_semaphore(%arg14 : memref<!tpu.dma_semaphore, #tpu.memory_space<semaphore_mem>>)
    %dma_start3A_19 = arith.constant 1 : i32
    %dma_start3A_20 = arith.constant 768 : i32
    %dma_start3A_21 = tpu.memref_slice %arg7[%dma_start3A_20] : memref<24576xf32, #tpu.memory_space<vmem>> -> memref<768xf32, #tpu.memory_space<vmem>>
    %dma_start3A_22 = arith.constant 0 : i32
    %dma_start3A_23 = tpu.memref_slice %arg4[%dma_start3A_19, %dma_start3A_22] : memref<30x768xf32, #tpu.memory_space<hbm>> -> memref<1x768xf32, #tpu.memory_space<hbm>>
    %dma_start3A_24 = tpu.memref_squeeze %dma_start3A_23 : memref<1x768xf32, #tpu.memory_space<hbm>> -> memref<768xf32, #tpu.memory_space<hbm>>
    %dma_start3A_25 = arith.constant 768 : i32
    %dma_start3A_26 = tpu.memref_slice %arg7[%dma_start3A_25] : memref<24576xf32, #tpu.memory_space<vmem>> -> memref<768xf32, #tpu.memory_space<vmem>>
    %dma_start3A_27 = arith.constant 0 : i32
    %dma_start3A_28 = tpu.memref_slice %arg4[%dma_start3A_19, %dma_start3A_27] : memref<30x768xf32, #tpu.memory_space<hbm>> -> memref<1x768xf32, #tpu.memory_space<hbm>>
    %dma_start3A_29 = tpu.memref_squeeze %dma_start3A_28 : memref<1x768xf32, #tpu.memory_space<hbm>> -> memref<768xf32, #tpu.memory_space<hbm>>
    tpu.enqueue_dma source(%dma_start3A_29 : memref<768xf32, #tpu.memory_space<hbm>>) target(%dma_start3A_26 : memref<768xf32, #tpu.memory_space<vmem>>) target_semaphore(%arg14 : memref<!tpu.dma_semaphore, #tpu.memory_space<semaphore_mem>>)
    %dma_start3A_30 = arith.constant 2 : i32
    %dma_start3A_31 = arith.constant 1536 : i32
    %dma_start3A_32 = tpu.memref_slice %arg7[%dma_start3A_31] : memref<24576xf32, #tpu.memory_space<vmem>> -> memref<768xf32, #tpu.memory_space<vmem>>
    %dma_start3A_33 = arith.constant 0 : i32
    %dma_start3A_34 = tpu.memref_slice %arg4[%dma_start3A_30, %dma_start3A_33] : memref<30x768xf32, #tpu.memory_space<hbm>> -> memref<1x768xf32, #tpu.memory_space<hbm>>
    %dma_start3A_35 = tpu.memref_squeeze %dma_start3A_34 : memref<1x768xf32, #tpu.memory_space<hbm>> -> memref<768xf32, #tpu.memory_space<hbm>>
    %dma_start3A_36 = arith.constant 1536 : i32
    %dma_start3A_37 = tpu.memref_slice %arg7[%dma_start3A_36] : memref<24576xf32, #tpu.memory_space<vmem>> -> memref<768xf32, #tpu.memory_space<vmem>>
    %dma_start3A_38 = arith.constant 0 : i32
    %dma_start3A_39 = tpu.memref_slice %arg4[%dma_start3A_30, %dma_start3A_38] : memref<30x768xf32, #tpu.memory_space<hbm>> -> memref<1x768xf32, #tpu.memory_space<hbm>>
    %dma_start3A_40 = tpu.memref_squeeze %dma_start3A_39 : memref<1x768xf32, #tpu.memory_space<hbm>> -> memref<768xf32, #tpu.memory_space<hbm>>
    tpu.enqueue_dma source(%dma_start3A_40 : memref<768xf32, #tpu.memory_space<hbm>>) target(%dma_start3A_37 : memref<768xf32, #tpu.memory_space<vmem>>) target_semaphore(%arg14 : memref<!tpu.dma_semaphore, #tpu.memory_space<semaphore_mem>>)
    %dma_start3A_41 = arith.constant 3 : i32
    %dma_start3A_42 = arith.constant 2304 : i32
    %dma_start3A_43 = tpu.memref_slice %arg7[%dma_start3A_42] : memref<24576xf32, #tpu.memory_space<vmem>> -> memref<768xf32, #tpu.memory_space<vmem>>
    %dma_start3A_44 = arith.constant 0 : i32
    %dma_start3A_45 = tpu.memref_slice %arg4[%dma_start3A_41, %dma_start3A_44] : memref<30x768xf32, #tpu.memory_space<hbm>> -> memref<1x768xf32, #tpu.memory_space<hbm>>
    %dma_start3A_46 = tpu.memref_squeeze %dma_start3A_45 : memref<1x768xf32, #tpu.memory_space<hbm>> -> memref<768xf32, #tpu.memory_space<hbm>>
    %dma_start3A_47 = arith.constant 2304 : i32
    %dma_start3A_48 = tpu.memref_slice %arg7[%dma_start3A_47] : memref<24576xf32, #tpu.memory_space<vmem>> -> memref<768xf32, #tpu.memory_space<vmem>>
    %dma_start3A_49 = arith.constant 0 : i32
    %dma_start3A_50 = tpu.memref_slice %arg4[%dma_start3A_41, %dma_start3A_49] : memref<30x768xf32, #tpu.memory_space<hbm>> -> memref<1x768xf32, #tpu.memory_space<hbm>>
    %dma_start3A_51 = tpu.memref_squeeze %dma_start3A_50 : memref<1x768xf32, #tpu.memory_space<hbm>> -> memref<768xf32, #tpu.memory_space<hbm>>
    tpu.enqueue_dma source(%dma_start3A_51 : memref<768xf32, #tpu.memory_space<hbm>>) target(%dma_start3A_48 : memref<768xf32, #tpu.memory_space<vmem>>) target_semaphore(%arg14 : memref<!tpu.dma_semaphore, #tpu.memory_space<semaphore_mem>>)
    %dma_start3A_52 = arith.constant 4 : i32
    %dma_start3A_53 = arith.constant 3072 : i32
    %dma_start3A_54 = tpu.memref_slice %arg7[%dma_start3A_53] : memref<24576xf32, #tpu.memory_space<vmem>> -> memref<768xf32, #tpu.memory_space<vmem>>
    %dma_start3A_55 = arith.constant 0 : i32
    %dma_start3A_56 = tpu.memref_slice %arg4[%dma_start3A_52, %dma_start3A_55] : memref<30x768xf32, #tpu.memory_space<hbm>> -> memref<1x768xf32, #tpu.memory_space<hbm>>
    %dma_start3A_57 = tpu.memref_squeeze %dma_start3A_56 : memref<1x768xf32, #tpu.memory_space<hbm>> -> memref<768xf32, #tpu.memory_space<hbm>>
    %dma_start3A_58 = arith.constant 3072 : i32
    %dma_start3A_59 = tpu.memref_slice %arg7[%dma_start3A_58] : memref<24576xf32, #tpu.memory_space<vmem>> -> memref<768xf32, #tpu.memory_space<vmem>>
    %dma_start3A_60 = arith.constant 0 : i32
    %dma_start3A_61 = tpu.memref_slice %arg4[%dma_start3A_52, %dma_start3A_60] : memref<30x768xf32, #tpu.memory_space<hbm>> -> memref<1x768xf32, #tpu.memory_space<hbm>>
    %dma_start3A_62 = tpu.memref_squeeze %dma_start3A_61 : memref<1x768xf32, #tpu.memory_space<hbm>> -> memref<768xf32, #tpu.memory_space<hbm>>
    tpu.enqueue_dma source(%dma_start3A_62 : memref<768xf32, #tpu.memory_space<hbm>>) target(%dma_start3A_59 : memref<768xf32, #tpu.memory_space<vmem>>) target_semaphore(%arg14 : memref<!tpu.dma_semaphore, #tpu.memory_space<semaphore_mem>>)
    %dma_start3A_63 = arith.constant 5 : i32
    %dma_start3A_64 = arith.constant 3840 : i32
    %dma_start3A_65 = tpu.memref_slice %arg7[%dma_start3A_64] : memref<24576xf32, #tpu.memory_space<vmem>> -> memref<768xf32, #tpu.memory_space<vmem>>
    %dma_start3A_66 = arith.constant 0 : i32
    %dma_start3A_67 = tpu.memref_slice %arg4[%dma_start3A_63, %dma_start3A_66] : memref<30x768xf32, #tpu.memory_space<hbm>> -> memref<1x768xf32, #tpu.memory_space<hbm>>
    %dma_start3A_68 = tpu.memref_squeeze %dma_start3A_67 : memref<1x768xf32, #tpu.memory_space<hbm>> -> memref<768xf32, #tpu.memory_space<hbm>>
    %dma_start3A_69 = arith.constant 3840 : i32
    %dma_start3A_70 = tpu.memref_slice %arg7[%dma_start3A_69] : memref<24576xf32, #tpu.memory_space<vmem>> -> memref<768xf32, #tpu.memory_space<vmem>>
    %dma_start3A_71 = arith.constant 0 : i32
    %dma_start3A_72 = tpu.memref_slice %arg4[%dma_start3A_63, %dma_start3A_71] : memref<30x768xf32, #tpu.memory_space<hbm>> -> memref<1x768xf32, #tpu.memory_space<hbm>>
    %dma_start3A_73 = tpu.memref_squeeze %dma_start3A_72 : memref<1x768xf32, #tpu.memory_space<hbm>> -> memref<768xf32, #tpu.memory_space<hbm>>
    tpu.enqueue_dma source(%dma_start3A_73 : memref<768xf32, #tpu.memory_space<hbm>>) target(%dma_start3A_70 : memref<768xf32, #tpu.memory_space<vmem>>) target_semaphore(%arg14 : memref<!tpu.dma_semaphore, #tpu.memory_space<semaphore_mem>>)
    %dma_start3A_74 = arith.constant 6 : i32
    %dma_start3A_75 = arith.constant 4608 : i32
    %dma_start3A_76 = tpu.memref_slice %arg7[%dma_start3A_75] : memref<24576xf32, #tpu.memory_space<vmem>> -> memref<768xf32, #tpu.memory_space<vmem>>
    %dma_start3A_77 = arith.constant 0 : i32
    %dma_start3A_78 = tpu.memref_slice %arg4[%dma_start3A_74, %dma_start3A_77] : memref<30x768xf32, #tpu.memory_space<hbm>> -> memref<1x768xf32, #tpu.memory_space<hbm>>
    %dma_start3A_79 = tpu.memref_squeeze %dma_start3A_78 : memref<1x768xf32, #tpu.memory_space<hbm>> -> memref<768xf32, #tpu.memory_space<hbm>>
    %dma_start3A_80 = arith.constant 4608 : i32
    %dma_start3A_81 = tpu.memref_slice %arg7[%dma_start3A_80] : memref<24576xf32, #tpu.memory_space<vmem>> -> memref<768xf32, #tpu.memory_space<vmem>>
    %dma_start3A_82 = arith.constant 0 : i32
    %dma_start3A_83 = tpu.memref_slice %arg4[%dma_start3A_74, %dma_start3A_82] : memref<30x768xf32, #tpu.memory_space<hbm>> -> memref<1x768xf32, #tpu.memory_space<hbm>>
    %dma_start3A_84 = tpu.memref_squeeze %dma_start3A_83 : memref<1x768xf32, #tpu.memory_space<hbm>> -> memref<768xf32, #tpu.memory_space<hbm>>
    tpu.enqueue_dma source(%dma_start3A_84 : memref<768xf32, #tpu.memory_space<hbm>>) target(%dma_start3A_81 : memref<768xf32, #tpu.memory_space<vmem>>) target_semaphore(%arg14 : memref<!tpu.dma_semaphore, #tpu.memory_space<semaphore_mem>>)
    %dma_start3A_85 = arith.constant 7 : i32
    %dma_start3A_86 = arith.constant 5376 : i32
    %dma_start3A_87 = tpu.memref_slice %arg7[%dma_start3A_86] : memref<24576xf32, #tpu.memory_space<vmem>> -> memref<768xf32, #tpu.memory_space<vmem>>
    %dma_start3A_88 = arith.constant 0 : i32
    %dma_start3A_89 = tpu.memref_slice %arg4[%dma_start3A_85, %dma_start3A_88] : memref<30x768xf32, #tpu.memory_space<hbm>> -> memref<1x768xf32, #tpu.memory_space<hbm>>
    %dma_start3A_90 = tpu.memref_squeeze %dma_start3A_89 : memref<1x768xf32, #tpu.memory_space<hbm>> -> memref<768xf32, #tpu.memory_space<hbm>>
    %dma_start3A_91 = arith.constant 5376 : i32
    %dma_start3A_92 = tpu.memref_slice %arg7[%dma_start3A_91] : memref<24576xf32, #tpu.memory_space<vmem>> -> memref<768xf32, #tpu.memory_space<vmem>>
    %dma_start3A_93 = arith.constant 0 : i32
    %dma_start3A_94 = tpu.memref_slice %arg4[%dma_start3A_85, %dma_start3A_93] : memref<30x768xf32, #tpu.memory_space<hbm>> -> memref<1x768xf32, #tpu.memory_space<hbm>>
    %dma_start3A_95 = tpu.memref_squeeze %dma_start3A_94 : memref<1x768xf32, #tpu.memory_space<hbm>> -> memref<768xf32, #tpu.memory_space<hbm>>
    tpu.enqueue_dma source(%dma_start3A_95 : memref<768xf32, #tpu.memory_space<hbm>>) target(%dma_start3A_92 : memref<768xf32, #tpu.memory_space<vmem>>) target_semaphore(%arg14 : memref<!tpu.dma_semaphore, #tpu.memory_space<semaphore_mem>>)
    %dma_start3A_96 = arith.constant 8 : i32
    %dma_start3A_97 = arith.constant 6144 : i32
    %dma_start3A_98 = tpu.memref_slice %arg7[%dma_start3A_97] : memref<24576xf32, #tpu.memory_space<vmem>> -> memref<768xf32, #tpu.memory_space<vmem>>
    %dma_start3A_99 = arith.constant 0 : i32
    %dma_start3A_100 = tpu.memref_slice %arg4[%dma_start3A_96, %dma_start3A_99] : memref<30x768xf32, #tpu.memory_space<hbm>> -> memref<1x768xf32, #tpu.memory_space<hbm>>
    %dma_start3A_101 = tpu.memref_squeeze %dma_start3A_100 : memref<1x768xf32, #tpu.memory_space<hbm>> -> memref<768xf32, #tpu.memory_space<hbm>>
    %dma_start3A_102 = arith.constant 6144 : i32
    %dma_start3A_103 = tpu.memref_slice %arg7[%dma_start3A_102] : memref<24576xf32, #tpu.memory_space<vmem>> -> memref<768xf32, #tpu.memory_space<vmem>>
    %dma_start3A_104 = arith.constant 0 : i32
    %dma_start3A_105 = tpu.memref_slice %arg4[%dma_start3A_96, %dma_start3A_104] : memref<30x768xf32, #tpu.memory_space<hbm>> -> memref<1x768xf32, #tpu.memory_space<hbm>>
    %dma_start3A_106 = tpu.memref_squeeze %dma_start3A_105 : memref<1x768xf32, #tpu.memory_space<hbm>> -> memref<768xf32, #tpu.memory_space<hbm>>
    tpu.enqueue_dma source(%dma_start3A_106 : memref<768xf32, #tpu.memory_space<hbm>>) target(%dma_start3A_103 : memref<768xf32, #tpu.memory_space<vmem>>) target_semaphore(%arg14 : memref<!tpu.dma_semaphore, #tpu.memory_space<semaphore_mem>>)
    %dma_start3A_107 = arith.constant 9 : i32
    %dma_start3A_108 = arith.constant 6912 : i32
    %dma_start3A_109 = tpu.memref_slice %arg7[%dma_start3A_108] : memref<24576xf32, #tpu.memory_space<vmem>> -> memref<768xf32, #tpu.memory_space<vmem>>
    %dma_start3A_110 = arith.constant 0 : i32
    %dma_start3A_111 = tpu.memref_slice %arg4[%dma_start3A_107, %dma_start3A_110] : memref<30x768xf32, #tpu.memory_space<hbm>> -> memref<1x768xf32, #tpu.memory_space<hbm>>
    %dma_start3A_112 = tpu.memref_squeeze %dma_start3A_111 : memref<1x768xf32, #tpu.memory_space<hbm>> -> memref<768xf32, #tpu.memory_space<hbm>>
    %dma_start3A_113 = arith.constant 6912 : i32
    %dma_start3A_114 = tpu.memref_slice %arg7[%dma_start3A_113] : memref<24576xf32, #tpu.memory_space<vmem>> -> memref<768xf32, #tpu.memory_space<vmem>>
    %dma_start3A_115 = arith.constant 0 : i32
    %dma_start3A_116 = tpu.memref_slice %arg4[%dma_start3A_107, %dma_start3A_115] : memref<30x768xf32, #tpu.memory_space<hbm>> -> memref<1x768xf32, #tpu.memory_space<hbm>>
    %dma_start3A_117 = tpu.memref_squeeze %dma_start3A_116 : memref<1x768xf32, #tpu.memory_space<hbm>> -> memref<768xf32, #tpu.memory_space<hbm>>
    tpu.enqueue_dma source(%dma_start3A_117 : memref<768xf32, #tpu.memory_space<hbm>>) target(%dma_start3A_114 : memref<768xf32, #tpu.memory_space<vmem>>) target_semaphore(%arg14 : memref<!tpu.dma_semaphore, #tpu.memory_space<semaphore_mem>>)
    %dma_start3A_118 = arith.constant 10 : i32
    %dma_start3A_119 = arith.constant 7680 : i32
    %dma_start3A_120 = tpu.memref_slice %arg7[%dma_start3A_119] : memref<24576xf32, #tpu.memory_space<vmem>> -> memref<768xf32, #tpu.memory_space<vmem>>
    %dma_start3A_121 = arith.constant 0 : i32
    %dma_start3A_122 = tpu.memref_slice %arg4[%dma_start3A_118, %dma_start3A_121] : memref<30x768xf32, #tpu.memory_space<hbm>> -> memref<1x768xf32, #tpu.memory_space<hbm>>
    %dma_start3A_123 = tpu.memref_squeeze %dma_start3A_122 : memref<1x768xf32, #tpu.memory_space<hbm>> -> memref<768xf32, #tpu.memory_space<hbm>>
    %dma_start3A_124 = arith.constant 7680 : i32
    %dma_start3A_125 = tpu.memref_slice %arg7[%dma_start3A_124] : memref<24576xf32, #tpu.memory_space<vmem>> -> memref<768xf32, #tpu.memory_space<vmem>>
    %dma_start3A_126 = arith.constant 0 : i32
    %dma_start3A_127 = tpu.memref_slice %arg4[%dma_start3A_118, %dma_start3A_126] : memref<30x768xf32, #tpu.memory_space<hbm>> -> memref<1x768xf32, #tpu.memory_space<hbm>>
    %dma_start3A_128 = tpu.memref_squeeze %dma_start3A_127 : memref<1x768xf32, #tpu.memory_space<hbm>> -> memref<768xf32, #tpu.memory_space<hbm>>
    tpu.enqueue_dma source(%dma_start3A_128 : memref<768xf32, #tpu.memory_space<hbm>>) target(%dma_start3A_125 : memref<768xf32, #tpu.memory_space<vmem>>) target_semaphore(%arg14 : memref<!tpu.dma_semaphore, #tpu.memory_space<semaphore_mem>>)
    %dma_start3A_129 = arith.constant 11 : i32
    %dma_start3A_130 = arith.constant 8448 : i32
    %dma_start3A_131 = tpu.memref_slice %arg7[%dma_start3A_130] : memref<24576xf32, #tpu.memory_space<vmem>> -> memref<768xf32, #tpu.memory_space<vmem>>
    %dma_start3A_132 = arith.constant 0 : i32
    %dma_start3A_133 = tpu.memref_slice %arg4[%dma_start3A_129, %dma_start3A_132] : memref<30x768xf32, #tpu.memory_space<hbm>> -> memref<1x768xf32, #tpu.memory_space<hbm>>
    %dma_start3A_134 = tpu.memref_squeeze %dma_start3A_133 : memref<1x768xf32, #tpu.memory_space<hbm>> -> memref<768xf32, #tpu.memory_space<hbm>>
    %dma_start3A_135 = arith.constant 8448 : i32
    %dma_start3A_136 = tpu.memref_slice %arg7[%dma_start3A_135] : memref<24576xf32, #tpu.memory_space<vmem>> -> memref<768xf32, #tpu.memory_space<vmem>>
    %dma_start3A_137 = arith.constant 0 : i32
    %dma_start3A_138 = tpu.memref_slice %arg4[%dma_start3A_129, %dma_start3A_137] : memref<30x768xf32, #tpu.memory_space<hbm>> -> memref<1x768xf32, #tpu.memory_space<hbm>>
    %dma_start3A_139 = tpu.memref_squeeze %dma_start3A_138 : memref<1x768xf32, #tpu.memory_space<hbm>> -> memref<768xf32, #tpu.memory_space<hbm>>
    tpu.enqueue_dma source(%dma_start3A_139 : memref<768xf32, #tpu.memory_space<hbm>>) target(%dma_start3A_136 : memref<768xf32, #tpu.memory_space<vmem>>) target_semaphore(%arg14 : memref<!tpu.dma_semaphore, #tpu.memory_space<semaphore_mem>>)
    %dma_start3A_140 = arith.constant 12 : i32
    %dma_start3A_141 = arith.constant 9216 : i32
    %dma_start3A_142 = tpu.memref_slice %arg7[%dma_start3A_141] : memref<24576xf32, #tpu.memory_space<vmem>> -> memref<768xf32, #tpu.memory_space<vmem>>
    %dma_start3A_143 = arith.constant 0 : i32
    %dma_start3A_144 = tpu.memref_slice %arg4[%dma_start3A_140, %dma_start3A_143] : memref<30x768xf32, #tpu.memory_space<hbm>> -> memref<1x768xf32, #tpu.memory_space<hbm>>
    %dma_start3A_145 = tpu.memref_squeeze %dma_start3A_144 : memref<1x768xf32, #tpu.memory_space<hbm>> -> memref<768xf32, #tpu.memory_space<hbm>>
    %dma_start3A_146 = arith.constant 9216 : i32
    %dma_start3A_147 = tpu.memref_slice %arg7[%dma_start3A_146] : memref<24576xf32, #tpu.memory_space<vmem>> -> memref<768xf32, #tpu.memory_space<vmem>>
    %dma_start3A_148 = arith.constant 0 : i32
    %dma_start3A_149 = tpu.memref_slice %arg4[%dma_start3A_140, %dma_start3A_148] : memref<30x768xf32, #tpu.memory_space<hbm>> -> memref<1x768xf32, #tpu.memory_space<hbm>>
    %dma_start3A_150 = tpu.memref_squeeze %dma_start3A_149 : memref<1x768xf32, #tpu.memory_space<hbm>> -> memref<768xf32, #tpu.memory_space<hbm>>
    tpu.enqueue_dma source(%dma_start3A_150 : memref<768xf32, #tpu.memory_space<hbm>>) target(%dma_start3A_147 : memref<768xf32, #tpu.memory_space<vmem>>) target_semaphore(%arg14 : memref<!tpu.dma_semaphore, #tpu.memory_space<semaphore_mem>>)
    %dma_start3A_151 = arith.constant 13 : i32
    %dma_start3A_152 = arith.constant 9984 : i32
    %dma_start3A_153 = tpu.memref_slice %arg7[%dma_start3A_152] : memref<24576xf32, #tpu.memory_space<vmem>> -> memref<768xf32, #tpu.memory_space<vmem>>
    %dma_start3A_154 = arith.constant 0 : i32
    %dma_start3A_155 = tpu.memref_slice %arg4[%dma_start3A_151, %dma_start3A_154] : memref<30x768xf32, #tpu.memory_space<hbm>> -> memref<1x768xf32, #tpu.memory_space<hbm>>
    %dma_start3A_156 = tpu.memref_squeeze %dma_start3A_155 : memref<1x768xf32, #tpu.memory_space<hbm>> -> memref<768xf32, #tpu.memory_space<hbm>>
    %dma_start3A_157 = arith.constant 9984 : i32
    %dma_start3A_158 = tpu.memref_slice %arg7[%dma_start3A_157] : memref<24576xf32, #tpu.memory_space<vmem>> -> memref<768xf32, #tpu.memory_space<vmem>>
    %dma_start3A_159 = arith.constant 0 : i32
    %dma_start3A_160 = tpu.memref_slice %arg4[%dma_start3A_151, %dma_start3A_159] : memref<30x768xf32, #tpu.memory_space<hbm>> -> memref<1x768xf32, #tpu.memory_space<hbm>>
    %dma_start3A_161 = tpu.memref_squeeze %dma_start3A_160 : memref<1x768xf32, #tpu.memory_space<hbm>> -> memref<768xf32, #tpu.memory_space<hbm>>
    tpu.enqueue_dma source(%dma_start3A_161 : memref<768xf32, #tpu.memory_space<hbm>>) target(%dma_start3A_158 : memref<768xf32, #tpu.memory_space<vmem>>) target_semaphore(%arg14 : memref<!tpu.dma_semaphore, #tpu.memory_space<semaphore_mem>>)
    %dma_start3A_162 = arith.constant 14 : i32
    %dma_start3A_163 = arith.constant 10752 : i32
    %dma_start3A_164 = tpu.memref_slice %arg7[%dma_start3A_163] : memref<24576xf32, #tpu.memory_space<vmem>> -> memref<768xf32, #tpu.memory_space<vmem>>
    %dma_start3A_165 = arith.constant 0 : i32
    %dma_start3A_166 = tpu.memref_slice %arg4[%dma_start3A_162, %dma_start3A_165] : memref<30x768xf32, #tpu.memory_space<hbm>> -> memref<1x768xf32, #tpu.memory_space<hbm>>
    %dma_start3A_167 = tpu.memref_squeeze %dma_start3A_166 : memref<1x768xf32, #tpu.memory_space<hbm>> -> memref<768xf32, #tpu.memory_space<hbm>>
    %dma_start3A_168 = arith.constant 10752 : i32
    %dma_start3A_169 = tpu.memref_slice %arg7[%dma_start3A_168] : memref<24576xf32, #tpu.memory_space<vmem>> -> memref<768xf32, #tpu.memory_space<vmem>>
    %dma_start3A_170 = arith.constant 0 : i32
    %dma_start3A_171 = tpu.memref_slice %arg4[%dma_start3A_162, %dma_start3A_170] : memref<30x768xf32, #tpu.memory_space<hbm>> -> memref<1x768xf32, #tpu.memory_space<hbm>>
    %dma_start3A_172 = tpu.memref_squeeze %dma_start3A_171 : memref<1x768xf32, #tpu.memory_space<hbm>> -> memref<768xf32, #tpu.memory_space<hbm>>
    tpu.enqueue_dma source(%dma_start3A_172 : memref<768xf32, #tpu.memory_space<hbm>>) target(%dma_start3A_169 : memref<768xf32, #tpu.memory_space<vmem>>) target_semaphore(%arg14 : memref<!tpu.dma_semaphore, #tpu.memory_space<semaphore_mem>>)
    %dma_start3A_173 = arith.constant 15 : i32
    %dma_start3A_174 = arith.constant 11520 : i32
    %dma_start3A_175 = tpu.memref_slice %arg7[%dma_start3A_174] : memref<24576xf32, #tpu.memory_space<vmem>> -> memref<768xf32, #tpu.memory_space<vmem>>
    %dma_start3A_176 = arith.constant 0 : i32
    %dma_start3A_177 = tpu.memref_slice %arg4[%dma_start3A_173, %dma_start3A_176] : memref<30x768xf32, #tpu.memory_space<hbm>> -> memref<1x768xf32, #tpu.memory_space<hbm>>
    %dma_start3A_178 = tpu.memref_squeeze %dma_start3A_177 : memref<1x768xf32, #tpu.memory_space<hbm>> -> memref<768xf32, #tpu.memory_space<hbm>>
    %dma_start3A_179 = arith.constant 11520 : i32
    %dma_start3A_180 = tpu.memref_slice %arg7[%dma_start3A_179] : memref<24576xf32, #tpu.memory_space<vmem>> -> memref<768xf32, #tpu.memory_space<vmem>>
    %dma_start3A_181 = arith.constant 0 : i32
    %dma_start3A_182 = tpu.memref_slice %arg4[%dma_start3A_173, %dma_start3A_181] : memref<30x768xf32, #tpu.memory_space<hbm>> -> memref<1x768xf32, #tpu.memory_space<hbm>>
    %dma_start3A_183 = tpu.memref_squeeze %dma_start3A_182 : memref<1x768xf32, #tpu.memory_space<hbm>> -> memref<768xf32, #tpu.memory_space<hbm>>
    tpu.enqueue_dma source(%dma_start3A_183 : memref<768xf32, #tpu.memory_space<hbm>>) target(%dma_start3A_180 : memref<768xf32, #tpu.memory_space<vmem>>) target_semaphore(%arg14 : memref<!tpu.dma_semaphore, #tpu.memory_space<semaphore_mem>>)
    %dma_start3A_184 = arith.constant 16 : i32
    %dma_start3A_185 = arith.constant 12288 : i32
    %dma_start3A_186 = tpu.memref_slice %arg7[%dma_start3A_185] : memref<24576xf32, #tpu.memory_space<vmem>> -> memref<768xf32, #tpu.memory_space<vmem>>
    %dma_start3A_187 = arith.constant 0 : i32
    %dma_start3A_188 = tpu.memref_slice %arg4[%dma_start3A_184, %dma_start3A_187] : memref<30x768xf32, #tpu.memory_space<hbm>> -> memref<1x768xf32, #tpu.memory_space<hbm>>
    %dma_start3A_189 = tpu.memref_squeeze %dma_start3A_188 : memref<1x768xf32, #tpu.memory_space<hbm>> -> memref<768xf32, #tpu.memory_space<hbm>>
    %dma_start3A_190 = arith.constant 12288 : i32
    %dma_start3A_191 = tpu.memref_slice %arg7[%dma_start3A_190] : memref<24576xf32, #tpu.memory_space<vmem>> -> memref<768xf32, #tpu.memory_space<vmem>>
    %dma_start3A_192 = arith.constant 0 : i32
    %dma_start3A_193 = tpu.memref_slice %arg4[%dma_start3A_184, %dma_start3A_192] : memref<30x768xf32, #tpu.memory_space<hbm>> -> memref<1x768xf32, #tpu.memory_space<hbm>>
    %dma_start3A_194 = tpu.memref_squeeze %dma_start3A_193 : memref<1x768xf32, #tpu.memory_space<hbm>> -> memref<768xf32, #tpu.memory_space<hbm>>
    tpu.enqueue_dma source(%dma_start3A_194 : memref<768xf32, #tpu.memory_space<hbm>>) target(%dma_start3A_191 : memref<768xf32, #tpu.memory_space<vmem>>) target_semaphore(%arg14 : memref<!tpu.dma_semaphore, #tpu.memory_space<semaphore_mem>>)
    %dma_start3A_195 = arith.constant 17 : i32
    %dma_start3A_196 = arith.constant 13056 : i32
    %dma_start3A_197 = tpu.memref_slice %arg7[%dma_start3A_196] : memref<24576xf32, #tpu.memory_space<vmem>> -> memref<768xf32, #tpu.memory_space<vmem>>
    %dma_start3A_198 = arith.constant 0 : i32
    %dma_start3A_199 = tpu.memref_slice %arg4[%dma_start3A_195, %dma_start3A_198] : memref<30x768xf32, #tpu.memory_space<hbm>> -> memref<1x768xf32, #tpu.memory_space<hbm>>
    %dma_start3A_200 = tpu.memref_squeeze %dma_start3A_199 : memref<1x768xf32, #tpu.memory_space<hbm>> -> memref<768xf32, #tpu.memory_space<hbm>>
    %dma_start3A_201 = arith.constant 13056 : i32
    %dma_start3A_202 = tpu.memref_slice %arg7[%dma_start3A_201] : memref<24576xf32, #tpu.memory_space<vmem>> -> memref<768xf32, #tpu.memory_space<vmem>>
    %dma_start3A_203 = arith.constant 0 : i32
    %dma_start3A_204 = tpu.memref_slice %arg4[%dma_start3A_195, %dma_start3A_203] : memref<30x768xf32, #tpu.memory_space<hbm>> -> memref<1x768xf32, #tpu.memory_space<hbm>>
    %dma_start3A_205 = tpu.memref_squeeze %dma_start3A_204 : memref<1x768xf32, #tpu.memory_space<hbm>> -> memref<768xf32, #tpu.memory_space<hbm>>
    tpu.enqueue_dma source(%dma_start3A_205 : memref<768xf32, #tpu.memory_space<hbm>>) target(%dma_start3A_202 : memref<768xf32, #tpu.memory_space<vmem>>) target_semaphore(%arg14 : memref<!tpu.dma_semaphore, #tpu.memory_space<semaphore_mem>>)
    %dma_start3A_206 = arith.constant 18 : i32
    %dma_start3A_207 = arith.constant 13824 : i32
    %dma_start3A_208 = tpu.memref_slice %arg7[%dma_start3A_207] : memref<24576xf32, #tpu.memory_space<vmem>> -> memref<768xf32, #tpu.memory_space<vmem>>
    %dma_start3A_209 = arith.constant 0 : i32
    %dma_start3A_210 = tpu.memref_slice %arg4[%dma_start3A_206, %dma_start3A_209] : memref<30x768xf32, #tpu.memory_space<hbm>> -> memref<1x768xf32, #tpu.memory_space<hbm>>
    %dma_start3A_211 = tpu.memref_squeeze %dma_start3A_210 : memref<1x768xf32, #tpu.memory_space<hbm>> -> memref<768xf32, #tpu.memory_space<hbm>>
    %dma_start3A_212 = arith.constant 13824 : i32
    %dma_start3A_213 = tpu.memref_slice %arg7[%dma_start3A_212] : memref<24576xf32, #tpu.memory_space<vmem>> -> memref<768xf32, #tpu.memory_space<vmem>>
    %dma_start3A_214 = arith.constant 0 : i32
    %dma_start3A_215 = tpu.memref_slice %arg4[%dma_start3A_206, %dma_start3A_214] : memref<30x768xf32, #tpu.memory_space<hbm>> -> memref<1x768xf32, #tpu.memory_space<hbm>>
    %dma_start3A_216 = tpu.memref_squeeze %dma_start3A_215 : memref<1x768xf32, #tpu.memory_space<hbm>> -> memref<768xf32, #tpu.memory_space<hbm>>
    tpu.enqueue_dma source(%dma_start3A_216 : memref<768xf32, #tpu.memory_space<hbm>>) target(%dma_start3A_213 : memref<768xf32, #tpu.memory_space<vmem>>) target_semaphore(%arg14 : memref<!tpu.dma_semaphore, #tpu.memory_space<semaphore_mem>>)
    %dma_start3A_217 = arith.constant 19 : i32
    %dma_start3A_218 = arith.constant 14592 : i32
    %dma_start3A_219 = tpu.memref_slice %arg7[%dma_start3A_218] : memref<24576xf32, #tpu.memory_space<vmem>> -> memref<768xf32, #tpu.memory_space<vmem>>
    %dma_start3A_220 = arith.constant 0 : i32
    %dma_start3A_221 = tpu.memref_slice %arg4[%dma_start3A_217, %dma_start3A_220] : memref<30x768xf32, #tpu.memory_space<hbm>> -> memref<1x768xf32, #tpu.memory_space<hbm>>
    %dma_start3A_222 = tpu.memref_squeeze %dma_start3A_221 : memref<1x768xf32, #tpu.memory_space<hbm>> -> memref<768xf32, #tpu.memory_space<hbm>>
    %dma_start3A_223 = arith.constant 14592 : i32
    %dma_start3A_224 = tpu.memref_slice %arg7[%dma_start3A_223] : memref<24576xf32, #tpu.memory_space<vmem>> -> memref<768xf32, #tpu.memory_space<vmem>>
    %dma_start3A_225 = arith.constant 0 : i32
    %dma_start3A_226 = tpu.memref_slice %arg4[%dma_start3A_217, %dma_start3A_225] : memref<30x768xf32, #tpu.memory_space<hbm>> -> memref<1x768xf32, #tpu.memory_space<hbm>>
    %dma_start3A_227 = tpu.memref_squeeze %dma_start3A_226 : memref<1x768xf32, #tpu.memory_space<hbm>> -> memref<768xf32, #tpu.memory_space<hbm>>
    tpu.enqueue_dma source(%dma_start3A_227 : memref<768xf32, #tpu.memory_space<hbm>>) target(%dma_start3A_224 : memref<768xf32, #tpu.memory_space<vmem>>) target_semaphore(%arg14 : memref<!tpu.dma_semaphore, #tpu.memory_space<semaphore_mem>>)
    %dma_start3A_228 = arith.constant 20 : i32
    %dma_start3A_229 = arith.constant 15360 : i32
    %dma_start3A_230 = tpu.memref_slice %arg7[%dma_start3A_229] : memref<24576xf32, #tpu.memory_space<vmem>> -> memref<768xf32, #tpu.memory_space<vmem>>
    %dma_start3A_231 = arith.constant 0 : i32
    %dma_start3A_232 = tpu.memref_slice %arg4[%dma_start3A_228, %dma_start3A_231] : memref<30x768xf32, #tpu.memory_space<hbm>> -> memref<1x768xf32, #tpu.memory_space<hbm>>
    %dma_start3A_233 = tpu.memref_squeeze %dma_start3A_232 : memref<1x768xf32, #tpu.memory_space<hbm>> -> memref<768xf32, #tpu.memory_space<hbm>>
    %dma_start3A_234 = arith.constant 15360 : i32
    %dma_start3A_235 = tpu.memref_slice %arg7[%dma_start3A_234] : memref<24576xf32, #tpu.memory_space<vmem>> -> memref<768xf32, #tpu.memory_space<vmem>>
    %dma_start3A_236 = arith.constant 0 : i32
    %dma_start3A_237 = tpu.memref_slice %arg4[%dma_start3A_228, %dma_start3A_236] : memref<30x768xf32, #tpu.memory_space<hbm>> -> memref<1x768xf32, #tpu.memory_space<hbm>>
    %dma_start3A_238 = tpu.memref_squeeze %dma_start3A_237 : memref<1x768xf32, #tpu.memory_space<hbm>> -> memref<768xf32, #tpu.memory_space<hbm>>
    tpu.enqueue_dma source(%dma_start3A_238 : memref<768xf32, #tpu.memory_space<hbm>>) target(%dma_start3A_235 : memref<768xf32, #tpu.memory_space<vmem>>) target_semaphore(%arg14 : memref<!tpu.dma_semaphore, #tpu.memory_space<semaphore_mem>>)
    %dma_start3A_239 = arith.constant 21 : i32
    %dma_start3A_240 = arith.constant 16128 : i32
    %dma_start3A_241 = tpu.memref_slice %arg7[%dma_start3A_240] : memref<24576xf32, #tpu.memory_space<vmem>> -> memref<768xf32, #tpu.memory_space<vmem>>
    %dma_start3A_242 = arith.constant 0 : i32
    %dma_start3A_243 = tpu.memref_slice %arg4[%dma_start3A_239, %dma_start3A_242] : memref<30x768xf32, #tpu.memory_space<hbm>> -> memref<1x768xf32, #tpu.memory_space<hbm>>
    %dma_start3A_244 = tpu.memref_squeeze %dma_start3A_243 : memref<1x768xf32, #tpu.memory_space<hbm>> -> memref<768xf32, #tpu.memory_space<hbm>>
    %dma_start3A_245 = arith.constant 16128 : i32
    %dma_start3A_246 = tpu.memref_slice %arg7[%dma_start3A_245] : memref<24576xf32, #tpu.memory_space<vmem>> -> memref<768xf32, #tpu.memory_space<vmem>>
    %dma_start3A_247 = arith.constant 0 : i32
    %dma_start3A_248 = tpu.memref_slice %arg4[%dma_start3A_239, %dma_start3A_247] : memref<30x768xf32, #tpu.memory_space<hbm>> -> memref<1x768xf32, #tpu.memory_space<hbm>>
    %dma_start3A_249 = tpu.memref_squeeze %dma_start3A_248 : memref<1x768xf32, #tpu.memory_space<hbm>> -> memref<768xf32, #tpu.memory_space<hbm>>
    tpu.enqueue_dma source(%dma_start3A_249 : memref<768xf32, #tpu.memory_space<hbm>>) target(%dma_start3A_246 : memref<768xf32, #tpu.memory_space<vmem>>) target_semaphore(%arg14 : memref<!tpu.dma_semaphore, #tpu.memory_space<semaphore_mem>>)
    %dma_start3A_250 = arith.constant 22 : i32
    %dma_start3A_251 = arith.constant 16896 : i32
    %dma_start3A_252 = tpu.memref_slice %arg7[%dma_start3A_251] : memref<24576xf32, #tpu.memory_space<vmem>> -> memref<768xf32, #tpu.memory_space<vmem>>
    %dma_start3A_253 = arith.constant 0 : i32
    %dma_start3A_254 = tpu.memref_slice %arg4[%dma_start3A_250, %dma_start3A_253] : memref<30x768xf32, #tpu.memory_space<hbm>> -> memref<1x768xf32, #tpu.memory_space<hbm>>
    %dma_start3A_255 = tpu.memref_squeeze %dma_start3A_254 : memref<1x768xf32, #tpu.memory_space<hbm>> -> memref<768xf32, #tpu.memory_space<hbm>>
    %dma_start3A_256 = arith.constant 16896 : i32
    %dma_start3A_257 = tpu.memref_slice %arg7[%dma_start3A_256] : memref<24576xf32, #tpu.memory_space<vmem>> -> memref<768xf32, #tpu.memory_space<vmem>>
    %dma_start3A_258 = arith.constant 0 : i32
    %dma_start3A_259 = tpu.memref_slice %arg4[%dma_start3A_250, %dma_start3A_258] : memref<30x768xf32, #tpu.memory_space<hbm>> -> memref<1x768xf32, #tpu.memory_space<hbm>>
    %dma_start3A_260 = tpu.memref_squeeze %dma_start3A_259 : memref<1x768xf32, #tpu.memory_space<hbm>> -> memref<768xf32, #tpu.memory_space<hbm>>
    tpu.enqueue_dma source(%dma_start3A_260 : memref<768xf32, #tpu.memory_space<hbm>>) target(%dma_start3A_257 : memref<768xf32, #tpu.memory_space<vmem>>) target_semaphore(%arg14 : memref<!tpu.dma_semaphore, #tpu.memory_space<semaphore_mem>>)
    %dma_start3A_261 = arith.constant 23 : i32
    %dma_start3A_262 = arith.constant 17664 : i32
    %dma_start3A_263 = tpu.memref_slice %arg7[%dma_start3A_262] : memref<24576xf32, #tpu.memory_space<vmem>> -> memref<768xf32, #tpu.memory_space<vmem>>
    %dma_start3A_264 = arith.constant 0 : i32
    %dma_start3A_265 = tpu.memref_slice %arg4[%dma_start3A_261, %dma_start3A_264] : memref<30x768xf32, #tpu.memory_space<hbm>> -> memref<1x768xf32, #tpu.memory_space<hbm>>
    %dma_start3A_266 = tpu.memref_squeeze %dma_start3A_265 : memref<1x768xf32, #tpu.memory_space<hbm>> -> memref<768xf32, #tpu.memory_space<hbm>>
    %dma_start3A_267 = arith.constant 17664 : i32
    %dma_start3A_268 = tpu.memref_slice %arg7[%dma_start3A_267] : memref<24576xf32, #tpu.memory_space<vmem>> -> memref<768xf32, #tpu.memory_space<vmem>>
    %dma_start3A_269 = arith.constant 0 : i32
    %dma_start3A_270 = tpu.memref_slice %arg4[%dma_start3A_261, %dma_start3A_269] : memref<30x768xf32, #tpu.memory_space<hbm>> -> memref<1x768xf32, #tpu.memory_space<hbm>>
    %dma_start3A_271 = tpu.memref_squeeze %dma_start3A_270 : memref<1x768xf32, #tpu.memory_space<hbm>> -> memref<768xf32, #tpu.memory_space<hbm>>
    tpu.enqueue_dma source(%dma_start3A_271 : memref<768xf32, #tpu.memory_space<hbm>>) target(%dma_start3A_268 : memref<768xf32, #tpu.memory_space<vmem>>) target_semaphore(%arg14 : memref<!tpu.dma_semaphore, #tpu.memory_space<semaphore_mem>>)
    %dma_start3A_272 = arith.constant 24 : i32
    %dma_start3A_273 = arith.constant 18432 : i32
    %dma_start3A_274 = tpu.memref_slice %arg7[%dma_start3A_273] : memref<24576xf32, #tpu.memory_space<vmem>> -> memref<768xf32, #tpu.memory_space<vmem>>
    %dma_start3A_275 = arith.constant 0 : i32
    %dma_start3A_276 = tpu.memref_slice %arg4[%dma_start3A_272, %dma_start3A_275] : memref<30x768xf32, #tpu.memory_space<hbm>> -> memref<1x768xf32, #tpu.memory_space<hbm>>
    %dma_start3A_277 = tpu.memref_squeeze %dma_start3A_276 : memref<1x768xf32, #tpu.memory_space<hbm>> -> memref<768xf32, #tpu.memory_space<hbm>>
    %dma_start3A_278 = arith.constant 18432 : i32
    %dma_start3A_279 = tpu.memref_slice %arg7[%dma_start3A_278] : memref<24576xf32, #tpu.memory_space<vmem>> -> memref<768xf32, #tpu.memory_space<vmem>>
    %dma_start3A_280 = arith.constant 0 : i32
    %dma_start3A_281 = tpu.memref_slice %arg4[%dma_start3A_272, %dma_start3A_280] : memref<30x768xf32, #tpu.memory_space<hbm>> -> memref<1x768xf32, #tpu.memory_space<hbm>>
    %dma_start3A_282 = tpu.memref_squeeze %dma_start3A_281 : memref<1x768xf32, #tpu.memory_space<hbm>> -> memref<768xf32, #tpu.memory_space<hbm>>
    tpu.enqueue_dma source(%dma_start3A_282 : memref<768xf32, #tpu.memory_space<hbm>>) target(%dma_start3A_279 : memref<768xf32, #tpu.memory_space<vmem>>) target_semaphore(%arg14 : memref<!tpu.dma_semaphore, #tpu.memory_space<semaphore_mem>>)
    %dma_start3A_283 = arith.constant 25 : i32
    %dma_start3A_284 = arith.constant 19200 : i32
    %dma_start3A_285 = tpu.memref_slice %arg7[%dma_start3A_284] : memref<24576xf32, #tpu.memory_space<vmem>> -> memref<768xf32, #tpu.memory_space<vmem>>
    %dma_start3A_286 = arith.constant 0 : i32
    %dma_start3A_287 = tpu.memref_slice %arg4[%dma_start3A_283, %dma_start3A_286] : memref<30x768xf32, #tpu.memory_space<hbm>> -> memref<1x768xf32, #tpu.memory_space<hbm>>
    %dma_start3A_288 = tpu.memref_squeeze %dma_start3A_287 : memref<1x768xf32, #tpu.memory_space<hbm>> -> memref<768xf32, #tpu.memory_space<hbm>>
    %dma_start3A_289 = arith.constant 19200 : i32
    %dma_start3A_290 = tpu.memref_slice %arg7[%dma_start3A_289] : memref<24576xf32, #tpu.memory_space<vmem>> -> memref<768xf32, #tpu.memory_space<vmem>>
    %dma_start3A_291 = arith.constant 0 : i32
    %dma_start3A_292 = tpu.memref_slice %arg4[%dma_start3A_283, %dma_start3A_291] : memref<30x768xf32, #tpu.memory_space<hbm>> -> memref<1x768xf32, #tpu.memory_space<hbm>>
    %dma_start3A_293 = tpu.memref_squeeze %dma_start3A_292 : memref<1x768xf32, #tpu.memory_space<hbm>> -> memref<768xf32, #tpu.memory_space<hbm>>
    tpu.enqueue_dma source(%dma_start3A_293 : memref<768xf32, #tpu.memory_space<hbm>>) target(%dma_start3A_290 : memref<768xf32, #tpu.memory_space<vmem>>) target_semaphore(%arg14 : memref<!tpu.dma_semaphore, #tpu.memory_space<semaphore_mem>>)
    %dma_start3A_294 = arith.constant 26 : i32
    %dma_start3A_295 = arith.constant 19968 : i32
    %dma_start3A_296 = tpu.memref_slice %arg7[%dma_start3A_295] : memref<24576xf32, #tpu.memory_space<vmem>> -> memref<768xf32, #tpu.memory_space<vmem>>
    %dma_start3A_297 = arith.constant 0 : i32
    %dma_start3A_298 = tpu.memref_slice %arg4[%dma_start3A_294, %dma_start3A_297] : memref<30x768xf32, #tpu.memory_space<hbm>> -> memref<1x768xf32, #tpu.memory_space<hbm>>
    %dma_start3A_299 = tpu.memref_squeeze %dma_start3A_298 : memref<1x768xf32, #tpu.memory_space<hbm>> -> memref<768xf32, #tpu.memory_space<hbm>>
    %dma_start3A_300 = arith.constant 19968 : i32
    %dma_start3A_301 = tpu.memref_slice %arg7[%dma_start3A_300] : memref<24576xf32, #tpu.memory_space<vmem>> -> memref<768xf32, #tpu.memory_space<vmem>>
    %dma_start3A_302 = arith.constant 0 : i32
    %dma_start3A_303 = tpu.memref_slice %arg4[%dma_start3A_294, %dma_start3A_302] : memref<30x768xf32, #tpu.memory_space<hbm>> -> memref<1x768xf32, #tpu.memory_space<hbm>>
    %dma_start3A_304 = tpu.memref_squeeze %dma_start3A_303 : memref<1x768xf32, #tpu.memory_space<hbm>> -> memref<768xf32, #tpu.memory_space<hbm>>
    tpu.enqueue_dma source(%dma_start3A_304 : memref<768xf32, #tpu.memory_space<hbm>>) target(%dma_start3A_301 : memref<768xf32, #tpu.memory_space<vmem>>) target_semaphore(%arg14 : memref<!tpu.dma_semaphore, #tpu.memory_space<semaphore_mem>>)
    %dma_start3A_305 = arith.constant 27 : i32
    %dma_start3A_306 = arith.constant 20736 : i32
    %dma_start3A_307 = tpu.memref_slice %arg7[%dma_start3A_306] : memref<24576xf32, #tpu.memory_space<vmem>> -> memref<768xf32, #tpu.memory_space<vmem>>
    %dma_start3A_308 = arith.constant 0 : i32
    %dma_start3A_309 = tpu.memref_slice %arg4[%dma_start3A_305, %dma_start3A_308] : memref<30x768xf32, #tpu.memory_space<hbm>> -> memref<1x768xf32, #tpu.memory_space<hbm>>
    %dma_start3A_310 = tpu.memref_squeeze %dma_start3A_309 : memref<1x768xf32, #tpu.memory_space<hbm>> -> memref<768xf32, #tpu.memory_space<hbm>>
    %dma_start3A_311 = arith.constant 20736 : i32
    %dma_start3A_312 = tpu.memref_slice %arg7[%dma_start3A_311] : memref<24576xf32, #tpu.memory_space<vmem>> -> memref<768xf32, #tpu.memory_space<vmem>>
    %dma_start3A_313 = arith.constant 0 : i32
    %dma_start3A_314 = tpu.memref_slice %arg4[%dma_start3A_305, %dma_start3A_313] : memref<30x768xf32, #tpu.memory_space<hbm>> -> memref<1x768xf32, #tpu.memory_space<hbm>>
    %dma_start3A_315 = tpu.memref_squeeze %dma_start3A_314 : memref<1x768xf32, #tpu.memory_space<hbm>> -> memref<768xf32, #tpu.memory_space<hbm>>
    tpu.enqueue_dma source(%dma_start3A_315 : memref<768xf32, #tpu.memory_space<hbm>>) target(%dma_start3A_312 : memref<768xf32, #tpu.memory_space<vmem>>) target_semaphore(%arg14 : memref<!tpu.dma_semaphore, #tpu.memory_space<semaphore_mem>>)
    %dma_start3A_316 = arith.constant 28 : i32
    %dma_start3A_317 = arith.constant 21504 : i32
    %dma_start3A_318 = tpu.memref_slice %arg7[%dma_start3A_317] : memref<24576xf32, #tpu.memory_space<vmem>> -> memref<768xf32, #tpu.memory_space<vmem>>
    %dma_start3A_319 = arith.constant 0 : i32
    %dma_start3A_320 = tpu.memref_slice %arg4[%dma_start3A_316, %dma_start3A_319] : memref<30x768xf32, #tpu.memory_space<hbm>> -> memref<1x768xf32, #tpu.memory_space<hbm>>
    %dma_start3A_321 = tpu.memref_squeeze %dma_start3A_320 : memref<1x768xf32, #tpu.memory_space<hbm>> -> memref<768xf32, #tpu.memory_space<hbm>>
    %dma_start3A_322 = arith.constant 21504 : i32
    %dma_start3A_323 = tpu.memref_slice %arg7[%dma_start3A_322] : memref<24576xf32, #tpu.memory_space<vmem>> -> memref<768xf32, #tpu.memory_space<vmem>>
    %dma_start3A_324 = arith.constant 0 : i32
    %dma_start3A_325 = tpu.memref_slice %arg4[%dma_start3A_316, %dma_start3A_324] : memref<30x768xf32, #tpu.memory_space<hbm>> -> memref<1x768xf32, #tpu.memory_space<hbm>>
    %dma_start3A_326 = tpu.memref_squeeze %dma_start3A_325 : memref<1x768xf32, #tpu.memory_space<hbm>> -> memref<768xf32, #tpu.memory_space<hbm>>
    tpu.enqueue_dma source(%dma_start3A_326 : memref<768xf32, #tpu.memory_space<hbm>>) target(%dma_start3A_323 : memref<768xf32, #tpu.memory_space<vmem>>) target_semaphore(%arg14 : memref<!tpu.dma_semaphore, #tpu.memory_space<semaphore_mem>>)
    %dma_start3A_327 = arith.constant 29 : i32
    %dma_start3A_328 = arith.constant 22272 : i32
    %dma_start3A_329 = tpu.memref_slice %arg7[%dma_start3A_328] : memref<24576xf32, #tpu.memory_space<vmem>> -> memref<768xf32, #tpu.memory_space<vmem>>
    %dma_start3A_330 = arith.constant 0 : i32
    %dma_start3A_331 = tpu.memref_slice %arg4[%dma_start3A_327, %dma_start3A_330] : memref<30x768xf32, #tpu.memory_space<hbm>> -> memref<1x768xf32, #tpu.memory_space<hbm>>
    %dma_start3A_332 = tpu.memref_squeeze %dma_start3A_331 : memref<1x768xf32, #tpu.memory_space<hbm>> -> memref<768xf32, #tpu.memory_space<hbm>>
    %dma_start3A_333 = arith.constant 22272 : i32
    %dma_start3A_334 = tpu.memref_slice %arg7[%dma_start3A_333] : memref<24576xf32, #tpu.memory_space<vmem>> -> memref<768xf32, #tpu.memory_space<vmem>>
    %dma_start3A_335 = arith.constant 0 : i32
    %dma_start3A_336 = tpu.memref_slice %arg4[%dma_start3A_327, %dma_start3A_335] : memref<30x768xf32, #tpu.memory_space<hbm>> -> memref<1x768xf32, #tpu.memory_space<hbm>>
    %dma_start3A_337 = tpu.memref_squeeze %dma_start3A_336 : memref<1x768xf32, #tpu.memory_space<hbm>> -> memref<768xf32, #tpu.memory_space<hbm>>
    tpu.enqueue_dma source(%dma_start3A_337 : memref<768xf32, #tpu.memory_space<hbm>>) target(%dma_start3A_334 : memref<768xf32, #tpu.memory_space<vmem>>) target_semaphore(%arg14 : memref<!tpu.dma_semaphore, #tpu.memory_space<semaphore_mem>>)
    %shift_right_arithmetic3A = arith.constant 3 : i32
    %shift_right_arithmetic3A_338 = arith.shrsi %add3A, %shift_right_arithmetic3A : i32
    %and3A = arith.constant 7 : i32
    %and3A_339 = arith.andi %add3A, %and3A : i32
    %mul3A_340 = arith.constant 256 : i32
    %mul3A_341 = arith.muli %and3A_339, %mul3A_340 : i32
    %dma_start3A_342 = tpu.memref_slice %arg3[%shift_right_arithmetic3A_338, %mul3A_341] : memref<4x2048xi32, #tpu.memory_space<hbm>> -> memref<1x256xi32, #tpu.memory_space<hbm>>
    %dma_start3A_343 = tpu.memref_squeeze %dma_start3A_342 : memref<1x256xi32, #tpu.memory_space<hbm>> -> memref<256xi32, #tpu.memory_space<hbm>>
    %dma_start3A_344 = tpu.memref_slice %arg3[%shift_right_arithmetic3A_338, %mul3A_341] : memref<4x2048xi32, #tpu.memory_space<hbm>> -> memref<1x256xi32, #tpu.memory_space<hbm>>
    %dma_start3A_345 = tpu.memref_squeeze %dma_start3A_344 : memref<1x256xi32, #tpu.memory_space<hbm>> -> memref<256xi32, #tpu.memory_space<hbm>>
    tpu.enqueue_dma source(%dma_start3A_345 : memref<256xi32, #tpu.memory_space<hbm>>) target(%arg6 : memref<256xi32, #tpu.memory_space<vmem>>) target_semaphore(%arg14 : memref<!tpu.dma_semaphore, #tpu.memory_space<semaphore_mem>>)
    %broadcast_in_dim3A = arith.constant 0.000000e+00 : f32
    %broadcast_in_dim3A_346 = vector.broadcast %broadcast_in_dim3A : f32 to vector<16xf32>
    %swap3A = arith.constant 23040 : index
    %swap3A_347 = tpu.vector_load %arg7[%swap3A] {strides = array<i32>} : memref<24576xf32, #tpu.memory_space<vmem>>, vector<16xf32>,
    tpu.vector_store %arg7[%swap3A], %broadcast_in_dim3A_346 {strides = array<i32>} : memref<24576xf32, #tpu.memory_space<vmem>>, vector<16xf32>,
    %swap3A_348 = arith.constant 23056 : index
    %swap3A_349 = tpu.vector_load %arg7[%swap3A_348] {strides = array<i32>} : memref<24576xf32, #tpu.memory_space<vmem>>, vector<16xf32>,
    tpu.vector_store %arg7[%swap3A_348], %broadcast_in_dim3A_346 {strides = array<i32>} : memref<24576xf32, #tpu.memory_space<vmem>>, vector<16xf32>,
    %swap3A_350 = arith.constant 23072 : index
    %swap3A_351 = tpu.vector_load %arg7[%swap3A_350] {strides = array<i32>} : memref<24576xf32, #tpu.memory_space<vmem>>, vector<16xf32>,
    tpu.vector_store %arg7[%swap3A_350], %broadcast_in_dim3A_346 {strides = array<i32>} : memref<24576xf32, #tpu.memory_space<vmem>>, vector<16xf32>,
    %swap3A_352 = arith.constant 23088 : index
    %swap3A_353 = tpu.vector_load %arg7[%swap3A_352] {strides = array<i32>} : memref<24576xf32, #tpu.memory_space<vmem>>, vector<16xf32>,
    tpu.vector_store %arg7[%swap3A_352], %broadcast_in_dim3A_346 {strides = array<i32>} : memref<24576xf32, #tpu.memory_space<vmem>>, vector<16xf32>,
    %swap3A_354 = arith.constant 23104 : index
    %swap3A_355 = tpu.vector_load %arg7[%swap3A_354] {strides = array<i32>} : memref<24576xf32, #tpu.memory_space<vmem>>, vector<16xf32>,
    tpu.vector_store %arg7[%swap3A_354], %broadcast_in_dim3A_346 {strides = array<i32>} : memref<24576xf32, #tpu.memory_space<vmem>>, vector<16xf32>,
    %swap3A_356 = arith.constant 23120 : index
    %swap3A_357 = tpu.vector_load %arg7[%swap3A_356] {strides = array<i32>} : memref<24576xf32, #tpu.memory_space<vmem>>, vector<16xf32>,
    tpu.vector_store %arg7[%swap3A_356], %broadcast_in_dim3A_346 {strides = array<i32>} : memref<24576xf32, #tpu.memory_space<vmem>>, vector<16xf32>,
    %swap3A_358 = arith.constant 23136 : index
    %swap3A_359 = tpu.vector_load %arg7[%swap3A_358] {strides = array<i32>} : memref<24576xf32, #tpu.memory_space<vmem>>, vector<16xf32>,
    tpu.vector_store %arg7[%swap3A_358], %broadcast_in_dim3A_346 {strides = array<i32>} : memref<24576xf32, #tpu.memory_space<vmem>>, vector<16xf32>,
    %swap3A_360 = arith.constant 23152 : index
    %swap3A_361 = tpu.vector_load %arg7[%swap3A_360] {strides = array<i32>} : memref<24576xf32, #tpu.memory_space<vmem>>, vector<16xf32>,
    tpu.vector_store %arg7[%swap3A_360], %broadcast_in_dim3A_346 {strides = array<i32>} : memref<24576xf32, #tpu.memory_space<vmem>>, vector<16xf32>,
    %swap3A_362 = arith.constant 23168 : index
    %swap3A_363 = tpu.vector_load %arg7[%swap3A_362] {strides = array<i32>} : memref<24576xf32, #tpu.memory_space<vmem>>, vector<16xf32>,
    tpu.vector_store %arg7[%swap3A_362], %broadcast_in_dim3A_346 {strides = array<i32>} : memref<24576xf32, #tpu.memory_space<vmem>>, vector<16xf32>,
    %swap3A_364 = arith.constant 23184 : index
    %swap3A_365 = tpu.vector_load %arg7[%swap3A_364] {strides = array<i32>} : memref<24576xf32, #tpu.memory_space<vmem>>, vector<16xf32>,
    tpu.vector_store %arg7[%swap3A_364], %broadcast_in_dim3A_346 {strides = array<i32>} : memref<24576xf32, #tpu.memory_space<vmem>>, vector<16xf32>,
    %swap3A_366 = arith.constant 23200 : index
    %swap3A_367 = tpu.vector_load %arg7[%swap3A_366] {strides = array<i32>} : memref<24576xf32, #tpu.memory_space<vmem>>, vector<16xf32>,
    tpu.vector_store %arg7[%swap3A_366], %broadcast_in_dim3A_346 {strides = array<i32>} : memref<24576xf32, #tpu.memory_space<vmem>>, vector<16xf32>,
    %swap3A_368 = arith.constant 23216 : index
    %swap3A_369 = tpu.vector_load %arg7[%swap3A_368] {strides = array<i32>} : memref<24576xf32, #tpu.memory_space<vmem>>, vector<16xf32>,
    tpu.vector_store %arg7[%swap3A_368], %broadcast_in_dim3A_346 {strides = array<i32>} : memref<24576xf32, #tpu.memory_space<vmem>>, vector<16xf32>,
    %swap3A_370 = arith.constant 23232 : index
    %swap3A_371 = tpu.vector_load %arg7[%swap3A_370] {strides = array<i32>} : memref<24576xf32, #tpu.memory_space<vmem>>, vector<16xf32>,
    tpu.vector_store %arg7[%swap3A_370], %broadcast_in_dim3A_346 {strides = array<i32>} : memref<24576xf32, #tpu.memory_space<vmem>>, vector<16xf32>,
    %swap3A_372 = arith.constant 23248 : index
    %swap3A_373 = tpu.vector_load %arg7[%swap3A_372] {strides = array<i32>} : memref<24576xf32, #tpu.memory_space<vmem>>, vector<16xf32>,
    tpu.vector_store %arg7[%swap3A_372], %broadcast_in_dim3A_346 {strides = array<i32>} : memref<24576xf32, #tpu.memory_space<vmem>>, vector<16xf32>,
    %swap3A_374 = arith.constant 23264 : index
    %swap3A_375 = tpu.vector_load %arg7[%swap3A_374] {strides = array<i32>} : memref<24576xf32, #tpu.memory_space<vmem>>, vector<16xf32>,
    tpu.vector_store %arg7[%swap3A_374], %broadcast_in_dim3A_346 {strides = array<i32>} : memref<24576xf32, #tpu.memory_space<vmem>>, vector<16xf32>,
    %swap3A_376 = arith.constant 23280 : index
    %swap3A_377 = tpu.vector_load %arg7[%swap3A_376] {strides = array<i32>} : memref<24576xf32, #tpu.memory_space<vmem>>, vector<16xf32>,
    tpu.vector_store %arg7[%swap3A_376], %broadcast_in_dim3A_346 {strides = array<i32>} : memref<24576xf32, #tpu.memory_space<vmem>>, vector<16xf32>,
    %swap3A_378 = arith.constant 23296 : index
    %swap3A_379 = tpu.vector_load %arg7[%swap3A_378] {strides = array<i32>} : memref<24576xf32, #tpu.memory_space<vmem>>, vector<16xf32>,
    tpu.vector_store %arg7[%swap3A_378], %broadcast_in_dim3A_346 {strides = array<i32>} : memref<24576xf32, #tpu.memory_space<vmem>>, vector<16xf32>,
    %swap3A_380 = arith.constant 23312 : index
    %swap3A_381 = tpu.vector_load %arg7[%swap3A_380] {strides = array<i32>} : memref<24576xf32, #tpu.memory_space<vmem>>, vector<16xf32>,
    tpu.vector_store %arg7[%swap3A_380], %broadcast_in_dim3A_346 {strides = array<i32>} : memref<24576xf32, #tpu.memory_space<vmem>>, vector<16xf32>,
    %swap3A_382 = arith.constant 23328 : index
    %swap3A_383 = tpu.vector_load %arg7[%swap3A_382] {strides = array<i32>} : memref<24576xf32, #tpu.memory_space<vmem>>, vector<16xf32>,
    tpu.vector_store %arg7[%swap3A_382], %broadcast_in_dim3A_346 {strides = array<i32>} : memref<24576xf32, #tpu.memory_space<vmem>>, vector<16xf32>,
    %swap3A_384 = arith.constant 23344 : index
    %swap3A_385 = tpu.vector_load %arg7[%swap3A_384] {strides = array<i32>} : memref<24576xf32, #tpu.memory_space<vmem>>, vector<16xf32>,
    tpu.vector_store %arg7[%swap3A_384], %broadcast_in_dim3A_346 {strides = array<i32>} : memref<24576xf32, #tpu.memory_space<vmem>>, vector<16xf32>,
    %swap3A_386 = arith.constant 23360 : index
    %swap3A_387 = tpu.vector_load %arg7[%swap3A_386] {strides = array<i32>} : memref<24576xf32, #tpu.memory_space<vmem>>, vector<16xf32>,
    tpu.vector_store %arg7[%swap3A_386], %broadcast_in_dim3A_346 {strides = array<i32>} : memref<24576xf32, #tpu.memory_space<vmem>>, vector<16xf32>,
    %swap3A_388 = arith.constant 23376 : index
    %swap3A_389 = tpu.vector_load %arg7[%swap3A_388] {strides = array<i32>} : memref<24576xf32, #tpu.memory_space<vmem>>, vector<16xf32>,
    tpu.vector_store %arg7[%swap3A_388], %broadcast_in_dim3A_346 {strides = array<i32>} : memref<24576xf32, #tpu.memory_space<vmem>>, vector<16xf32>,
    %swap3A_390 = arith.constant 23392 : index
    %swap3A_391 = tpu.vector_load %arg7[%swap3A_390] {strides = array<i32>} : memref<24576xf32, #tpu.memory_space<vmem>>, vector<16xf32>,
    tpu.vector_store %arg7[%swap3A_390], %broadcast_in_dim3A_346 {strides = array<i32>} : memref<24576xf32, #tpu.memory_space<vmem>>, vector<16xf32>,
    %swap3A_392 = arith.constant 23408 : index
    %swap3A_393 = tpu.vector_load %arg7[%swap3A_392] {strides = array<i32>} : memref<24576xf32, #tpu.memory_space<vmem>>, vector<16xf32>,
    tpu.vector_store %arg7[%swap3A_392], %broadcast_in_dim3A_346 {strides = array<i32>} : memref<24576xf32, #tpu.memory_space<vmem>>, vector<16xf32>,
    %swap3A_394 = arith.constant 23424 : index
    %swap3A_395 = tpu.vector_load %arg7[%swap3A_394] {strides = array<i32>} : memref<24576xf32, #tpu.memory_space<vmem>>, vector<16xf32>,
    tpu.vector_store %arg7[%swap3A_394], %broadcast_in_dim3A_346 {strides = array<i32>} : memref<24576xf32, #tpu.memory_space<vmem>>, vector<16xf32>,
    %swap3A_396 = arith.constant 23440 : index
    %swap3A_397 = tpu.vector_load %arg7[%swap3A_396] {strides = array<i32>} : memref<24576xf32, #tpu.memory_space<vmem>>, vector<16xf32>,
    tpu.vector_store %arg7[%swap3A_396], %broadcast_in_dim3A_346 {strides = array<i32>} : memref<24576xf32, #tpu.memory_space<vmem>>, vector<16xf32>,
    %swap3A_398 = arith.constant 23456 : index
    %swap3A_399 = tpu.vector_load %arg7[%swap3A_398] {strides = array<i32>} : memref<24576xf32, #tpu.memory_space<vmem>>, vector<16xf32>,
    tpu.vector_store %arg7[%swap3A_398], %broadcast_in_dim3A_346 {strides = array<i32>} : memref<24576xf32, #tpu.memory_space<vmem>>, vector<16xf32>,
    %swap3A_400 = arith.constant 23472 : index
    %swap3A_401 = tpu.vector_load %arg7[%swap3A_400] {strides = array<i32>} : memref<24576xf32, #tpu.memory_space<vmem>>, vector<16xf32>,
    tpu.vector_store %arg7[%swap3A_400], %broadcast_in_dim3A_346 {strides = array<i32>} : memref<24576xf32, #tpu.memory_space<vmem>>, vector<16xf32>,
    %swap3A_402 = arith.constant 23488 : index
    %swap3A_403 = tpu.vector_load %arg7[%swap3A_402] {strides = array<i32>} : memref<24576xf32, #tpu.memory_space<vmem>>, vector<16xf32>,
    tpu.vector_store %arg7[%swap3A_402], %broadcast_in_dim3A_346 {strides = array<i32>} : memref<24576xf32, #tpu.memory_space<vmem>>, vector<16xf32>,
    %swap3A_404 = arith.constant 23504 : index
    %swap3A_405 = tpu.vector_load %arg7[%swap3A_404] {strides = array<i32>} : memref<24576xf32, #tpu.memory_space<vmem>>, vector<16xf32>,
    tpu.vector_store %arg7[%swap3A_404], %broadcast_in_dim3A_346 {strides = array<i32>} : memref<24576xf32, #tpu.memory_space<vmem>>, vector<16xf32>,
    %swap3A_406 = arith.constant 23520 : index
    %swap3A_407 = tpu.vector_load %arg7[%swap3A_406] {strides = array<i32>} : memref<24576xf32, #tpu.memory_space<vmem>>, vector<16xf32>,
    tpu.vector_store %arg7[%swap3A_406], %broadcast_in_dim3A_346 {strides = array<i32>} : memref<24576xf32, #tpu.memory_space<vmem>>, vector<16xf32>,
    %swap3A_408 = arith.constant 23536 : index
    %swap3A_409 = tpu.vector_load %arg7[%swap3A_408] {strides = array<i32>} : memref<24576xf32, #tpu.memory_space<vmem>>, vector<16xf32>,
    tpu.vector_store %arg7[%swap3A_408], %broadcast_in_dim3A_346 {strides = array<i32>} : memref<24576xf32, #tpu.memory_space<vmem>>, vector<16xf32>,
    %swap3A_410 = arith.constant 23552 : index
    %swap3A_411 = tpu.vector_load %arg7[%swap3A_410] {strides = array<i32>} : memref<24576xf32, #tpu.memory_space<vmem>>, vector<16xf32>,
    tpu.vector_store %arg7[%swap3A_410], %broadcast_in_dim3A_346 {strides = array<i32>} : memref<24576xf32, #tpu.memory_space<vmem>>, vector<16xf32>,
    %swap3A_412 = arith.constant 23568 : index
    %swap3A_413 = tpu.vector_load %arg7[%swap3A_412] {strides = array<i32>} : memref<24576xf32, #tpu.memory_space<vmem>>, vector<16xf32>,
    tpu.vector_store %arg7[%swap3A_412], %broadcast_in_dim3A_346 {strides = array<i32>} : memref<24576xf32, #tpu.memory_space<vmem>>, vector<16xf32>,
    %swap3A_414 = arith.constant 23584 : index
    %swap3A_415 = tpu.vector_load %arg7[%swap3A_414] {strides = array<i32>} : memref<24576xf32, #tpu.memory_space<vmem>>, vector<16xf32>,
    tpu.vector_store %arg7[%swap3A_414], %broadcast_in_dim3A_346 {strides = array<i32>} : memref<24576xf32, #tpu.memory_space<vmem>>, vector<16xf32>,
    %swap3A_416 = arith.constant 23600 : index
    %swap3A_417 = tpu.vector_load %arg7[%swap3A_416] {strides = array<i32>} : memref<24576xf32, #tpu.memory_space<vmem>>, vector<16xf32>,
    tpu.vector_store %arg7[%swap3A_416], %broadcast_in_dim3A_346 {strides = array<i32>} : memref<24576xf32, #tpu.memory_space<vmem>>, vector<16xf32>,
    %swap3A_418 = arith.constant 23616 : index
    %swap3A_419 = tpu.vector_load %arg7[%swap3A_418] {strides = array<i32>} : memref<24576xf32, #tpu.memory_space<vmem>>, vector<16xf32>,
    tpu.vector_store %arg7[%swap3A_418], %broadcast_in_dim3A_346 {strides = array<i32>} : memref<24576xf32, #tpu.memory_space<vmem>>, vector<16xf32>,
    %swap3A_420 = arith.constant 23632 : index
    %swap3A_421 = tpu.vector_load %arg7[%swap3A_420] {strides = array<i32>} : memref<24576xf32, #tpu.memory_space<vmem>>, vector<16xf32>,
    tpu.vector_store %arg7[%swap3A_420], %broadcast_in_dim3A_346 {strides = array<i32>} : memref<24576xf32, #tpu.memory_space<vmem>>, vector<16xf32>,
    %swap3A_422 = arith.constant 23648 : index
    %swap3A_423 = tpu.vector_load %arg7[%swap3A_422] {strides = array<i32>} : memref<24576xf32, #tpu.memory_space<vmem>>, vector<16xf32>,
    tpu.vector_store %arg7[%swap3A_422], %broadcast_in_dim3A_346 {strides = array<i32>} : memref<24576xf32, #tpu.memory_space<vmem>>, vector<16xf32>,
    %swap3A_424 = arith.constant 23664 : index
    %swap3A_425 = tpu.vector_load %arg7[%swap3A_424] {strides = array<i32>} : memref<24576xf32, #tpu.memory_space<vmem>>, vector<16xf32>,
    tpu.vector_store %arg7[%swap3A_424], %broadcast_in_dim3A_346 {strides = array<i32>} : memref<24576xf32, #tpu.memory_space<vmem>>, vector<16xf32>,
    %swap3A_426 = arith.constant 23680 : index
    %swap3A_427 = tpu.vector_load %arg7[%swap3A_426] {strides = array<i32>} : memref<24576xf32, #tpu.memory_space<vmem>>, vector<16xf32>,
    tpu.vector_store %arg7[%swap3A_426], %broadcast_in_dim3A_346 {strides = array<i32>} : memref<24576xf32, #tpu.memory_space<vmem>>, vector<16xf32>,
    %swap3A_428 = arith.constant 23696 : index
    %swap3A_429 = tpu.vector_load %arg7[%swap3A_428] {strides = array<i32>} : memref<24576xf32, #tpu.memory_space<vmem>>, vector<16xf32>,
    tpu.vector_store %arg7[%swap3A_428], %broadcast_in_dim3A_346 {strides = array<i32>} : memref<24576xf32, #tpu.memory_space<vmem>>, vector<16xf32>,
    %swap3A_430 = arith.constant 23712 : index
    %swap3A_431 = tpu.vector_load %arg7[%swap3A_430] {strides = array<i32>} : memref<24576xf32, #tpu.memory_space<vmem>>, vector<16xf32>,
    tpu.vector_store %arg7[%swap3A_430], %broadcast_in_dim3A_346 {strides = array<i32>} : memref<24576xf32, #tpu.memory_space<vmem>>, vector<16xf32>,
    %swap3A_432 = arith.constant 23728 : index
    %swap3A_433 = tpu.vector_load %arg7[%swap3A_432] {strides = array<i32>} : memref<24576xf32, #tpu.memory_space<vmem>>, vector<16xf32>,
    tpu.vector_store %arg7[%swap3A_432], %broadcast_in_dim3A_346 {strides = array<i32>} : memref<24576xf32, #tpu.memory_space<vmem>>, vector<16xf32>,
    %swap3A_434 = arith.constant 23744 : index
    %swap3A_435 = tpu.vector_load %arg7[%swap3A_434] {strides = array<i32>} : memref<24576xf32, #tpu.memory_space<vmem>>, vector<16xf32>,
    tpu.vector_store %arg7[%swap3A_434], %broadcast_in_dim3A_346 {strides = array<i32>} : memref<24576xf32, #tpu.memory_space<vmem>>, vector<16xf32>,
    %swap3A_436 = arith.constant 23760 : index
    %swap3A_437 = tpu.vector_load %arg7[%swap3A_436] {strides = array<i32>} : memref<24576xf32, #tpu.memory_space<vmem>>, vector<16xf32>,
    tpu.vector_store %arg7[%swap3A_436], %broadcast_in_dim3A_346 {strides = array<i32>} : memref<24576xf32, #tpu.memory_space<vmem>>, vector<16xf32>,
    %swap3A_438 = arith.constant 23776 : index
    %swap3A_439 = tpu.vector_load %arg7[%swap3A_438] {strides = array<i32>} : memref<24576xf32, #tpu.memory_space<vmem>>, vector<16xf32>,
    tpu.vector_store %arg7[%swap3A_438], %broadcast_in_dim3A_346 {strides = array<i32>} : memref<24576xf32, #tpu.memory_space<vmem>>, vector<16xf32>,
    %swap3A_440 = arith.constant 23792 : index
    %swap3A_441 = tpu.vector_load %arg7[%swap3A_440] {strides = array<i32>} : memref<24576xf32, #tpu.memory_space<vmem>>, vector<16xf32>,
    tpu.vector_store %arg7[%swap3A_440], %broadcast_in_dim3A_346 {strides = array<i32>} : memref<24576xf32, #tpu.memory_space<vmem>>, vector<16xf32>,
    %swap3A_442 = arith.constant 23808 : index
    %swap3A_443 = tpu.vector_load %arg7[%swap3A_442] {strides = array<i32>} : memref<24576xf32, #tpu.memory_space<vmem>>, vector<16xf32>,
    tpu.vector_store %arg7[%swap3A_442], %broadcast_in_dim3A_346 {strides = array<i32>} : memref<24576xf32, #tpu.memory_space<vmem>>, vector<16xf32>,
    %swap3A_444 = arith.constant 23824 : index
    %swap3A_445 = tpu.vector_load %arg7[%swap3A_444] {strides = array<i32>} : memref<24576xf32, #tpu.memory_space<vmem>>, vector<16xf32>,
    tpu.vector_store %arg7[%swap3A_444], %broadcast_in_dim3A_346 {strides = array<i32>} : memref<24576xf32, #tpu.memory_space<vmem>>, vector<16xf32>,
    %swap3A_446 = arith.constant 23840 : index
    %swap3A_447 = tpu.vector_load %arg7[%swap3A_446] {strides = array<i32>} : memref<24576xf32, #tpu.memory_space<vmem>>, vector<16xf32>,
    tpu.vector_store %arg7[%swap3A_446], %broadcast_in_dim3A_346 {strides = array<i32>} : memref<24576xf32, #tpu.memory_space<vmem>>, vector<16xf32>,
    %swap3A_448 = arith.constant 23856 : index
    %swap3A_449 = tpu.vector_load %arg7[%swap3A_448] {strides = array<i32>} : memref<24576xf32, #tpu.memory_space<vmem>>, vector<16xf32>,
    tpu.vector_store %arg7[%swap3A_448], %broadcast_in_dim3A_346 {strides = array<i32>} : memref<24576xf32, #tpu.memory_space<vmem>>, vector<16xf32>,
    %swap3A_450 = arith.constant 23872 : index
    %swap3A_451 = tpu.vector_load %arg7[%swap3A_450] {strides = array<i32>} : memref<24576xf32, #tpu.memory_space<vmem>>, vector<16xf32>,
    tpu.vector_store %arg7[%swap3A_450], %broadcast_in_dim3A_346 {strides = array<i32>} : memref<24576xf32, #tpu.memory_space<vmem>>, vector<16xf32>,
    %swap3A_452 = arith.constant 23888 : index
    %swap3A_453 = tpu.vector_load %arg7[%swap3A_452] {strides = array<i32>} : memref<24576xf32, #tpu.memory_space<vmem>>, vector<16xf32>,
    tpu.vector_store %arg7[%swap3A_452], %broadcast_in_dim3A_346 {strides = array<i32>} : memref<24576xf32, #tpu.memory_space<vmem>>, vector<16xf32>,
    %swap3A_454 = arith.constant 23904 : index
    %swap3A_455 = tpu.vector_load %arg7[%swap3A_454] {strides = array<i32>} : memref<24576xf32, #tpu.memory_space<vmem>>, vector<16xf32>,
    tpu.vector_store %arg7[%swap3A_454], %broadcast_in_dim3A_346 {strides = array<i32>} : memref<24576xf32, #tpu.memory_space<vmem>>, vector<16xf32>,
    %swap3A_456 = arith.constant 23920 : index
    %swap3A_457 = tpu.vector_load %arg7[%swap3A_456] {strides = array<i32>} : memref<24576xf32, #tpu.memory_space<vmem>>, vector<16xf32>,
    tpu.vector_store %arg7[%swap3A_456], %broadcast_in_dim3A_346 {strides = array<i32>} : memref<24576xf32, #tpu.memory_space<vmem>>, vector<16xf32>,
    %swap3A_458 = arith.constant 23936 : index
    %swap3A_459 = tpu.vector_load %arg7[%swap3A_458] {strides = array<i32>} : memref<24576xf32, #tpu.memory_space<vmem>>, vector<16xf32>,
    tpu.vector_store %arg7[%swap3A_458], %broadcast_in_dim3A_346 {strides = array<i32>} : memref<24576xf32, #tpu.memory_space<vmem>>, vector<16xf32>,
    %swap3A_460 = arith.constant 23952 : index
    %swap3A_461 = tpu.vector_load %arg7[%swap3A_460] {strides = array<i32>} : memref<24576xf32, #tpu.memory_space<vmem>>, vector<16xf32>,
    tpu.vector_store %arg7[%swap3A_460], %broadcast_in_dim3A_346 {strides = array<i32>} : memref<24576xf32, #tpu.memory_space<vmem>>, vector<16xf32>,
    %swap3A_462 = arith.constant 23968 : index
    %swap3A_463 = tpu.vector_load %arg7[%swap3A_462] {strides = array<i32>} : memref<24576xf32, #tpu.memory_space<vmem>>, vector<16xf32>,
    tpu.vector_store %arg7[%swap3A_462], %broadcast_in_dim3A_346 {strides = array<i32>} : memref<24576xf32, #tpu.memory_space<vmem>>, vector<16xf32>,
    %swap3A_464 = arith.constant 23984 : index
    %swap3A_465 = tpu.vector_load %arg7[%swap3A_464] {strides = array<i32>} : memref<24576xf32, #tpu.memory_space<vmem>>, vector<16xf32>,
    tpu.vector_store %arg7[%swap3A_464], %broadcast_in_dim3A_346 {strides = array<i32>} : memref<24576xf32, #tpu.memory_space<vmem>>, vector<16xf32>,
    %swap3A_466 = arith.constant 24000 : index
    %swap3A_467 = tpu.vector_load %arg7[%swap3A_466] {strides = array<i32>} : memref<24576xf32, #tpu.memory_space<vmem>>, vector<16xf32>,
    tpu.vector_store %arg7[%swap3A_466], %broadcast_in_dim3A_346 {strides = array<i32>} : memref<24576xf32, #tpu.memory_space<vmem>>, vector<16xf32>,
    %swap3A_468 = arith.constant 24016 : index
    %swap3A_469 = tpu.vector_load %arg7[%swap3A_468] {strides = array<i32>} : memref<24576xf32, #tpu.memory_space<vmem>>, vector<16xf32>,
    tpu.vector_store %arg7[%swap3A_468], %broadcast_in_dim3A_346 {strides = array<i32>} : memref<24576xf32, #tpu.memory_space<vmem>>, vector<16xf32>,
    %swap3A_470 = arith.constant 24032 : index
    %swap3A_471 = tpu.vector_load %arg7[%swap3A_470] {strides = array<i32>} : memref<24576xf32, #tpu.memory_space<vmem>>, vector<16xf32>,
    tpu.vector_store %arg7[%swap3A_470], %broadcast_in_dim3A_346 {strides = array<i32>} : memref<24576xf32, #tpu.memory_space<vmem>>, vector<16xf32>,
    %swap3A_472 = arith.constant 24048 : index
    %swap3A_473 = tpu.vector_load %arg7[%swap3A_472] {strides = array<i32>} : memref<24576xf32, #tpu.memory_space<vmem>>, vector<16xf32>,
    tpu.vector_store %arg7[%swap3A_472], %broadcast_in_dim3A_346 {strides = array<i32>} : memref<24576xf32, #tpu.memory_space<vmem>>, vector<16xf32>,
    %swap3A_474 = arith.constant 24064 : index
    %swap3A_475 = tpu.vector_load %arg7[%swap3A_474] {strides = array<i32>} : memref<24576xf32, #tpu.memory_space<vmem>>, vector<16xf32>,
    tpu.vector_store %arg7[%swap3A_474], %broadcast_in_dim3A_346 {strides = array<i32>} : memref<24576xf32, #tpu.memory_space<vmem>>, vector<16xf32>,
    %swap3A_476 = arith.constant 24080 : index
    %swap3A_477 = tpu.vector_load %arg7[%swap3A_476] {strides = array<i32>} : memref<24576xf32, #tpu.memory_space<vmem>>, vector<16xf32>,
    tpu.vector_store %arg7[%swap3A_476], %broadcast_in_dim3A_346 {strides = array<i32>} : memref<24576xf32, #tpu.memory_space<vmem>>, vector<16xf32>,
    %swap3A_478 = arith.constant 24096 : index
    %swap3A_479 = tpu.vector_load %arg7[%swap3A_478] {strides = array<i32>} : memref<24576xf32, #tpu.memory_space<vmem>>, vector<16xf32>,
    tpu.vector_store %arg7[%swap3A_478], %broadcast_in_dim3A_346 {strides = array<i32>} : memref<24576xf32, #tpu.memory_space<vmem>>, vector<16xf32>,
    %swap3A_480 = arith.constant 24112 : index
    %swap3A_481 = tpu.vector_load %arg7[%swap3A_480] {strides = array<i32>} : memref<24576xf32, #tpu.memory_space<vmem>>, vector<16xf32>,
    tpu.vector_store %arg7[%swap3A_480], %broadcast_in_dim3A_346 {strides = array<i32>} : memref<24576xf32, #tpu.memory_space<vmem>>, vector<16xf32>,
    %swap3A_482 = arith.constant 24128 : index
    %swap3A_483 = tpu.vector_load %arg7[%swap3A_482] {strides = array<i32>} : memref<24576xf32, #tpu.memory_space<vmem>>, vector<16xf32>,
    tpu.vector_store %arg7[%swap3A_482], %broadcast_in_dim3A_346 {strides = array<i32>} : memref<24576xf32, #tpu.memory_space<vmem>>, vector<16xf32>,
    %swap3A_484 = arith.constant 24144 : index
    %swap3A_485 = tpu.vector_load %arg7[%swap3A_484] {strides = array<i32>} : memref<24576xf32, #tpu.memory_space<vmem>>, vector<16xf32>,
    tpu.vector_store %arg7[%swap3A_484], %broadcast_in_dim3A_346 {strides = array<i32>} : memref<24576xf32, #tpu.memory_space<vmem>>, vector<16xf32>,
    %swap3A_486 = arith.constant 24160 : index
    %swap3A_487 = tpu.vector_load %arg7[%swap3A_486] {strides = array<i32>} : memref<24576xf32, #tpu.memory_space<vmem>>, vector<16xf32>,
    tpu.vector_store %arg7[%swap3A_486], %broadcast_in_dim3A_346 {strides = array<i32>} : memref<24576xf32, #tpu.memory_space<vmem>>, vector<16xf32>,
    %swap3A_488 = arith.constant 24176 : index
    %swap3A_489 = tpu.vector_load %arg7[%swap3A_488] {strides = array<i32>} : memref<24576xf32, #tpu.memory_space<vmem>>, vector<16xf32>,
    tpu.vector_store %arg7[%swap3A_488], %broadcast_in_dim3A_346 {strides = array<i32>} : memref<24576xf32, #tpu.memory_space<vmem>>, vector<16xf32>,
    %swap3A_490 = arith.constant 24192 : index
    %swap3A_491 = tpu.vector_load %arg7[%swap3A_490] {strides = array<i32>} : memref<24576xf32, #tpu.memory_space<vmem>>, vector<16xf32>,
    tpu.vector_store %arg7[%swap3A_490], %broadcast_in_dim3A_346 {strides = array<i32>} : memref<24576xf32, #tpu.memory_space<vmem>>, vector<16xf32>,
    %swap3A_492 = arith.constant 24208 : index
    %swap3A_493 = tpu.vector_load %arg7[%swap3A_492] {strides = array<i32>} : memref<24576xf32, #tpu.memory_space<vmem>>, vector<16xf32>,
    tpu.vector_store %arg7[%swap3A_492], %broadcast_in_dim3A_346 {strides = array<i32>} : memref<24576xf32, #tpu.memory_space<vmem>>, vector<16xf32>,
    %swap3A_494 = arith.constant 24224 : index
    %swap3A_495 = tpu.vector_load %arg7[%swap3A_494] {strides = array<i32>} : memref<24576xf32, #tpu.memory_space<vmem>>, vector<16xf32>,
    tpu.vector_store %arg7[%swap3A_494], %broadcast_in_dim3A_346 {strides = array<i32>} : memref<24576xf32, #tpu.memory_space<vmem>>, vector<16xf32>,
    %swap3A_496 = arith.constant 24240 : index
    %swap3A_497 = tpu.vector_load %arg7[%swap3A_496] {strides = array<i32>} : memref<24576xf32, #tpu.memory_space<vmem>>, vector<16xf32>,
    tpu.vector_store %arg7[%swap3A_496], %broadcast_in_dim3A_346 {strides = array<i32>} : memref<24576xf32, #tpu.memory_space<vmem>>, vector<16xf32>,
    %swap3A_498 = arith.constant 24256 : index
    %swap3A_499 = tpu.vector_load %arg7[%swap3A_498] {strides = array<i32>} : memref<24576xf32, #tpu.memory_space<vmem>>, vector<16xf32>,
    tpu.vector_store %arg7[%swap3A_498], %broadcast_in_dim3A_346 {strides = array<i32>} : memref<24576xf32, #tpu.memory_space<vmem>>, vector<16xf32>,
    %swap3A_500 = arith.constant 24272 : index
    %swap3A_501 = tpu.vector_load %arg7[%swap3A_500] {strides = array<i32>} : memref<24576xf32, #tpu.memory_space<vmem>>, vector<16xf32>,
    tpu.vector_store %arg7[%swap3A_500], %broadcast_in_dim3A_346 {strides = array<i32>} : memref<24576xf32, #tpu.memory_space<vmem>>, vector<16xf32>,
    %swap3A_502 = arith.constant 24288 : index
    %swap3A_503 = tpu.vector_load %arg7[%swap3A_502] {strides = array<i32>} : memref<24576xf32, #tpu.memory_space<vmem>>, vector<16xf32>,
    tpu.vector_store %arg7[%swap3A_502], %broadcast_in_dim3A_346 {strides = array<i32>} : memref<24576xf32, #tpu.memory_space<vmem>>, vector<16xf32>,
    %swap3A_504 = arith.constant 24304 : index
    %swap3A_505 = tpu.vector_load %arg7[%swap3A_504] {strides = array<i32>} : memref<24576xf32, #tpu.memory_space<vmem>>, vector<16xf32>,
    tpu.vector_store %arg7[%swap3A_504], %broadcast_in_dim3A_346 {strides = array<i32>} : memref<24576xf32, #tpu.memory_space<vmem>>, vector<16xf32>,
    %swap3A_506 = arith.constant 24320 : index
    %swap3A_507 = tpu.vector_load %arg7[%swap3A_506] {strides = array<i32>} : memref<24576xf32, #tpu.memory_space<vmem>>, vector<16xf32>,
    tpu.vector_store %arg7[%swap3A_506], %broadcast_in_dim3A_346 {strides = array<i32>} : memref<24576xf32, #tpu.memory_space<vmem>>, vector<16xf32>,
    %swap3A_508 = arith.constant 24336 : index
    %swap3A_509 = tpu.vector_load %arg7[%swap3A_508] {strides = array<i32>} : memref<24576xf32, #tpu.memory_space<vmem>>, vector<16xf32>,
    tpu.vector_store %arg7[%swap3A_508], %broadcast_in_dim3A_346 {strides = array<i32>} : memref<24576xf32, #tpu.memory_space<vmem>>, vector<16xf32>,
    %swap3A_510 = arith.constant 24352 : index
    %swap3A_511 = tpu.vector_load %arg7[%swap3A_510] {strides = array<i32>} : memref<24576xf32, #tpu.memory_space<vmem>>, vector<16xf32>,
    tpu.vector_store %arg7[%swap3A_510], %broadcast_in_dim3A_346 {strides = array<i32>} : memref<24576xf32, #tpu.memory_space<vmem>>, vector<16xf32>,
    %swap3A_512 = arith.constant 24368 : index
    %swap3A_513 = tpu.vector_load %arg7[%swap3A_512] {strides = array<i32>} : memref<24576xf32, #tpu.memory_space<vmem>>, vector<16xf32>,
    tpu.vector_store %arg7[%swap3A_512], %broadcast_in_dim3A_346 {strides = array<i32>} : memref<24576xf32, #tpu.memory_space<vmem>>, vector<16xf32>,
    %swap3A_514 = arith.constant 24384 : index
    %swap3A_515 = tpu.vector_load %arg7[%swap3A_514] {strides = array<i32>} : memref<24576xf32, #tpu.memory_space<vmem>>, vector<16xf32>,
    tpu.vector_store %arg7[%swap3A_514], %broadcast_in_dim3A_346 {strides = array<i32>} : memref<24576xf32, #tpu.memory_space<vmem>>, vector<16xf32>,
    %swap3A_516 = arith.constant 24400 : index
    %swap3A_517 = tpu.vector_load %arg7[%swap3A_516] {strides = array<i32>} : memref<24576xf32, #tpu.memory_space<vmem>>, vector<16xf32>,
    tpu.vector_store %arg7[%swap3A_516], %broadcast_in_dim3A_346 {strides = array<i32>} : memref<24576xf32, #tpu.memory_space<vmem>>, vector<16xf32>,
    %swap3A_518 = arith.constant 24416 : index
    %swap3A_519 = tpu.vector_load %arg7[%swap3A_518] {strides = array<i32>} : memref<24576xf32, #tpu.memory_space<vmem>>, vector<16xf32>,
    tpu.vector_store %arg7[%swap3A_518], %broadcast_in_dim3A_346 {strides = array<i32>} : memref<24576xf32, #tpu.memory_space<vmem>>, vector<16xf32>,
    %swap3A_520 = arith.constant 24432 : index
    %swap3A_521 = tpu.vector_load %arg7[%swap3A_520] {strides = array<i32>} : memref<24576xf32, #tpu.memory_space<vmem>>, vector<16xf32>,
    tpu.vector_store %arg7[%swap3A_520], %broadcast_in_dim3A_346 {strides = array<i32>} : memref<24576xf32, #tpu.memory_space<vmem>>, vector<16xf32>,
    %swap3A_522 = arith.constant 24448 : index
    %swap3A_523 = tpu.vector_load %arg7[%swap3A_522] {strides = array<i32>} : memref<24576xf32, #tpu.memory_space<vmem>>, vector<16xf32>,
    tpu.vector_store %arg7[%swap3A_522], %broadcast_in_dim3A_346 {strides = array<i32>} : memref<24576xf32, #tpu.memory_space<vmem>>, vector<16xf32>,
    %swap3A_524 = arith.constant 24464 : index
    %swap3A_525 = tpu.vector_load %arg7[%swap3A_524] {strides = array<i32>} : memref<24576xf32, #tpu.memory_space<vmem>>, vector<16xf32>,
    tpu.vector_store %arg7[%swap3A_524], %broadcast_in_dim3A_346 {strides = array<i32>} : memref<24576xf32, #tpu.memory_space<vmem>>, vector<16xf32>,
    %swap3A_526 = arith.constant 24480 : index
    %swap3A_527 = tpu.vector_load %arg7[%swap3A_526] {strides = array<i32>} : memref<24576xf32, #tpu.memory_space<vmem>>, vector<16xf32>,
    tpu.vector_store %arg7[%swap3A_526], %broadcast_in_dim3A_346 {strides = array<i32>} : memref<24576xf32, #tpu.memory_space<vmem>>, vector<16xf32>,
    %swap3A_528 = arith.constant 24496 : index
    %swap3A_529 = tpu.vector_load %arg7[%swap3A_528] {strides = array<i32>} : memref<24576xf32, #tpu.memory_space<vmem>>, vector<16xf32>,
    tpu.vector_store %arg7[%swap3A_528], %broadcast_in_dim3A_346 {strides = array<i32>} : memref<24576xf32, #tpu.memory_space<vmem>>, vector<16xf32>,
    %swap3A_530 = arith.constant 24512 : index
    %swap3A_531 = tpu.vector_load %arg7[%swap3A_530] {strides = array<i32>} : memref<24576xf32, #tpu.memory_space<vmem>>, vector<16xf32>,
    tpu.vector_store %arg7[%swap3A_530], %broadcast_in_dim3A_346 {strides = array<i32>} : memref<24576xf32, #tpu.memory_space<vmem>>, vector<16xf32>,
    %swap3A_532 = arith.constant 24528 : index
    %swap3A_533 = tpu.vector_load %arg7[%swap3A_532] {strides = array<i32>} : memref<24576xf32, #tpu.memory_space<vmem>>, vector<16xf32>,
    tpu.vector_store %arg7[%swap3A_532], %broadcast_in_dim3A_346 {strides = array<i32>} : memref<24576xf32, #tpu.memory_space<vmem>>, vector<16xf32>,
    %swap3A_534 = arith.constant 24544 : index
    %swap3A_535 = tpu.vector_load %arg7[%swap3A_534] {strides = array<i32>} : memref<24576xf32, #tpu.memory_space<vmem>>, vector<16xf32>,
    tpu.vector_store %arg7[%swap3A_534], %broadcast_in_dim3A_346 {strides = array<i32>} : memref<24576xf32, #tpu.memory_space<vmem>>, vector<16xf32>,
    %swap3A_536 = arith.constant 24560 : index
    %swap3A_537 = tpu.vector_load %arg7[%swap3A_536] {strides = array<i32>} : memref<24576xf32, #tpu.memory_space<vmem>>, vector<16xf32>,
    tpu.vector_store %arg7[%swap3A_536], %broadcast_in_dim3A_346 {strides = array<i32>} : memref<24576xf32, #tpu.memory_space<vmem>>, vector<16xf32>,
    %dma_wait3A = arith.constant 0 : i32
    %dma_wait3A_538 = arith.constant 0 : i32
    %dma_wait3A_539 = tpu.memref_slice %arg7[%dma_wait3A_538] : memref<24576xf32, #tpu.memory_space<vmem>> -> memref<768xf32, #tpu.memory_space<vmem>>
    %dma_wait3A_540 = arith.constant 0 : i32
    %dma_wait3A_541 = tpu.memref_slice %arg4[%dma_wait3A, %dma_wait3A_540] : memref<30x768xf32, #tpu.memory_space<hbm>> -> memref<1x768xf32, #tpu.memory_space<hbm>>
    %dma_wait3A_542 = tpu.memref_squeeze %dma_wait3A_541 : memref<1x768xf32, #tpu.memory_space<hbm>> -> memref<768xf32, #tpu.memory_space<hbm>>
    %dma_wait3A_543 = arith.constant 0 : i32
    %dma_wait3A_544 = tpu.memref_slice %arg7[%dma_wait3A_543] : memref<24576xf32, #tpu.memory_space<vmem>> -> memref<768xf32, #tpu.memory_space<vmem>>
    %dma_wait3A_545 = arith.constant 0 : i32
    %dma_wait3A_546 = tpu.memref_slice %arg4[%dma_wait3A, %dma_wait3A_545] : memref<30x768xf32, #tpu.memory_space<hbm>> -> memref<1x768xf32, #tpu.memory_space<hbm>>
    %dma_wait3A_547 = tpu.memref_squeeze %dma_wait3A_546 : memref<1x768xf32, #tpu.memory_space<hbm>> -> memref<768xf32, #tpu.memory_space<hbm>>
    tpu.wait_dma2 semaphore(%arg14 : memref<!tpu.dma_semaphore, #tpu.memory_space<semaphore_mem>>) src(%dma_wait3A_547 : memref<768xf32, #tpu.memory_space<hbm>>) dst(%dma_wait3A_544 : memref<768xf32, #tpu.memory_space<vmem>>)
    %dma_wait3A_548 = arith.constant 1 : i32
    %dma_wait3A_549 = arith.constant 768 : i32
    %dma_wait3A_550 = tpu.memref_slice %arg7[%dma_wait3A_549] : memref<24576xf32, #tpu.memory_space<vmem>> -> memref<768xf32, #tpu.memory_space<vmem>>
    %dma_wait3A_551 = arith.constant 0 : i32
    %dma_wait3A_552 = tpu.memref_slice %arg4[%dma_wait3A_548, %dma_wait3A_551] : memref<30x768xf32, #tpu.memory_space<hbm>> -> memref<1x768xf32, #tpu.memory_space<hbm>>
    %dma_wait3A_553 = tpu.memref_squeeze %dma_wait3A_552 : memref<1x768xf32, #tpu.memory_space<hbm>> -> memref<768xf32, #tpu.memory_space<hbm>>
    %dma_wait3A_554 = arith.constant 768 : i32
    %dma_wait3A_555 = tpu.memref_slice %arg7[%dma_wait3A_554] : memref<24576xf32, #tpu.memory_space<vmem>> -> memref<768xf32, #tpu.memory_space<vmem>>
    %dma_wait3A_556 = arith.constant 0 : i32
    %dma_wait3A_557 = tpu.memref_slice %arg4[%dma_wait3A_548, %dma_wait3A_556] : memref<30x768xf32, #tpu.memory_space<hbm>> -> memref<1x768xf32, #tpu.memory_space<hbm>>
    %dma_wait3A_558 = tpu.memref_squeeze %dma_wait3A_557 : memref<1x768xf32, #tpu.memory_space<hbm>> -> memref<768xf32, #tpu.memory_space<hbm>>
    tpu.wait_dma2 semaphore(%arg14 : memref<!tpu.dma_semaphore, #tpu.memory_space<semaphore_mem>>) src(%dma_wait3A_558 : memref<768xf32, #tpu.memory_space<hbm>>) dst(%dma_wait3A_555 : memref<768xf32, #tpu.memory_space<vmem>>)
    %dma_wait3A_559 = arith.constant 2 : i32
    %dma_wait3A_560 = arith.constant 1536 : i32
    %dma_wait3A_561 = tpu.memref_slice %arg7[%dma_wait3A_560] : memref<24576xf32, #tpu.memory_space<vmem>> -> memref<768xf32, #tpu.memory_space<vmem>>
    %dma_wait3A_562 = arith.constant 0 : i32
    %dma_wait3A_563 = tpu.memref_slice %arg4[%dma_wait3A_559, %dma_wait3A_562] : memref<30x768xf32, #tpu.memory_space<hbm>> -> memref<1x768xf32, #tpu.memory_space<hbm>>
    %dma_wait3A_564 = tpu.memref_squeeze %dma_wait3A_563 : memref<1x768xf32, #tpu.memory_space<hbm>> -> memref<768xf32, #tpu.memory_space<hbm>>
    %dma_wait3A_565 = arith.constant 1536 : i32
    %dma_wait3A_566 = tpu.memref_slice %arg7[%dma_wait3A_565] : memref<24576xf32, #tpu.memory_space<vmem>> -> memref<768xf32, #tpu.memory_space<vmem>>
    %dma_wait3A_567 = arith.constant 0 : i32
    %dma_wait3A_568 = tpu.memref_slice %arg4[%dma_wait3A_559, %dma_wait3A_567] : memref<30x768xf32, #tpu.memory_space<hbm>> -> memref<1x768xf32, #tpu.memory_space<hbm>>
    %dma_wait3A_569 = tpu.memref_squeeze %dma_wait3A_568 : memref<1x768xf32, #tpu.memory_space<hbm>> -> memref<768xf32, #tpu.memory_space<hbm>>
    tpu.wait_dma2 semaphore(%arg14 : memref<!tpu.dma_semaphore, #tpu.memory_space<semaphore_mem>>) src(%dma_wait3A_569 : memref<768xf32, #tpu.memory_space<hbm>>) dst(%dma_wait3A_566 : memref<768xf32, #tpu.memory_space<vmem>>)
    %dma_wait3A_570 = arith.constant 3 : i32
    %dma_wait3A_571 = arith.constant 2304 : i32
    %dma_wait3A_572 = tpu.memref_slice %arg7[%dma_wait3A_571] : memref<24576xf32, #tpu.memory_space<vmem>> -> memref<768xf32, #tpu.memory_space<vmem>>
    %dma_wait3A_573 = arith.constant 0 : i32
    %dma_wait3A_574 = tpu.memref_slice %arg4[%dma_wait3A_570, %dma_wait3A_573] : memref<30x768xf32, #tpu.memory_space<hbm>> -> memref<1x768xf32, #tpu.memory_space<hbm>>
    %dma_wait3A_575 = tpu.memref_squeeze %dma_wait3A_574 : memref<1x768xf32, #tpu.memory_space<hbm>> -> memref<768xf32, #tpu.memory_space<hbm>>
    %dma_wait3A_576 = arith.constant 2304 : i32
    %dma_wait3A_577 = tpu.memref_slice %arg7[%dma_wait3A_576] : memref<24576xf32, #tpu.memory_space<vmem>> -> memref<768xf32, #tpu.memory_space<vmem>>
    %dma_wait3A_578 = arith.constant 0 : i32
    %dma_wait3A_579 = tpu.memref_slice %arg4[%dma_wait3A_570, %dma_wait3A_578] : memref<30x768xf32, #tpu.memory_space<hbm>> -> memref<1x768xf32, #tpu.memory_space<hbm>>
    %dma_wait3A_580 = tpu.memref_squeeze %dma_wait3A_579 : memref<1x768xf32, #tpu.memory_space<hbm>> -> memref<768xf32, #tpu.memory_space<hbm>>
    tpu.wait_dma2 semaphore(%arg14 : memref<!tpu.dma_semaphore, #tpu.memory_space<semaphore_mem>>) src(%dma_wait3A_580 : memref<768xf32, #tpu.memory_space<hbm>>) dst(%dma_wait3A_577 : memref<768xf32, #tpu.memory_space<vmem>>)
    %dma_wait3A_581 = arith.constant 4 : i32
    %dma_wait3A_582 = arith.constant 3072 : i32
    %dma_wait3A_583 = tpu.memref_slice %arg7[%dma_wait3A_582] : memref<24576xf32, #tpu.memory_space<vmem>> -> memref<768xf32, #tpu.memory_space<vmem>>
    %dma_wait3A_584 = arith.constant 0 : i32
    %dma_wait3A_585 = tpu.memref_slice %arg4[%dma_wait3A_581, %dma_wait3A_584] : memref<30x768xf32, #tpu.memory_space<hbm>> -> memref<1x768xf32, #tpu.memory_space<hbm>>
    %dma_wait3A_586 = tpu.memref_squeeze %dma_wait3A_585 : memref<1x768xf32, #tpu.memory_space<hbm>> -> memref<768xf32, #tpu.memory_space<hbm>>
    %dma_wait3A_587 = arith.constant 3072 : i32
    %dma_wait3A_588 = tpu.memref_slice %arg7[%dma_wait3A_587] : memref<24576xf32, #tpu.memory_space<vmem>> -> memref<768xf32, #tpu.memory_space<vmem>>
    %dma_wait3A_589 = arith.constant 0 : i32
    %dma_wait3A_590 = tpu.memref_slice %arg4[%dma_wait3A_581, %dma_wait3A_589] : memref<30x768xf32, #tpu.memory_space<hbm>> -> memref<1x768xf32, #tpu.memory_space<hbm>>
    %dma_wait3A_591 = tpu.memref_squeeze %dma_wait3A_590 : memref<1x768xf32, #tpu.memory_space<hbm>> -> memref<768xf32, #tpu.memory_space<hbm>>
    tpu.wait_dma2 semaphore(%arg14 : memref<!tpu.dma_semaphore, #tpu.memory_space<semaphore_mem>>) src(%dma_wait3A_591 : memref<768xf32, #tpu.memory_space<hbm>>) dst(%dma_wait3A_588 : memref<768xf32, #tpu.memory_space<vmem>>)
    %dma_wait3A_592 = arith.constant 5 : i32
    %dma_wait3A_593 = arith.constant 3840 : i32
    %dma_wait3A_594 = tpu.memref_slice %arg7[%dma_wait3A_593] : memref<24576xf32, #tpu.memory_space<vmem>> -> memref<768xf32, #tpu.memory_space<vmem>>
    %dma_wait3A_595 = arith.constant 0 : i32
    %dma_wait3A_596 = tpu.memref_slice %arg4[%dma_wait3A_592, %dma_wait3A_595] : memref<30x768xf32, #tpu.memory_space<hbm>> -> memref<1x768xf32, #tpu.memory_space<hbm>>
    %dma_wait3A_597 = tpu.memref_squeeze %dma_wait3A_596 : memref<1x768xf32, #tpu.memory_space<hbm>> -> memref<768xf32, #tpu.memory_space<hbm>>
    %dma_wait3A_598 = arith.constant 3840 : i32
    %dma_wait3A_599 = tpu.memref_slice %arg7[%dma_wait3A_598] : memref<24576xf32, #tpu.memory_space<vmem>> -> memref<768xf32, #tpu.memory_space<vmem>>
    %dma_wait3A_600 = arith.constant 0 : i32
    %dma_wait3A_601 = tpu.memref_slice %arg4[%dma_wait3A_592, %dma_wait3A_600] : memref<30x768xf32, #tpu.memory_space<hbm>> -> memref<1x768xf32, #tpu.memory_space<hbm>>
    %dma_wait3A_602 = tpu.memref_squeeze %dma_wait3A_601 : memref<1x768xf32, #tpu.memory_space<hbm>> -> memref<768xf32, #tpu.memory_space<hbm>>
    tpu.wait_dma2 semaphore(%arg14 : memref<!tpu.dma_semaphore, #tpu.memory_space<semaphore_mem>>) src(%dma_wait3A_602 : memref<768xf32, #tpu.memory_space<hbm>>) dst(%dma_wait3A_599 : memref<768xf32, #tpu.memory_space<vmem>>)
    %dma_wait3A_603 = arith.constant 6 : i32
    %dma_wait3A_604 = arith.constant 4608 : i32
    %dma_wait3A_605 = tpu.memref_slice %arg7[%dma_wait3A_604] : memref<24576xf32, #tpu.memory_space<vmem>> -> memref<768xf32, #tpu.memory_space<vmem>>
    %dma_wait3A_606 = arith.constant 0 : i32
    %dma_wait3A_607 = tpu.memref_slice %arg4[%dma_wait3A_603, %dma_wait3A_606] : memref<30x768xf32, #tpu.memory_space<hbm>> -> memref<1x768xf32, #tpu.memory_space<hbm>>
    %dma_wait3A_608 = tpu.memref_squeeze %dma_wait3A_607 : memref<1x768xf32, #tpu.memory_space<hbm>> -> memref<768xf32, #tpu.memory_space<hbm>>
    %dma_wait3A_609 = arith.constant 4608 : i32
    %dma_wait3A_610 = tpu.memref_slice %arg7[%dma_wait3A_609] : memref<24576xf32, #tpu.memory_space<vmem>> -> memref<768xf32, #tpu.memory_space<vmem>>
    %dma_wait3A_611 = arith.constant 0 : i32
    %dma_wait3A_612 = tpu.memref_slice %arg4[%dma_wait3A_603, %dma_wait3A_611] : memref<30x768xf32, #tpu.memory_space<hbm>> -> memref<1x768xf32, #tpu.memory_space<hbm>>
    %dma_wait3A_613 = tpu.memref_squeeze %dma_wait3A_612 : memref<1x768xf32, #tpu.memory_space<hbm>> -> memref<768xf32, #tpu.memory_space<hbm>>
    tpu.wait_dma2 semaphore(%arg14 : memref<!tpu.dma_semaphore, #tpu.memory_space<semaphore_mem>>) src(%dma_wait3A_613 : memref<768xf32, #tpu.memory_space<hbm>>) dst(%dma_wait3A_610 : memref<768xf32, #tpu.memory_space<vmem>>)
    %dma_wait3A_614 = arith.constant 7 : i32
    %dma_wait3A_615 = arith.constant 5376 : i32
    %dma_wait3A_616 = tpu.memref_slice %arg7[%dma_wait3A_615] : memref<24576xf32, #tpu.memory_space<vmem>> -> memref<768xf32, #tpu.memory_space<vmem>>
    %dma_wait3A_617 = arith.constant 0 : i32
    %dma_wait3A_618 = tpu.memref_slice %arg4[%dma_wait3A_614, %dma_wait3A_617] : memref<30x768xf32, #tpu.memory_space<hbm>> -> memref<1x768xf32, #tpu.memory_space<hbm>>
    %dma_wait3A_619 = tpu.memref_squeeze %dma_wait3A_618 : memref<1x768xf32, #tpu.memory_space<hbm>> -> memref<768xf32, #tpu.memory_space<hbm>>
    %dma_wait3A_620 = arith.constant 5376 : i32
    %dma_wait3A_621 = tpu.memref_slice %arg7[%dma_wait3A_620] : memref<24576xf32, #tpu.memory_space<vmem>> -> memref<768xf32, #tpu.memory_space<vmem>>
    %dma_wait3A_622 = arith.constant 0 : i32
    %dma_wait3A_623 = tpu.memref_slice %arg4[%dma_wait3A_614, %dma_wait3A_622] : memref<30x768xf32, #tpu.memory_space<hbm>> -> memref<1x768xf32, #tpu.memory_space<hbm>>
    %dma_wait3A_624 = tpu.memref_squeeze %dma_wait3A_623 : memref<1x768xf32, #tpu.memory_space<hbm>> -> memref<768xf32, #tpu.memory_space<hbm>>
    tpu.wait_dma2 semaphore(%arg14 : memref<!tpu.dma_semaphore, #tpu.memory_space<semaphore_mem>>) src(%dma_wait3A_624 : memref<768xf32, #tpu.memory_space<hbm>>) dst(%dma_wait3A_621 : memref<768xf32, #tpu.memory_space<vmem>>)
    %dma_wait3A_625 = arith.constant 8 : i32
    %dma_wait3A_626 = arith.constant 6144 : i32
    %dma_wait3A_627 = tpu.memref_slice %arg7[%dma_wait3A_626] : memref<24576xf32, #tpu.memory_space<vmem>> -> memref<768xf32, #tpu.memory_space<vmem>>
    %dma_wait3A_628 = arith.constant 0 : i32
    %dma_wait3A_629 = tpu.memref_slice %arg4[%dma_wait3A_625, %dma_wait3A_628] : memref<30x768xf32, #tpu.memory_space<hbm>> -> memref<1x768xf32, #tpu.memory_space<hbm>>
    %dma_wait3A_630 = tpu.memref_squeeze %dma_wait3A_629 : memref<1x768xf32, #tpu.memory_space<hbm>> -> memref<768xf32, #tpu.memory_space<hbm>>
    %dma_wait3A_631 = arith.constant 6144 : i32
    %dma_wait3A_632 = tpu.memref_slice %arg7[%dma_wait3A_631] : memref<24576xf32, #tpu.memory_space<vmem>> -> memref<768xf32, #tpu.memory_space<vmem>>
    %dma_wait3A_633 = arith.constant 0 : i32
    %dma_wait3A_634 = tpu.memref_slice %arg4[%dma_wait3A_625, %dma_wait3A_633] : memref<30x768xf32, #tpu.memory_space<hbm>> -> memref<1x768xf32, #tpu.memory_space<hbm>>
    %dma_wait3A_635 = tpu.memref_squeeze %dma_wait3A_634 : memref<1x768xf32, #tpu.memory_space<hbm>> -> memref<768xf32, #tpu.memory_space<hbm>>
    tpu.wait_dma2 semaphore(%arg14 : memref<!tpu.dma_semaphore, #tpu.memory_space<semaphore_mem>>) src(%dma_wait3A_635 : memref<768xf32, #tpu.memory_space<hbm>>) dst(%dma_wait3A_632 : memref<768xf32, #tpu.memory_space<vmem>>)
    %dma_wait3A_636 = arith.constant 9 : i32
    %dma_wait3A_637 = arith.constant 6912 : i32
    %dma_wait3A_638 = tpu.memref_slice %arg7[%dma_wait3A_637] : memref<24576xf32, #tpu.memory_space<vmem>> -> memref<768xf32, #tpu.memory_space<vmem>>
    %dma_wait3A_639 = arith.constant 0 : i32
    %dma_wait3A_640 = tpu.memref_slice %arg4[%dma_wait3A_636, %dma_wait3A_639] : memref<30x768xf32, #tpu.memory_space<hbm>> -> memref<1x768xf32, #tpu.memory_space<hbm>>
    %dma_wait3A_641 = tpu.memref_squeeze %dma_wait3A_640 : memref<1x768xf32, #tpu.memory_space<hbm>> -> memref<768xf32, #tpu.memory_space<hbm>>
    %dma_wait3A_642 = arith.constant 6912 : i32
    %dma_wait3A_643 = tpu.memref_slice %arg7[%dma_wait3A_642] : memref<24576xf32, #tpu.memory_space<vmem>> -> memref<768xf32, #tpu.memory_space<vmem>>
    %dma_wait3A_644 = arith.constant 0 : i32
    %dma_wait3A_645 = tpu.memref_slice %arg4[%dma_wait3A_636, %dma_wait3A_644] : memref<30x768xf32, #tpu.memory_space<hbm>> -> memref<1x768xf32, #tpu.memory_space<hbm>>
    %dma_wait3A_646 = tpu.memref_squeeze %dma_wait3A_645 : memref<1x768xf32, #tpu.memory_space<hbm>> -> memref<768xf32, #tpu.memory_space<hbm>>
    tpu.wait_dma2 semaphore(%arg14 : memref<!tpu.dma_semaphore, #tpu.memory_space<semaphore_mem>>) src(%dma_wait3A_646 : memref<768xf32, #tpu.memory_space<hbm>>) dst(%dma_wait3A_643 : memref<768xf32, #tpu.memory_space<vmem>>)
    %dma_wait3A_647 = arith.constant 10 : i32
    %dma_wait3A_648 = arith.constant 7680 : i32
    %dma_wait3A_649 = tpu.memref_slice %arg7[%dma_wait3A_648] : memref<24576xf32, #tpu.memory_space<vmem>> -> memref<768xf32, #tpu.memory_space<vmem>>
    %dma_wait3A_650 = arith.constant 0 : i32
    %dma_wait3A_651 = tpu.memref_slice %arg4[%dma_wait3A_647, %dma_wait3A_650] : memref<30x768xf32, #tpu.memory_space<hbm>> -> memref<1x768xf32, #tpu.memory_space<hbm>>
    %dma_wait3A_652 = tpu.memref_squeeze %dma_wait3A_651 : memref<1x768xf32, #tpu.memory_space<hbm>> -> memref<768xf32, #tpu.memory_space<hbm>>
    %dma_wait3A_653 = arith.constant 7680 : i32
    %dma_wait3A_654 = tpu.memref_slice %arg7[%dma_wait3A_653] : memref<24576xf32, #tpu.memory_space<vmem>> -> memref<768xf32, #tpu.memory_space<vmem>>
    %dma_wait3A_655 = arith.constant 0 : i32
    %dma_wait3A_656 = tpu.memref_slice %arg4[%dma_wait3A_647, %dma_wait3A_655] : memref<30x768xf32, #tpu.memory_space<hbm>> -> memref<1x768xf32, #tpu.memory_space<hbm>>
    %dma_wait3A_657 = tpu.memref_squeeze %dma_wait3A_656 : memref<1x768xf32, #tpu.memory_space<hbm>> -> memref<768xf32, #tpu.memory_space<hbm>>
    tpu.wait_dma2 semaphore(%arg14 : memref<!tpu.dma_semaphore, #tpu.memory_space<semaphore_mem>>) src(%dma_wait3A_657 : memref<768xf32, #tpu.memory_space<hbm>>) dst(%dma_wait3A_654 : memref<768xf32, #tpu.memory_space<vmem>>)
    %dma_wait3A_658 = arith.constant 11 : i32
    %dma_wait3A_659 = arith.constant 8448 : i32
    %dma_wait3A_660 = tpu.memref_slice %arg7[%dma_wait3A_659] : memref<24576xf32, #tpu.memory_space<vmem>> -> memref<768xf32, #tpu.memory_space<vmem>>
    %dma_wait3A_661 = arith.constant 0 : i32
    %dma_wait3A_662 = tpu.memref_slice %arg4[%dma_wait3A_658, %dma_wait3A_661] : memref<30x768xf32, #tpu.memory_space<hbm>> -> memref<1x768xf32, #tpu.memory_space<hbm>>
    %dma_wait3A_663 = tpu.memref_squeeze %dma_wait3A_662 : memref<1x768xf32, #tpu.memory_space<hbm>> -> memref<768xf32, #tpu.memory_space<hbm>>
    %dma_wait3A_664 = arith.constant 8448 : i32
    %dma_wait3A_665 = tpu.memref_slice %arg7[%dma_wait3A_664] : memref<24576xf32, #tpu.memory_space<vmem>> -> memref<768xf32, #tpu.memory_space<vmem>>
    %dma_wait3A_666 = arith.constant 0 : i32
    %dma_wait3A_667 = tpu.memref_slice %arg4[%dma_wait3A_658, %dma_wait3A_666] : memref<30x768xf32, #tpu.memory_space<hbm>> -> memref<1x768xf32, #tpu.memory_space<hbm>>
    %dma_wait3A_668 = tpu.memref_squeeze %dma_wait3A_667 : memref<1x768xf32, #tpu.memory_space<hbm>> -> memref<768xf32, #tpu.memory_space<hbm>>
    tpu.wait_dma2 semaphore(%arg14 : memref<!tpu.dma_semaphore, #tpu.memory_space<semaphore_mem>>) src(%dma_wait3A_668 : memref<768xf32, #tpu.memory_space<hbm>>) dst(%dma_wait3A_665 : memref<768xf32, #tpu.memory_space<vmem>>)
    %dma_wait3A_669 = arith.constant 12 : i32
    %dma_wait3A_670 = arith.constant 9216 : i32
    %dma_wait3A_671 = tpu.memref_slice %arg7[%dma_wait3A_670] : memref<24576xf32, #tpu.memory_space<vmem>> -> memref<768xf32, #tpu.memory_space<vmem>>
    %dma_wait3A_672 = arith.constant 0 : i32
    %dma_wait3A_673 = tpu.memref_slice %arg4[%dma_wait3A_669, %dma_wait3A_672] : memref<30x768xf32, #tpu.memory_space<hbm>> -> memref<1x768xf32, #tpu.memory_space<hbm>>
    %dma_wait3A_674 = tpu.memref_squeeze %dma_wait3A_673 : memref<1x768xf32, #tpu.memory_space<hbm>> -> memref<768xf32, #tpu.memory_space<hbm>>
    %dma_wait3A_675 = arith.constant 9216 : i32
    %dma_wait3A_676 = tpu.memref_slice %arg7[%dma_wait3A_675] : memref<24576xf32, #tpu.memory_space<vmem>> -> memref<768xf32, #tpu.memory_space<vmem>>
    %dma_wait3A_677 = arith.constant 0 : i32
    %dma_wait3A_678 = tpu.memref_slice %arg4[%dma_wait3A_669, %dma_wait3A_677] : memref<30x768xf32, #tpu.memory_space<hbm>> -> memref<1x768xf32, #tpu.memory_space<hbm>>
    %dma_wait3A_679 = tpu.memref_squeeze %dma_wait3A_678 : memref<1x768xf32, #tpu.memory_space<hbm>> -> memref<768xf32, #tpu.memory_space<hbm>>
    tpu.wait_dma2 semaphore(%arg14 : memref<!tpu.dma_semaphore, #tpu.memory_space<semaphore_mem>>) src(%dma_wait3A_679 : memref<768xf32, #tpu.memory_space<hbm>>) dst(%dma_wait3A_676 : memref<768xf32, #tpu.memory_space<vmem>>)
    %dma_wait3A_680 = arith.constant 13 : i32
    %dma_wait3A_681 = arith.constant 9984 : i32
    %dma_wait3A_682 = tpu.memref_slice %arg7[%dma_wait3A_681] : memref<24576xf32, #tpu.memory_space<vmem>> -> memref<768xf32, #tpu.memory_space<vmem>>
    %dma_wait3A_683 = arith.constant 0 : i32
    %dma_wait3A_684 = tpu.memref_slice %arg4[%dma_wait3A_680, %dma_wait3A_683] : memref<30x768xf32, #tpu.memory_space<hbm>> -> memref<1x768xf32, #tpu.memory_space<hbm>>
    %dma_wait3A_685 = tpu.memref_squeeze %dma_wait3A_684 : memref<1x768xf32, #tpu.memory_space<hbm>> -> memref<768xf32, #tpu.memory_space<hbm>>
    %dma_wait3A_686 = arith.constant 9984 : i32
    %dma_wait3A_687 = tpu.memref_slice %arg7[%dma_wait3A_686] : memref<24576xf32, #tpu.memory_space<vmem>> -> memref<768xf32, #tpu.memory_space<vmem>>
    %dma_wait3A_688 = arith.constant 0 : i32
    %dma_wait3A_689 = tpu.memref_slice %arg4[%dma_wait3A_680, %dma_wait3A_688] : memref<30x768xf32, #tpu.memory_space<hbm>> -> memref<1x768xf32, #tpu.memory_space<hbm>>
    %dma_wait3A_690 = tpu.memref_squeeze %dma_wait3A_689 : memref<1x768xf32, #tpu.memory_space<hbm>> -> memref<768xf32, #tpu.memory_space<hbm>>
    tpu.wait_dma2 semaphore(%arg14 : memref<!tpu.dma_semaphore, #tpu.memory_space<semaphore_mem>>) src(%dma_wait3A_690 : memref<768xf32, #tpu.memory_space<hbm>>) dst(%dma_wait3A_687 : memref<768xf32, #tpu.memory_space<vmem>>)
    %dma_wait3A_691 = arith.constant 14 : i32
    %dma_wait3A_692 = arith.constant 10752 : i32
    %dma_wait3A_693 = tpu.memref_slice %arg7[%dma_wait3A_692] : memref<24576xf32, #tpu.memory_space<vmem>> -> memref<768xf32, #tpu.memory_space<vmem>>
    %dma_wait3A_694 = arith.constant 0 : i32
    %dma_wait3A_695 = tpu.memref_slice %arg4[%dma_wait3A_691, %dma_wait3A_694] : memref<30x768xf32, #tpu.memory_space<hbm>> -> memref<1x768xf32, #tpu.memory_space<hbm>>
    %dma_wait3A_696 = tpu.memref_squeeze %dma_wait3A_695 : memref<1x768xf32, #tpu.memory_space<hbm>> -> memref<768xf32, #tpu.memory_space<hbm>>
    %dma_wait3A_697 = arith.constant 10752 : i32
    %dma_wait3A_698 = tpu.memref_slice %arg7[%dma_wait3A_697] : memref<24576xf32, #tpu.memory_space<vmem>> -> memref<768xf32, #tpu.memory_space<vmem>>
    %dma_wait3A_699 = arith.constant 0 : i32
    %dma_wait3A_700 = tpu.memref_slice %arg4[%dma_wait3A_691, %dma_wait3A_699] : memref<30x768xf32, #tpu.memory_space<hbm>> -> memref<1x768xf32, #tpu.memory_space<hbm>>
    %dma_wait3A_701 = tpu.memref_squeeze %dma_wait3A_700 : memref<1x768xf32, #tpu.memory_space<hbm>> -> memref<768xf32, #tpu.memory_space<hbm>>
    tpu.wait_dma2 semaphore(%arg14 : memref<!tpu.dma_semaphore, #tpu.memory_space<semaphore_mem>>) src(%dma_wait3A_701 : memref<768xf32, #tpu.memory_space<hbm>>) dst(%dma_wait3A_698 : memref<768xf32, #tpu.memory_space<vmem>>)
    %dma_wait3A_702 = arith.constant 15 : i32
    %dma_wait3A_703 = arith.constant 11520 : i32
    %dma_wait3A_704 = tpu.memref_slice %arg7[%dma_wait3A_703] : memref<24576xf32, #tpu.memory_space<vmem>> -> memref<768xf32, #tpu.memory_space<vmem>>
    %dma_wait3A_705 = arith.constant 0 : i32
    %dma_wait3A_706 = tpu.memref_slice %arg4[%dma_wait3A_702, %dma_wait3A_705] : memref<30x768xf32, #tpu.memory_space<hbm>> -> memref<1x768xf32, #tpu.memory_space<hbm>>
    %dma_wait3A_707 = tpu.memref_squeeze %dma_wait3A_706 : memref<1x768xf32, #tpu.memory_space<hbm>> -> memref<768xf32, #tpu.memory_space<hbm>>
    %dma_wait3A_708 = arith.constant 11520 : i32
    %dma_wait3A_709 = tpu.memref_slice %arg7[%dma_wait3A_708] : memref<24576xf32, #tpu.memory_space<vmem>> -> memref<768xf32, #tpu.memory_space<vmem>>
    %dma_wait3A_710 = arith.constant 0 : i32
    %dma_wait3A_711 = tpu.memref_slice %arg4[%dma_wait3A_702, %dma_wait3A_710] : memref<30x768xf32, #tpu.memory_space<hbm>> -> memref<1x768xf32, #tpu.memory_space<hbm>>
    %dma_wait3A_712 = tpu.memref_squeeze %dma_wait3A_711 : memref<1x768xf32, #tpu.memory_space<hbm>> -> memref<768xf32, #tpu.memory_space<hbm>>
    tpu.wait_dma2 semaphore(%arg14 : memref<!tpu.dma_semaphore, #tpu.memory_space<semaphore_mem>>) src(%dma_wait3A_712 : memref<768xf32, #tpu.memory_space<hbm>>) dst(%dma_wait3A_709 : memref<768xf32, #tpu.memory_space<vmem>>)
    %dma_wait3A_713 = arith.constant 16 : i32
    %dma_wait3A_714 = arith.constant 12288 : i32
    %dma_wait3A_715 = tpu.memref_slice %arg7[%dma_wait3A_714] : memref<24576xf32, #tpu.memory_space<vmem>> -> memref<768xf32, #tpu.memory_space<vmem>>
    %dma_wait3A_716 = arith.constant 0 : i32
    %dma_wait3A_717 = tpu.memref_slice %arg4[%dma_wait3A_713, %dma_wait3A_716] : memref<30x768xf32, #tpu.memory_space<hbm>> -> memref<1x768xf32, #tpu.memory_space<hbm>>
    %dma_wait3A_718 = tpu.memref_squeeze %dma_wait3A_717 : memref<1x768xf32, #tpu.memory_space<hbm>> -> memref<768xf32, #tpu.memory_space<hbm>>
    %dma_wait3A_719 = arith.constant 12288 : i32
    %dma_wait3A_720 = tpu.memref_slice %arg7[%dma_wait3A_719] : memref<24576xf32, #tpu.memory_space<vmem>> -> memref<768xf32, #tpu.memory_space<vmem>>
    %dma_wait3A_721 = arith.constant 0 : i32
    %dma_wait3A_722 = tpu.memref_slice %arg4[%dma_wait3A_713, %dma_wait3A_721] : memref<30x768xf32, #tpu.memory_space<hbm>> -> memref<1x768xf32, #tpu.memory_space<hbm>>
    %dma_wait3A_723 = tpu.memref_squeeze %dma_wait3A_722 : memref<1x768xf32, #tpu.memory_space<hbm>> -> memref<768xf32, #tpu.memory_space<hbm>>
    tpu.wait_dma2 semaphore(%arg14 : memref<!tpu.dma_semaphore, #tpu.memory_space<semaphore_mem>>) src(%dma_wait3A_723 : memref<768xf32, #tpu.memory_space<hbm>>) dst(%dma_wait3A_720 : memref<768xf32, #tpu.memory_space<vmem>>)
    %dma_wait3A_724 = arith.constant 17 : i32
    %dma_wait3A_725 = arith.constant 13056 : i32
    %dma_wait3A_726 = tpu.memref_slice %arg7[%dma_wait3A_725] : memref<24576xf32, #tpu.memory_space<vmem>> -> memref<768xf32, #tpu.memory_space<vmem>>
    %dma_wait3A_727 = arith.constant 0 : i32
    %dma_wait3A_728 = tpu.memref_slice %arg4[%dma_wait3A_724, %dma_wait3A_727] : memref<30x768xf32, #tpu.memory_space<hbm>> -> memref<1x768xf32, #tpu.memory_space<hbm>>
    %dma_wait3A_729 = tpu.memref_squeeze %dma_wait3A_728 : memref<1x768xf32, #tpu.memory_space<hbm>> -> memref<768xf32, #tpu.memory_space<hbm>>
    %dma_wait3A_730 = arith.constant 13056 : i32
    %dma_wait3A_731 = tpu.memref_slice %arg7[%dma_wait3A_730] : memref<24576xf32, #tpu.memory_space<vmem>> -> memref<768xf32, #tpu.memory_space<vmem>>
    %dma_wait3A_732 = arith.constant 0 : i32
    %dma_wait3A_733 = tpu.memref_slice %arg4[%dma_wait3A_724, %dma_wait3A_732] : memref<30x768xf32, #tpu.memory_space<hbm>> -> memref<1x768xf32, #tpu.memory_space<hbm>>
    %dma_wait3A_734 = tpu.memref_squeeze %dma_wait3A_733 : memref<1x768xf32, #tpu.memory_space<hbm>> -> memref<768xf32, #tpu.memory_space<hbm>>
    tpu.wait_dma2 semaphore(%arg14 : memref<!tpu.dma_semaphore, #tpu.memory_space<semaphore_mem>>) src(%dma_wait3A_734 : memref<768xf32, #tpu.memory_space<hbm>>) dst(%dma_wait3A_731 : memref<768xf32, #tpu.memory_space<vmem>>)
    %dma_wait3A_735 = arith.constant 18 : i32
    %dma_wait3A_736 = arith.constant 13824 : i32
    %dma_wait3A_737 = tpu.memref_slice %arg7[%dma_wait3A_736] : memref<24576xf32, #tpu.memory_space<vmem>> -> memref<768xf32, #tpu.memory_space<vmem>>
    %dma_wait3A_738 = arith.constant 0 : i32
    %dma_wait3A_739 = tpu.memref_slice %arg4[%dma_wait3A_735, %dma_wait3A_738] : memref<30x768xf32, #tpu.memory_space<hbm>> -> memref<1x768xf32, #tpu.memory_space<hbm>>
    %dma_wait3A_740 = tpu.memref_squeeze %dma_wait3A_739 : memref<1x768xf32, #tpu.memory_space<hbm>> -> memref<768xf32, #tpu.memory_space<hbm>>
    %dma_wait3A_741 = arith.constant 13824 : i32
    %dma_wait3A_742 = tpu.memref_slice %arg7[%dma_wait3A_741] : memref<24576xf32, #tpu.memory_space<vmem>> -> memref<768xf32, #tpu.memory_space<vmem>>
    %dma_wait3A_743 = arith.constant 0 : i32
    %dma_wait3A_744 = tpu.memref_slice %arg4[%dma_wait3A_735, %dma_wait3A_743] : memref<30x768xf32, #tpu.memory_space<hbm>> -> memref<1x768xf32, #tpu.memory_space<hbm>>
    %dma_wait3A_745 = tpu.memref_squeeze %dma_wait3A_744 : memref<1x768xf32, #tpu.memory_space<hbm>> -> memref<768xf32, #tpu.memory_space<hbm>>
    tpu.wait_dma2 semaphore(%arg14 : memref<!tpu.dma_semaphore, #tpu.memory_space<semaphore_mem>>) src(%dma_wait3A_745 : memref<768xf32, #tpu.memory_space<hbm>>) dst(%dma_wait3A_742 : memref<768xf32, #tpu.memory_space<vmem>>)
    %dma_wait3A_746 = arith.constant 19 : i32
    %dma_wait3A_747 = arith.constant 14592 : i32
    %dma_wait3A_748 = tpu.memref_slice %arg7[%dma_wait3A_747] : memref<24576xf32, #tpu.memory_space<vmem>> -> memref<768xf32, #tpu.memory_space<vmem>>
    %dma_wait3A_749 = arith.constant 0 : i32
    %dma_wait3A_750 = tpu.memref_slice %arg4[%dma_wait3A_746, %dma_wait3A_749] : memref<30x768xf32, #tpu.memory_space<hbm>> -> memref<1x768xf32, #tpu.memory_space<hbm>>
    %dma_wait3A_751 = tpu.memref_squeeze %dma_wait3A_750 : memref<1x768xf32, #tpu.memory_space<hbm>> -> memref<768xf32, #tpu.memory_space<hbm>>
    %dma_wait3A_752 = arith.constant 14592 : i32
    %dma_wait3A_753 = tpu.memref_slice %arg7[%dma_wait3A_752] : memref<24576xf32, #tpu.memory_space<vmem>> -> memref<768xf32, #tpu.memory_space<vmem>>
    %dma_wait3A_754 = arith.constant 0 : i32
    %dma_wait3A_755 = tpu.memref_slice %arg4[%dma_wait3A_746, %dma_wait3A_754] : memref<30x768xf32, #tpu.memory_space<hbm>> -> memref<1x768xf32, #tpu.memory_space<hbm>>
    %dma_wait3A_756 = tpu.memref_squeeze %dma_wait3A_755 : memref<1x768xf32, #tpu.memory_space<hbm>> -> memref<768xf32, #tpu.memory_space<hbm>>
    tpu.wait_dma2 semaphore(%arg14 : memref<!tpu.dma_semaphore, #tpu.memory_space<semaphore_mem>>) src(%dma_wait3A_756 : memref<768xf32, #tpu.memory_space<hbm>>) dst(%dma_wait3A_753 : memref<768xf32, #tpu.memory_space<vmem>>)
    %dma_wait3A_757 = arith.constant 20 : i32
    %dma_wait3A_758 = arith.constant 15360 : i32
    %dma_wait3A_759 = tpu.memref_slice %arg7[%dma_wait3A_758] : memref<24576xf32, #tpu.memory_space<vmem>> -> memref<768xf32, #tpu.memory_space<vmem>>
    %dma_wait3A_760 = arith.constant 0 : i32
    %dma_wait3A_761 = tpu.memref_slice %arg4[%dma_wait3A_757, %dma_wait3A_760] : memref<30x768xf32, #tpu.memory_space<hbm>> -> memref<1x768xf32, #tpu.memory_space<hbm>>
    %dma_wait3A_762 = tpu.memref_squeeze %dma_wait3A_761 : memref<1x768xf32, #tpu.memory_space<hbm>> -> memref<768xf32, #tpu.memory_space<hbm>>
    %dma_wait3A_763 = arith.constant 15360 : i32
    %dma_wait3A_764 = tpu.memref_slice %arg7[%dma_wait3A_763] : memref<24576xf32, #tpu.memory_space<vmem>> -> memref<768xf32, #tpu.memory_space<vmem>>
    %dma_wait3A_765 = arith.constant 0 : i32
    %dma_wait3A_766 = tpu.memref_slice %arg4[%dma_wait3A_757, %dma_wait3A_765] : memref<30x768xf32, #tpu.memory_space<hbm>> -> memref<1x768xf32, #tpu.memory_space<hbm>>
    %dma_wait3A_767 = tpu.memref_squeeze %dma_wait3A_766 : memref<1x768xf32, #tpu.memory_space<hbm>> -> memref<768xf32, #tpu.memory_space<hbm>>
    tpu.wait_dma2 semaphore(%arg14 : memref<!tpu.dma_semaphore, #tpu.memory_space<semaphore_mem>>) src(%dma_wait3A_767 : memref<768xf32, #tpu.memory_space<hbm>>) dst(%dma_wait3A_764 : memref<768xf32, #tpu.memory_space<vmem>>)
    %dma_wait3A_768 = arith.constant 21 : i32
    %dma_wait3A_769 = arith.constant 16128 : i32
    %dma_wait3A_770 = tpu.memref_slice %arg7[%dma_wait3A_769] : memref<24576xf32, #tpu.memory_space<vmem>> -> memref<768xf32, #tpu.memory_space<vmem>>
    %dma_wait3A_771 = arith.constant 0 : i32
    %dma_wait3A_772 = tpu.memref_slice %arg4[%dma_wait3A_768, %dma_wait3A_771] : memref<30x768xf32, #tpu.memory_space<hbm>> -> memref<1x768xf32, #tpu.memory_space<hbm>>
    %dma_wait3A_773 = tpu.memref_squeeze %dma_wait3A_772 : memref<1x768xf32, #tpu.memory_space<hbm>> -> memref<768xf32, #tpu.memory_space<hbm>>
    %dma_wait3A_774 = arith.constant 16128 : i32
    %dma_wait3A_775 = tpu.memref_slice %arg7[%dma_wait3A_774] : memref<24576xf32, #tpu.memory_space<vmem>> -> memref<768xf32, #tpu.memory_space<vmem>>
    %dma_wait3A_776 = arith.constant 0 : i32
    %dma_wait3A_777 = tpu.memref_slice %arg4[%dma_wait3A_768, %dma_wait3A_776] : memref<30x768xf32, #tpu.memory_space<hbm>> -> memref<1x768xf32, #tpu.memory_space<hbm>>
    %dma_wait3A_778 = tpu.memref_squeeze %dma_wait3A_777 : memref<1x768xf32, #tpu.memory_space<hbm>> -> memref<768xf32, #tpu.memory_space<hbm>>
    tpu.wait_dma2 semaphore(%arg14 : memref<!tpu.dma_semaphore, #tpu.memory_space<semaphore_mem>>) src(%dma_wait3A_778 : memref<768xf32, #tpu.memory_space<hbm>>) dst(%dma_wait3A_775 : memref<768xf32, #tpu.memory_space<vmem>>)
    %dma_wait3A_779 = arith.constant 22 : i32
    %dma_wait3A_780 = arith.constant 16896 : i32
    %dma_wait3A_781 = tpu.memref_slice %arg7[%dma_wait3A_780] : memref<24576xf32, #tpu.memory_space<vmem>> -> memref<768xf32, #tpu.memory_space<vmem>>
    %dma_wait3A_782 = arith.constant 0 : i32
    %dma_wait3A_783 = tpu.memref_slice %arg4[%dma_wait3A_779, %dma_wait3A_782] : memref<30x768xf32, #tpu.memory_space<hbm>> -> memref<1x768xf32, #tpu.memory_space<hbm>>
    %dma_wait3A_784 = tpu.memref_squeeze %dma_wait3A_783 : memref<1x768xf32, #tpu.memory_space<hbm>> -> memref<768xf32, #tpu.memory_space<hbm>>
    %dma_wait3A_785 = arith.constant 16896 : i32
    %dma_wait3A_786 = tpu.memref_slice %arg7[%dma_wait3A_785] : memref<24576xf32, #tpu.memory_space<vmem>> -> memref<768xf32, #tpu.memory_space<vmem>>
    %dma_wait3A_787 = arith.constant 0 : i32
    %dma_wait3A_788 = tpu.memref_slice %arg4[%dma_wait3A_779, %dma_wait3A_787] : memref<30x768xf32, #tpu.memory_space<hbm>> -> memref<1x768xf32, #tpu.memory_space<hbm>>
    %dma_wait3A_789 = tpu.memref_squeeze %dma_wait3A_788 : memref<1x768xf32, #tpu.memory_space<hbm>> -> memref<768xf32, #tpu.memory_space<hbm>>
    tpu.wait_dma2 semaphore(%arg14 : memref<!tpu.dma_semaphore, #tpu.memory_space<semaphore_mem>>) src(%dma_wait3A_789 : memref<768xf32, #tpu.memory_space<hbm>>) dst(%dma_wait3A_786 : memref<768xf32, #tpu.memory_space<vmem>>)
    %dma_wait3A_790 = arith.constant 23 : i32
    %dma_wait3A_791 = arith.constant 17664 : i32
    %dma_wait3A_792 = tpu.memref_slice %arg7[%dma_wait3A_791] : memref<24576xf32, #tpu.memory_space<vmem>> -> memref<768xf32, #tpu.memory_space<vmem>>
    %dma_wait3A_793 = arith.constant 0 : i32
    %dma_wait3A_794 = tpu.memref_slice %arg4[%dma_wait3A_790, %dma_wait3A_793] : memref<30x768xf32, #tpu.memory_space<hbm>> -> memref<1x768xf32, #tpu.memory_space<hbm>>
    %dma_wait3A_795 = tpu.memref_squeeze %dma_wait3A_794 : memref<1x768xf32, #tpu.memory_space<hbm>> -> memref<768xf32, #tpu.memory_space<hbm>>
    %dma_wait3A_796 = arith.constant 17664 : i32
    %dma_wait3A_797 = tpu.memref_slice %arg7[%dma_wait3A_796] : memref<24576xf32, #tpu.memory_space<vmem>> -> memref<768xf32, #tpu.memory_space<vmem>>
    %dma_wait3A_798 = arith.constant 0 : i32
    %dma_wait3A_799 = tpu.memref_slice %arg4[%dma_wait3A_790, %dma_wait3A_798] : memref<30x768xf32, #tpu.memory_space<hbm>> -> memref<1x768xf32, #tpu.memory_space<hbm>>
    %dma_wait3A_800 = tpu.memref_squeeze %dma_wait3A_799 : memref<1x768xf32, #tpu.memory_space<hbm>> -> memref<768xf32, #tpu.memory_space<hbm>>
    tpu.wait_dma2 semaphore(%arg14 : memref<!tpu.dma_semaphore, #tpu.memory_space<semaphore_mem>>) src(%dma_wait3A_800 : memref<768xf32, #tpu.memory_space<hbm>>) dst(%dma_wait3A_797 : memref<768xf32, #tpu.memory_space<vmem>>)
    %dma_wait3A_801 = arith.constant 24 : i32
    %dma_wait3A_802 = arith.constant 18432 : i32
    %dma_wait3A_803 = tpu.memref_slice %arg7[%dma_wait3A_802] : memref<24576xf32, #tpu.memory_space<vmem>> -> memref<768xf32, #tpu.memory_space<vmem>>
    %dma_wait3A_804 = arith.constant 0 : i32
    %dma_wait3A_805 = tpu.memref_slice %arg4[%dma_wait3A_801, %dma_wait3A_804] : memref<30x768xf32, #tpu.memory_space<hbm>> -> memref<1x768xf32, #tpu.memory_space<hbm>>
    %dma_wait3A_806 = tpu.memref_squeeze %dma_wait3A_805 : memref<1x768xf32, #tpu.memory_space<hbm>> -> memref<768xf32, #tpu.memory_space<hbm>>
    %dma_wait3A_807 = arith.constant 18432 : i32
    %dma_wait3A_808 = tpu.memref_slice %arg7[%dma_wait3A_807] : memref<24576xf32, #tpu.memory_space<vmem>> -> memref<768xf32, #tpu.memory_space<vmem>>
    %dma_wait3A_809 = arith.constant 0 : i32
    %dma_wait3A_810 = tpu.memref_slice %arg4[%dma_wait3A_801, %dma_wait3A_809] : memref<30x768xf32, #tpu.memory_space<hbm>> -> memref<1x768xf32, #tpu.memory_space<hbm>>
    %dma_wait3A_811 = tpu.memref_squeeze %dma_wait3A_810 : memref<1x768xf32, #tpu.memory_space<hbm>> -> memref<768xf32, #tpu.memory_space<hbm>>
    tpu.wait_dma2 semaphore(%arg14 : memref<!tpu.dma_semaphore, #tpu.memory_space<semaphore_mem>>) src(%dma_wait3A_811 : memref<768xf32, #tpu.memory_space<hbm>>) dst(%dma_wait3A_808 : memref<768xf32, #tpu.memory_space<vmem>>)
    %dma_wait3A_812 = arith.constant 25 : i32
    %dma_wait3A_813 = arith.constant 19200 : i32
    %dma_wait3A_814 = tpu.memref_slice %arg7[%dma_wait3A_813] : memref<24576xf32, #tpu.memory_space<vmem>> -> memref<768xf32, #tpu.memory_space<vmem>>
    %dma_wait3A_815 = arith.constant 0 : i32
    %dma_wait3A_816 = tpu.memref_slice %arg4[%dma_wait3A_812, %dma_wait3A_815] : memref<30x768xf32, #tpu.memory_space<hbm>> -> memref<1x768xf32, #tpu.memory_space<hbm>>
    %dma_wait3A_817 = tpu.memref_squeeze %dma_wait3A_816 : memref<1x768xf32, #tpu.memory_space<hbm>> -> memref<768xf32, #tpu.memory_space<hbm>>
    %dma_wait3A_818 = arith.constant 19200 : i32
    %dma_wait3A_819 = tpu.memref_slice %arg7[%dma_wait3A_818] : memref<24576xf32, #tpu.memory_space<vmem>> -> memref<768xf32, #tpu.memory_space<vmem>>
    %dma_wait3A_820 = arith.constant 0 : i32
    %dma_wait3A_821 = tpu.memref_slice %arg4[%dma_wait3A_812, %dma_wait3A_820] : memref<30x768xf32, #tpu.memory_space<hbm>> -> memref<1x768xf32, #tpu.memory_space<hbm>>
    %dma_wait3A_822 = tpu.memref_squeeze %dma_wait3A_821 : memref<1x768xf32, #tpu.memory_space<hbm>> -> memref<768xf32, #tpu.memory_space<hbm>>
    tpu.wait_dma2 semaphore(%arg14 : memref<!tpu.dma_semaphore, #tpu.memory_space<semaphore_mem>>) src(%dma_wait3A_822 : memref<768xf32, #tpu.memory_space<hbm>>) dst(%dma_wait3A_819 : memref<768xf32, #tpu.memory_space<vmem>>)
    %dma_wait3A_823 = arith.constant 26 : i32
    %dma_wait3A_824 = arith.constant 19968 : i32
    %dma_wait3A_825 = tpu.memref_slice %arg7[%dma_wait3A_824] : memref<24576xf32, #tpu.memory_space<vmem>> -> memref<768xf32, #tpu.memory_space<vmem>>
    %dma_wait3A_826 = arith.constant 0 : i32
    %dma_wait3A_827 = tpu.memref_slice %arg4[%dma_wait3A_823, %dma_wait3A_826] : memref<30x768xf32, #tpu.memory_space<hbm>> -> memref<1x768xf32, #tpu.memory_space<hbm>>
    %dma_wait3A_828 = tpu.memref_squeeze %dma_wait3A_827 : memref<1x768xf32, #tpu.memory_space<hbm>> -> memref<768xf32, #tpu.memory_space<hbm>>
    %dma_wait3A_829 = arith.constant 19968 : i32
    %dma_wait3A_830 = tpu.memref_slice %arg7[%dma_wait3A_829] : memref<24576xf32, #tpu.memory_space<vmem>> -> memref<768xf32, #tpu.memory_space<vmem>>
    %dma_wait3A_831 = arith.constant 0 : i32
    %dma_wait3A_832 = tpu.memref_slice %arg4[%dma_wait3A_823, %dma_wait3A_831] : memref<30x768xf32, #tpu.memory_space<hbm>> -> memref<1x768xf32, #tpu.memory_space<hbm>>
    %dma_wait3A_833 = tpu.memref_squeeze %dma_wait3A_832 : memref<1x768xf32, #tpu.memory_space<hbm>> -> memref<768xf32, #tpu.memory_space<hbm>>
    tpu.wait_dma2 semaphore(%arg14 : memref<!tpu.dma_semaphore, #tpu.memory_space<semaphore_mem>>) src(%dma_wait3A_833 : memref<768xf32, #tpu.memory_space<hbm>>) dst(%dma_wait3A_830 : memref<768xf32, #tpu.memory_space<vmem>>)
    %dma_wait3A_834 = arith.constant 27 : i32
    %dma_wait3A_835 = arith.constant 20736 : i32
    %dma_wait3A_836 = tpu.memref_slice %arg7[%dma_wait3A_835] : memref<24576xf32, #tpu.memory_space<vmem>> -> memref<768xf32, #tpu.memory_space<vmem>>
    %dma_wait3A_837 = arith.constant 0 : i32
    %dma_wait3A_838 = tpu.memref_slice %arg4[%dma_wait3A_834, %dma_wait3A_837] : memref<30x768xf32, #tpu.memory_space<hbm>> -> memref<1x768xf32, #tpu.memory_space<hbm>>
    %dma_wait3A_839 = tpu.memref_squeeze %dma_wait3A_838 : memref<1x768xf32, #tpu.memory_space<hbm>> -> memref<768xf32, #tpu.memory_space<hbm>>
    %dma_wait3A_840 = arith.constant 20736 : i32
    %dma_wait3A_841 = tpu.memref_slice %arg7[%dma_wait3A_840] : memref<24576xf32, #tpu.memory_space<vmem>> -> memref<768xf32, #tpu.memory_space<vmem>>
    %dma_wait3A_842 = arith.constant 0 : i32
    %dma_wait3A_843 = tpu.memref_slice %arg4[%dma_wait3A_834, %dma_wait3A_842] : memref<30x768xf32, #tpu.memory_space<hbm>> -> memref<1x768xf32, #tpu.memory_space<hbm>>
    %dma_wait3A_844 = tpu.memref_squeeze %dma_wait3A_843 : memref<1x768xf32, #tpu.memory_space<hbm>> -> memref<768xf32, #tpu.memory_space<hbm>>
    tpu.wait_dma2 semaphore(%arg14 : memref<!tpu.dma_semaphore, #tpu.memory_space<semaphore_mem>>) src(%dma_wait3A_844 : memref<768xf32, #tpu.memory_space<hbm>>) dst(%dma_wait3A_841 : memref<768xf32, #tpu.memory_space<vmem>>)
    %dma_wait3A_845 = arith.constant 28 : i32
    %dma_wait3A_846 = arith.constant 21504 : i32
    %dma_wait3A_847 = tpu.memref_slice %arg7[%dma_wait3A_846] : memref<24576xf32, #tpu.memory_space<vmem>> -> memref<768xf32, #tpu.memory_space<vmem>>
    %dma_wait3A_848 = arith.constant 0 : i32
    %dma_wait3A_849 = tpu.memref_slice %arg4[%dma_wait3A_845, %dma_wait3A_848] : memref<30x768xf32, #tpu.memory_space<hbm>> -> memref<1x768xf32, #tpu.memory_space<hbm>>
    %dma_wait3A_850 = tpu.memref_squeeze %dma_wait3A_849 : memref<1x768xf32, #tpu.memory_space<hbm>> -> memref<768xf32, #tpu.memory_space<hbm>>
    %dma_wait3A_851 = arith.constant 21504 : i32
    %dma_wait3A_852 = tpu.memref_slice %arg7[%dma_wait3A_851] : memref<24576xf32, #tpu.memory_space<vmem>> -> memref<768xf32, #tpu.memory_space<vmem>>
    %dma_wait3A_853 = arith.constant 0 : i32
    %dma_wait3A_854 = tpu.memref_slice %arg4[%dma_wait3A_845, %dma_wait3A_853] : memref<30x768xf32, #tpu.memory_space<hbm>> -> memref<1x768xf32, #tpu.memory_space<hbm>>
    %dma_wait3A_855 = tpu.memref_squeeze %dma_wait3A_854 : memref<1x768xf32, #tpu.memory_space<hbm>> -> memref<768xf32, #tpu.memory_space<hbm>>
    tpu.wait_dma2 semaphore(%arg14 : memref<!tpu.dma_semaphore, #tpu.memory_space<semaphore_mem>>) src(%dma_wait3A_855 : memref<768xf32, #tpu.memory_space<hbm>>) dst(%dma_wait3A_852 : memref<768xf32, #tpu.memory_space<vmem>>)
    %dma_wait3A_856 = arith.constant 29 : i32
    %dma_wait3A_857 = arith.constant 22272 : i32
    %dma_wait3A_858 = tpu.memref_slice %arg7[%dma_wait3A_857] : memref<24576xf32, #tpu.memory_space<vmem>> -> memref<768xf32, #tpu.memory_space<vmem>>
    %dma_wait3A_859 = arith.constant 0 : i32
    %dma_wait3A_860 = tpu.memref_slice %arg4[%dma_wait3A_856, %dma_wait3A_859] : memref<30x768xf32, #tpu.memory_space<hbm>> -> memref<1x768xf32, #tpu.memory_space<hbm>>
    %dma_wait3A_861 = tpu.memref_squeeze %dma_wait3A_860 : memref<1x768xf32, #tpu.memory_space<hbm>> -> memref<768xf32, #tpu.memory_space<hbm>>
    %dma_wait3A_862 = arith.constant 22272 : i32
    %dma_wait3A_863 = tpu.memref_slice %arg7[%dma_wait3A_862] : memref<24576xf32, #tpu.memory_space<vmem>> -> memref<768xf32, #tpu.memory_space<vmem>>
    %dma_wait3A_864 = arith.constant 0 : i32
    %dma_wait3A_865 = tpu.memref_slice %arg4[%dma_wait3A_856, %dma_wait3A_864] : memref<30x768xf32, #tpu.memory_space<hbm>> -> memref<1x768xf32, #tpu.memory_space<hbm>>
    %dma_wait3A_866 = tpu.memref_squeeze %dma_wait3A_865 : memref<1x768xf32, #tpu.memory_space<hbm>> -> memref<768xf32, #tpu.memory_space<hbm>>
    tpu.wait_dma2 semaphore(%arg14 : memref<!tpu.dma_semaphore, #tpu.memory_space<semaphore_mem>>) src(%dma_wait3A_866 : memref<768xf32, #tpu.memory_space<hbm>>) dst(%dma_wait3A_863 : memref<768xf32, #tpu.memory_space<vmem>>)
    %dma_wait3A_867 = tpu.memref_slice %arg3[%shift_right_arithmetic3A_338, %mul3A_341] : memref<4x2048xi32, #tpu.memory_space<hbm>> -> memref<1x256xi32, #tpu.memory_space<hbm>>
    %dma_wait3A_868 = tpu.memref_squeeze %dma_wait3A_867 : memref<1x256xi32, #tpu.memory_space<hbm>> -> memref<256xi32, #tpu.memory_space<hbm>>
    %dma_wait3A_869 = tpu.memref_slice %arg3[%shift_right_arithmetic3A_338, %mul3A_341] : memref<4x2048xi32, #tpu.memory_space<hbm>> -> memref<1x256xi32, #tpu.memory_space<hbm>>
    %dma_wait3A_870 = tpu.memref_squeeze %dma_wait3A_869 : memref<1x256xi32, #tpu.memory_space<hbm>> -> memref<256xi32, #tpu.memory_space<hbm>>
    tpu.wait_dma2 semaphore(%arg14 : memref<!tpu.dma_semaphore, #tpu.memory_space<semaphore_mem>>) src(%dma_wait3A_870 : memref<256xi32, #tpu.memory_space<hbm>>) dst(%arg6 : memref<256xi32, #tpu.memory_space<vmem>>)
    %dma_wait3A_871 = arith.constant 0 : i32
    %dma_wait3A_872 = tpu.memref_slice %arg2[%add3A_4, %dma_wait3A_871] : memref<8192x768xf32, #tpu.memory_space<hbm>> -> memref<64x768xf32, #tpu.memory_space<hbm>>
    %dma_wait3A_873 = arith.constant 0 : i32
    %dma_wait3A_874 = tpu.memref_slice %arg2[%add3A_4, %dma_wait3A_873] : memref<8192x768xf32, #tpu.memory_space<hbm>> -> memref<64x768xf32, #tpu.memory_space<hbm>>
    tpu.wait_dma2 semaphore(%arg10 : memref<!tpu.dma_semaphore, #tpu.memory_space<semaphore_mem>>) src(%dma_wait3A_874 : memref<64x768xf32, #tpu.memory_space<hbm>>) dst(%arg8 : memref<64x768xf32, #tpu.memory_space<vmem>>)
    %scan3A = arith.constant 0 : i32
    %scan3A_875 = arith.constant 0 : i32
    %scan3A_876 = arith.constant 16 : i32
    %scan3A_877 = arith.addi %scan3A_875, %scan3A_876 : i32
    %scan3A_878 = arith.constant 1 : i32
    scf.for %scan3A_964 = %scan3A_875 to %scan3A_877 step %scan3A_878  : i32 {
      %mul3A_965 = arith.constant 4 : i32
      %mul3A_966 = arith.muli %scan3A_964, %mul3A_965 : i32
      %add3A_967 = arith.constant 0 : i32
      %add3A_968 = arith.addi %mul3A_966, %add3A_967 : i32
      %mul3A_969 = arith.constant 4 : i32
      %mul3A_970 = arith.muli %scan3A_964, %mul3A_969 : i32
      %add3A_971 = arith.constant 1 : i32
      %add3A_972 = arith.addi %mul3A_970, %add3A_971 : i32
      %mul3A_973 = arith.constant 4 : i32
      %mul3A_974 = arith.muli %scan3A_964, %mul3A_973 : i32
      %add3A_975 = arith.constant 2 : i32
      %add3A_976 = arith.addi %mul3A_974, %add3A_975 : i32
      %mul3A_977 = arith.constant 4 : i32
      %mul3A_978 = arith.muli %scan3A_964, %mul3A_977 : i32
      %add3A_979 = arith.constant 3 : i32
      %add3A_980 = arith.addi %mul3A_978, %add3A_979 : i32
      %add3A_981 = arith.constant 0 : i32
      %add3A_982 = arith.addi %add3A_981, %add3A_968 : i32
      %broadcast_in_dim3A_983 = vector.broadcast %add3A_982 : i32 to vector<16xi32>
      %gather3A = tpu.vector_load_idx %arg6[%broadcast_in_dim3A_983] : memref<256xi32, #tpu.memory_space<vmem>>[vector<16xi32>], vector<16xi32>,
      %add3A_984 = arith.constant 0 : i32
      %add3A_985 = arith.addi %add3A_984, %add3A_972 : i32
      %broadcast_in_dim3A_986 = vector.broadcast %add3A_985 : i32 to vector<16xi32>
      %gather3A_987 = tpu.vector_load_idx %arg6[%broadcast_in_dim3A_986] : memref<256xi32, #tpu.memory_space<vmem>>[vector<16xi32>], vector<16xi32>,
      %add3A_988 = arith.constant 0 : i32
      %add3A_989 = arith.addi %add3A_988, %add3A_976 : i32
      %broadcast_in_dim3A_990 = vector.broadcast %add3A_989 : i32 to vector<16xi32>
      %gather3A_991 = tpu.vector_load_idx %arg6[%broadcast_in_dim3A_990] : memref<256xi32, #tpu.memory_space<vmem>>[vector<16xi32>], vector<16xi32>,
      %add3A_992 = arith.constant 0 : i32
      %add3A_993 = arith.addi %add3A_992, %add3A_980 : i32
      %broadcast_in_dim3A_994 = vector.broadcast %add3A_993 : i32 to vector<16xi32>
      %gather3A_995 = tpu.vector_load_idx %arg6[%broadcast_in_dim3A_994] : memref<256xi32, #tpu.memory_space<vmem>>[vector<16xi32>], vector<16xi32>,
      %broadcast_in_dim3A_996 = arith.constant 30 : i32
      %broadcast_in_dim3A_997 = vector.broadcast %broadcast_in_dim3A_996 : i32 to vector<16xi32>
      %add3A_998 = arith.constant 0 : i32
      %add3A_999 = arith.addi %mul3A_2, %add3A_998 : i32
      %add3A_1000 = arith.addi %add3A_999, %add3A_968 : i32
      %and3A_1001 = arith.constant 2047 : i32
      %and3A_1002 = arith.andi %add3A_1000, %and3A_1001 : i32
      %eq3A = arith.constant 0 : i32
      %eq3A_1003 = arith.cmpi eq, %and3A_1002, %eq3A : i32
      %broadcast_in_dim3A_1004 = vector.broadcast %eq3A_1003 : i1 to vector<16xi1>
      %select_n3A = arith.select %broadcast_in_dim3A_1004, %broadcast_in_dim3A_997, %gather3A : vector<16xi1>, vector<16xi32>
      %add3A_1005 = arith.constant 0 : i32
      %add3A_1006 = arith.addi %mul3A_2, %add3A_1005 : i32
      %add3A_1007 = arith.addi %add3A_1006, %add3A_972 : i32
      %and3A_1008 = arith.constant 2047 : i32
      %and3A_1009 = arith.andi %add3A_1007, %and3A_1008 : i32
      %eq3A_1010 = arith.constant 0 : i32
      %eq3A_1011 = arith.cmpi eq, %and3A_1009, %eq3A_1010 : i32
      %broadcast_in_dim3A_1012 = vector.broadcast %eq3A_1011 : i1 to vector<16xi1>
      %select_n3A_1013 = arith.select %broadcast_in_dim3A_1012, %broadcast_in_dim3A_997, %gather3A_987 : vector<16xi1>, vector<16xi32>
      %add3A_1014 = arith.constant 0 : i32
      %add3A_1015 = arith.addi %mul3A_2, %add3A_1014 : i32
      %add3A_1016 = arith.addi %add3A_1015, %add3A_976 : i32
      %and3A_1017 = arith.constant 2047 : i32
      %and3A_1018 = arith.andi %add3A_1016, %and3A_1017 : i32
      %eq3A_1019 = arith.constant 0 : i32
      %eq3A_1020 = arith.cmpi eq, %and3A_1018, %eq3A_1019 : i32
      %broadcast_in_dim3A_1021 = vector.broadcast %eq3A_1020 : i1 to vector<16xi1>
      %select_n3A_1022 = arith.select %broadcast_in_dim3A_1021, %broadcast_in_dim3A_997, %gather3A_991 : vector<16xi1>, vector<16xi32>
      %add3A_1023 = arith.constant 0 : i32
      %add3A_1024 = arith.addi %mul3A_2, %add3A_1023 : i32
      %add3A_1025 = arith.addi %add3A_1024, %add3A_980 : i32
      %and3A_1026 = arith.constant 2047 : i32
      %and3A_1027 = arith.andi %add3A_1025, %and3A_1026 : i32
      %eq3A_1028 = arith.constant 0 : i32
      %eq3A_1029 = arith.cmpi eq, %and3A_1027, %eq3A_1028 : i32
      %broadcast_in_dim3A_1030 = vector.broadcast %eq3A_1029 : i1 to vector<16xi1>
      %select_n3A_1031 = arith.select %broadcast_in_dim3A_1030, %broadcast_in_dim3A_997, %gather3A_995 : vector<16xi1>, vector<16xi32>
      %mul3A_1032 = arith.constant 768 : i32
      %mul3A_1033 = vector.broadcast %mul3A_1032 : i32 to vector<16xi32>
      %mul3A_1034 = arith.muli %select_n3A, %mul3A_1033 : vector<16xi32>
      %add3A_1035 = arith.addi %mul3A_1034, %iota3A : vector<16xi32>
      %mul3A_1036 = arith.constant 768 : i32
      %mul3A_1037 = vector.broadcast %mul3A_1036 : i32 to vector<16xi32>
      %mul3A_1038 = arith.muli %select_n3A_1013, %mul3A_1037 : vector<16xi32>
      %add3A_1039 = arith.addi %mul3A_1038, %iota3A : vector<16xi32>
      %mul3A_1040 = arith.constant 768 : i32
      %mul3A_1041 = vector.broadcast %mul3A_1040 : i32 to vector<16xi32>
      %mul3A_1042 = arith.muli %select_n3A_1022, %mul3A_1041 : vector<16xi32>
      %add3A_1043 = arith.addi %mul3A_1042, %iota3A : vector<16xi32>
      %mul3A_1044 = arith.constant 768 : i32
      %mul3A_1045 = vector.broadcast %mul3A_1044 : i32 to vector<16xi32>
      %mul3A_1046 = arith.muli %select_n3A_1031, %mul3A_1045 : vector<16xi32>
      %add3A_1047 = arith.addi %mul3A_1046, %iota3A : vector<16xi32>
      %parallel_loop3A = arith.constant 0 : i32
      %parallel_loop3A_1048 = arith.constant 768 : i32
      %parallel_loop3A_1049 = arith.constant 16 : i32
      scf.for %parallel_loop3A_1050 = %parallel_loop3A to %parallel_loop3A_1048 step %parallel_loop3A_1049  : i32 {
        %parallel_loop3A_1051 = vector.broadcast %parallel_loop3A_1050 : i32 to vector<16xi32>
        %parallel_loop3A_1052 = arith.addi %add3A_1035, %parallel_loop3A_1051 : vector<16xi32>
        %parallel_loop3A_1053 = tpu.vector_load_idx %arg7[%parallel_loop3A_1052] : memref<24576xf32, #tpu.memory_space<vmem>>[vector<16xi32>], vector<16xf32>,
        %parallel_loop3A_1054 = arith.index_cast %add3A_968 : i32 to index
        %parallel_loop3A_1055 = arith.index_cast %parallel_loop3A_1050 : i32 to index
        %parallel_loop3A_1056 = tpu.vector_load %arg8[%parallel_loop3A_1054, %parallel_loop3A_1055] {strides = array<i32>} : memref<64x768xf32, #tpu.memory_space<vmem>>, vector<16xf32>,
        tpu.vector_store %arg8[%parallel_loop3A_1054, %parallel_loop3A_1055], %parallel_loop3A_1053 {add = true, strides = array<i32>} : memref<64x768xf32, #tpu.memory_space<vmem>>, vector<16xf32>,
        %parallel_loop3A_1057 = arith.addi %add3A_1039, %parallel_loop3A_1051 : vector<16xi32>
        %parallel_loop3A_1058 = tpu.vector_load_idx %arg7[%parallel_loop3A_1057] : memref<24576xf32, #tpu.memory_space<vmem>>[vector<16xi32>], vector<16xf32>,
        %parallel_loop3A_1059 = arith.index_cast %add3A_972 : i32 to index
        %parallel_loop3A_1060 = arith.index_cast %parallel_loop3A_1050 : i32 to index
        %parallel_loop3A_1061 = tpu.vector_load %arg8[%parallel_loop3A_1059, %parallel_loop3A_1060] {strides = array<i32>} : memref<64x768xf32, #tpu.memory_space<vmem>>, vector<16xf32>,
        tpu.vector_store %arg8[%parallel_loop3A_1059, %parallel_loop3A_1060], %parallel_loop3A_1058 {add = true, strides = array<i32>} : memref<64x768xf32, #tpu.memory_space<vmem>>, vector<16xf32>,
        %parallel_loop3A_1062 = arith.addi %add3A_1043, %parallel_loop3A_1051 : vector<16xi32>
        %parallel_loop3A_1063 = tpu.vector_load_idx %arg7[%parallel_loop3A_1062] : memref<24576xf32, #tpu.memory_space<vmem>>[vector<16xi32>], vector<16xf32>,
        %parallel_loop3A_1064 = arith.index_cast %add3A_976 : i32 to index
        %parallel_loop3A_1065 = arith.index_cast %parallel_loop3A_1050 : i32 to index
        %parallel_loop3A_1066 = tpu.vector_load %arg8[%parallel_loop3A_1064, %parallel_loop3A_1065] {strides = array<i32>} : memref<64x768xf32, #tpu.memory_space<vmem>>, vector<16xf32>,
        tpu.vector_store %arg8[%parallel_loop3A_1064, %parallel_loop3A_1065], %parallel_loop3A_1063 {add = true, strides = array<i32>} : memref<64x768xf32, #tpu.memory_space<vmem>>, vector<16xf32>,
        %parallel_loop3A_1067 = arith.addi %add3A_1047, %parallel_loop3A_1051 : vector<16xi32>
        %parallel_loop3A_1068 = tpu.vector_load_idx %arg7[%parallel_loop3A_1067] : memref<24576xf32, #tpu.memory_space<vmem>>[vector<16xi32>], vector<16xf32>,
        %parallel_loop3A_1069 = arith.index_cast %add3A_980 : i32 to index
        %parallel_loop3A_1070 = arith.index_cast %parallel_loop3A_1050 : i32 to index
        %parallel_loop3A_1071 = tpu.vector_load %arg8[%parallel_loop3A_1069, %parallel_loop3A_1070] {strides = array<i32>} : memref<64x768xf32, #tpu.memory_space<vmem>>, vector<16xf32>,
        tpu.vector_store %arg8[%parallel_loop3A_1069, %parallel_loop3A_1070], %parallel_loop3A_1068 {add = true, strides = array<i32>} : memref<64x768xf32, #tpu.memory_space<vmem>>, vector<16xf32>,
      } {sc.loop_unroll_factor = 4 : i64, sc.parallel_access}
    }
    %scan3A_879 = arith.constant 16 : i32
    %add3A_880 = arith.constant 0 : i32
    %add3A_881 = arith.addi %mul3A_2, %add3A_880 : i32
    %dma_start3A_882 = arith.constant 0 : i32
    %dma_start3A_883 = tpu.memref_slice %arg5[%add3A_881, %dma_start3A_882] : memref<8192x768xf32, #tpu.memory_space<hbm>> -> memref<64x768xf32, #tpu.memory_space<hbm>>
    %dma_start3A_884 = arith.constant 0 : i32
    %dma_start3A_885 = tpu.memref_slice %arg5[%add3A_881, %dma_start3A_884] : memref<8192x768xf32, #tpu.memory_space<hbm>> -> memref<64x768xf32, #tpu.memory_space<hbm>>
    tpu.enqueue_dma source(%arg8 : memref<64x768xf32, #tpu.memory_space<vmem>>) target(%dma_start3A_885 : memref<64x768xf32, #tpu.memory_space<hbm>>) target_semaphore(%arg12 : memref<!tpu.dma_semaphore, #tpu.memory_space<semaphore_mem>>)
    %add3A_886 = arith.constant 64 : i32
    %add3A_887 = arith.addi %mul3A_2, %add3A_886 : i32
    %dma_start3A_888 = arith.constant 0 : i32
    %dma_start3A_889 = tpu.memref_slice %arg2[%add3A_887, %dma_start3A_888] : memref<8192x768xf32, #tpu.memory_space<hbm>> -> memref<64x768xf32, #tpu.memory_space<hbm>>
    %dma_start3A_890 = arith.constant 0 : i32
    %dma_start3A_891 = tpu.memref_slice %arg2[%add3A_887, %dma_start3A_890] : memref<8192x768xf32, #tpu.memory_space<hbm>> -> memref<64x768xf32, #tpu.memory_space<hbm>>
    tpu.enqueue_dma source(%dma_start3A_891 : memref<64x768xf32, #tpu.memory_space<hbm>>) target(%arg9 : memref<64x768xf32, #tpu.memory_space<vmem>>) target_semaphore(%arg11 : memref<!tpu.dma_semaphore, #tpu.memory_space<semaphore_mem>>)
    %dma_wait3A_892 = arith.constant 0 : i32
    %dma_wait3A_893 = tpu.memref_slice %arg2[%add3A_887, %dma_wait3A_892] : memref<8192x768xf32, #tpu.memory_space<hbm>> -> memref<64x768xf32, #tpu.memory_space<hbm>>
    %dma_wait3A_894 = arith.constant 0 : i32
    %dma_wait3A_895 = tpu.memref_slice %arg2[%add3A_887, %dma_wait3A_894] : memref<8192x768xf32, #tpu.memory_space<hbm>> -> memref<64x768xf32, #tpu.memory_space<hbm>>
    tpu.wait_dma2 semaphore(%arg11 : memref<!tpu.dma_semaphore, #tpu.memory_space<semaphore_mem>>) src(%dma_wait3A_895 : memref<64x768xf32, #tpu.memory_space<hbm>>) dst(%arg9 : memref<64x768xf32, #tpu.memory_space<vmem>>)
    %scan3A_896 = arith.constant 0 : i32
    %scan3A_897 = arith.constant 0 : i32
    %scan3A_898 = arith.constant 16 : i32
    %scan3A_899 = arith.addi %scan3A_897, %scan3A_898 : i32
    %scan3A_900 = arith.constant 1 : i32
    scf.for %scan3A_964 = %scan3A_897 to %scan3A_899 step %scan3A_900  : i32 {
      %mul3A_965 = arith.constant 4 : i32
      %mul3A_966 = arith.muli %scan3A_964, %mul3A_965 : i32
      %add3A_967 = arith.constant 0 : i32
      %add3A_968 = arith.addi %mul3A_966, %add3A_967 : i32
      %mul3A_969 = arith.constant 4 : i32
      %mul3A_970 = arith.muli %scan3A_964, %mul3A_969 : i32
      %add3A_971 = arith.constant 1 : i32
      %add3A_972 = arith.addi %mul3A_970, %add3A_971 : i32
      %mul3A_973 = arith.constant 4 : i32
      %mul3A_974 = arith.muli %scan3A_964, %mul3A_973 : i32
      %add3A_975 = arith.constant 2 : i32
      %add3A_976 = arith.addi %mul3A_974, %add3A_975 : i32
      %mul3A_977 = arith.constant 4 : i32
      %mul3A_978 = arith.muli %scan3A_964, %mul3A_977 : i32
      %add3A_979 = arith.constant 3 : i32
      %add3A_980 = arith.addi %mul3A_978, %add3A_979 : i32
      %add3A_981 = arith.constant 64 : i32
      %add3A_982 = arith.addi %add3A_981, %add3A_968 : i32
      %broadcast_in_dim3A_983 = vector.broadcast %add3A_982 : i32 to vector<16xi32>
      %gather3A = tpu.vector_load_idx %arg6[%broadcast_in_dim3A_983] : memref<256xi32, #tpu.memory_space<vmem>>[vector<16xi32>], vector<16xi32>,
      %add3A_984 = arith.constant 64 : i32
      %add3A_985 = arith.addi %add3A_984, %add3A_972 : i32
      %broadcast_in_dim3A_986 = vector.broadcast %add3A_985 : i32 to vector<16xi32>
      %gather3A_987 = tpu.vector_load_idx %arg6[%broadcast_in_dim3A_986] : memref<256xi32, #tpu.memory_space<vmem>>[vector<16xi32>], vector<16xi32>,
      %add3A_988 = arith.constant 64 : i32
      %add3A_989 = arith.addi %add3A_988, %add3A_976 : i32
      %broadcast_in_dim3A_990 = vector.broadcast %add3A_989 : i32 to vector<16xi32>
      %gather3A_991 = tpu.vector_load_idx %arg6[%broadcast_in_dim3A_990] : memref<256xi32, #tpu.memory_space<vmem>>[vector<16xi32>], vector<16xi32>,
      %add3A_992 = arith.constant 64 : i32
      %add3A_993 = arith.addi %add3A_992, %add3A_980 : i32
      %broadcast_in_dim3A_994 = vector.broadcast %add3A_993 : i32 to vector<16xi32>
      %gather3A_995 = tpu.vector_load_idx %arg6[%broadcast_in_dim3A_994] : memref<256xi32, #tpu.memory_space<vmem>>[vector<16xi32>], vector<16xi32>,
      %broadcast_in_dim3A_996 = arith.constant 30 : i32
      %broadcast_in_dim3A_997 = vector.broadcast %broadcast_in_dim3A_996 : i32 to vector<16xi32>
      %add3A_998 = arith.constant 64 : i32
      %add3A_999 = arith.addi %mul3A_2, %add3A_998 : i32
      %add3A_1000 = arith.addi %add3A_999, %add3A_968 : i32
      %and3A_1001 = arith.constant 2047 : i32
      %and3A_1002 = arith.andi %add3A_1000, %and3A_1001 : i32
      %eq3A = arith.constant 0 : i32
      %eq3A_1003 = arith.cmpi eq, %and3A_1002, %eq3A : i32
      %broadcast_in_dim3A_1004 = vector.broadcast %eq3A_1003 : i1 to vector<16xi1>
      %select_n3A = arith.select %broadcast_in_dim3A_1004, %broadcast_in_dim3A_997, %gather3A : vector<16xi1>, vector<16xi32>
      %add3A_1005 = arith.constant 64 : i32
      %add3A_1006 = arith.addi %mul3A_2, %add3A_1005 : i32
      %add3A_1007 = arith.addi %add3A_1006, %add3A_972 : i32
      %and3A_1008 = arith.constant 2047 : i32
      %and3A_1009 = arith.andi %add3A_1007, %and3A_1008 : i32
      %eq3A_1010 = arith.constant 0 : i32
      %eq3A_1011 = arith.cmpi eq, %and3A_1009, %eq3A_1010 : i32
      %broadcast_in_dim3A_1012 = vector.broadcast %eq3A_1011 : i1 to vector<16xi1>
      %select_n3A_1013 = arith.select %broadcast_in_dim3A_1012, %broadcast_in_dim3A_997, %gather3A_987 : vector<16xi1>, vector<16xi32>
      %add3A_1014 = arith.constant 64 : i32
      %add3A_1015 = arith.addi %mul3A_2, %add3A_1014 : i32
      %add3A_1016 = arith.addi %add3A_1015, %add3A_976 : i32
      %and3A_1017 = arith.constant 2047 : i32
      %and3A_1018 = arith.andi %add3A_1016, %and3A_1017 : i32
      %eq3A_1019 = arith.constant 0 : i32
      %eq3A_1020 = arith.cmpi eq, %and3A_1018, %eq3A_1019 : i32
      %broadcast_in_dim3A_1021 = vector.broadcast %eq3A_1020 : i1 to vector<16xi1>
      %select_n3A_1022 = arith.select %broadcast_in_dim3A_1021, %broadcast_in_dim3A_997, %gather3A_991 : vector<16xi1>, vector<16xi32>
      %add3A_1023 = arith.constant 64 : i32
      %add3A_1024 = arith.addi %mul3A_2, %add3A_1023 : i32
      %add3A_1025 = arith.addi %add3A_1024, %add3A_980 : i32
      %and3A_1026 = arith.constant 2047 : i32
      %and3A_1027 = arith.andi %add3A_1025, %and3A_1026 : i32
      %eq3A_1028 = arith.constant 0 : i32
      %eq3A_1029 = arith.cmpi eq, %and3A_1027, %eq3A_1028 : i32
      %broadcast_in_dim3A_1030 = vector.broadcast %eq3A_1029 : i1 to vector<16xi1>
      %select_n3A_1031 = arith.select %broadcast_in_dim3A_1030, %broadcast_in_dim3A_997, %gather3A_995 : vector<16xi1>, vector<16xi32>
      %mul3A_1032 = arith.constant 768 : i32
      %mul3A_1033 = vector.broadcast %mul3A_1032 : i32 to vector<16xi32>
      %mul3A_1034 = arith.muli %select_n3A, %mul3A_1033 : vector<16xi32>
      %add3A_1035 = arith.addi %mul3A_1034, %iota3A : vector<16xi32>
      %mul3A_1036 = arith.constant 768 : i32
      %mul3A_1037 = vector.broadcast %mul3A_1036 : i32 to vector<16xi32>
      %mul3A_1038 = arith.muli %select_n3A_1013, %mul3A_1037 : vector<16xi32>
      %add3A_1039 = arith.addi %mul3A_1038, %iota3A : vector<16xi32>
      %mul3A_1040 = arith.constant 768 : i32
      %mul3A_1041 = vector.broadcast %mul3A_1040 : i32 to vector<16xi32>
      %mul3A_1042 = arith.muli %select_n3A_1022, %mul3A_1041 : vector<16xi32>
      %add3A_1043 = arith.addi %mul3A_1042, %iota3A : vector<16xi32>
      %mul3A_1044 = arith.constant 768 : i32
      %mul3A_1045 = vector.broadcast %mul3A_1044 : i32 to vector<16xi32>
      %mul3A_1046 = arith.muli %select_n3A_1031, %mul3A_1045 : vector<16xi32>
      %add3A_1047 = arith.addi %mul3A_1046, %iota3A : vector<16xi32>
      %parallel_loop3A = arith.constant 0 : i32
      %parallel_loop3A_1048 = arith.constant 768 : i32
      %parallel_loop3A_1049 = arith.constant 16 : i32
      scf.for %parallel_loop3A_1050 = %parallel_loop3A to %parallel_loop3A_1048 step %parallel_loop3A_1049  : i32 {
        %parallel_loop3A_1051 = vector.broadcast %parallel_loop3A_1050 : i32 to vector<16xi32>
        %parallel_loop3A_1052 = arith.addi %add3A_1035, %parallel_loop3A_1051 : vector<16xi32>
        %parallel_loop3A_1053 = tpu.vector_load_idx %arg7[%parallel_loop3A_1052] : memref<24576xf32, #tpu.memory_space<vmem>>[vector<16xi32>], vector<16xf32>,
        %parallel_loop3A_1054 = arith.index_cast %add3A_968 : i32 to index
        %parallel_loop3A_1055 = arith.index_cast %parallel_loop3A_1050 : i32 to index
        %parallel_loop3A_1056 = tpu.vector_load %arg9[%parallel_loop3A_1054, %parallel_loop3A_1055] {strides = array<i32>} : memref<64x768xf32, #tpu.memory_space<vmem>>, vector<16xf32>,
        tpu.vector_store %arg9[%parallel_loop3A_1054, %parallel_loop3A_1055], %parallel_loop3A_1053 {add = true, strides = array<i32>} : memref<64x768xf32, #tpu.memory_space<vmem>>, vector<16xf32>,
        %parallel_loop3A_1057 = arith.addi %add3A_1039, %parallel_loop3A_1051 : vector<16xi32>
        %parallel_loop3A_1058 = tpu.vector_load_idx %arg7[%parallel_loop3A_1057] : memref<24576xf32, #tpu.memory_space<vmem>>[vector<16xi32>], vector<16xf32>,
        %parallel_loop3A_1059 = arith.index_cast %add3A_972 : i32 to index
        %parallel_loop3A_1060 = arith.index_cast %parallel_loop3A_1050 : i32 to index
        %parallel_loop3A_1061 = tpu.vector_load %arg9[%parallel_loop3A_1059, %parallel_loop3A_1060] {strides = array<i32>} : memref<64x768xf32, #tpu.memory_space<vmem>>, vector<16xf32>,
        tpu.vector_store %arg9[%parallel_loop3A_1059, %parallel_loop3A_1060], %parallel_loop3A_1058 {add = true, strides = array<i32>} : memref<64x768xf32, #tpu.memory_space<vmem>>, vector<16xf32>,
        %parallel_loop3A_1062 = arith.addi %add3A_1043, %parallel_loop3A_1051 : vector<16xi32>
        %parallel_loop3A_1063 = tpu.vector_load_idx %arg7[%parallel_loop3A_1062] : memref<24576xf32, #tpu.memory_space<vmem>>[vector<16xi32>], vector<16xf32>,
        %parallel_loop3A_1064 = arith.index_cast %add3A_976 : i32 to index
        %parallel_loop3A_1065 = arith.index_cast %parallel_loop3A_1050 : i32 to index
        %parallel_loop3A_1066 = tpu.vector_load %arg9[%parallel_loop3A_1064, %parallel_loop3A_1065] {strides = array<i32>} : memref<64x768xf32, #tpu.memory_space<vmem>>, vector<16xf32>,
        tpu.vector_store %arg9[%parallel_loop3A_1064, %parallel_loop3A_1065], %parallel_loop3A_1063 {add = true, strides = array<i32>} : memref<64x768xf32, #tpu.memory_space<vmem>>, vector<16xf32>,
        %parallel_loop3A_1067 = arith.addi %add3A_1047, %parallel_loop3A_1051 : vector<16xi32>
        %parallel_loop3A_1068 = tpu.vector_load_idx %arg7[%parallel_loop3A_1067] : memref<24576xf32, #tpu.memory_space<vmem>>[vector<16xi32>], vector<16xf32>,
        %parallel_loop3A_1069 = arith.index_cast %add3A_980 : i32 to index
        %parallel_loop3A_1070 = arith.index_cast %parallel_loop3A_1050 : i32 to index
        %parallel_loop3A_1071 = tpu.vector_load %arg9[%parallel_loop3A_1069, %parallel_loop3A_1070] {strides = array<i32>} : memref<64x768xf32, #tpu.memory_space<vmem>>, vector<16xf32>,
        tpu.vector_store %arg9[%parallel_loop3A_1069, %parallel_loop3A_1070], %parallel_loop3A_1068 {add = true, strides = array<i32>} : memref<64x768xf32, #tpu.memory_space<vmem>>, vector<16xf32>,
      } {sc.loop_unroll_factor = 4 : i64, sc.parallel_access}
    }
    %scan3A_901 = arith.constant 16 : i32
    %add3A_902 = arith.constant 64 : i32
    %add3A_903 = arith.addi %mul3A_2, %add3A_902 : i32
    %dma_start3A_904 = arith.constant 0 : i32
    %dma_start3A_905 = tpu.memref_slice %arg5[%add3A_903, %dma_start3A_904] : memref<8192x768xf32, #tpu.memory_space<hbm>> -> memref<64x768xf32, #tpu.memory_space<hbm>>
    %dma_start3A_906 = arith.constant 0 : i32
    %dma_start3A_907 = tpu.memref_slice %arg5[%add3A_903, %dma_start3A_906] : memref<8192x768xf32, #tpu.memory_space<hbm>> -> memref<64x768xf32, #tpu.memory_space<hbm>>
    tpu.enqueue_dma source(%arg9 : memref<64x768xf32, #tpu.memory_space<vmem>>) target(%dma_start3A_907 : memref<64x768xf32, #tpu.memory_space<hbm>>) target_semaphore(%arg13 : memref<!tpu.dma_semaphore, #tpu.memory_space<semaphore_mem>>)
    %dma_wait3A_908 = arith.constant 0 : i32
    %dma_wait3A_909 = tpu.memref_slice %arg5[%add3A_881, %dma_wait3A_908] : memref<8192x768xf32, #tpu.memory_space<hbm>> -> memref<64x768xf32, #tpu.memory_space<hbm>>
    %dma_wait3A_910 = arith.constant 0 : i32
    %dma_wait3A_911 = tpu.memref_slice %arg5[%add3A_881, %dma_wait3A_910] : memref<8192x768xf32, #tpu.memory_space<hbm>> -> memref<64x768xf32, #tpu.memory_space<hbm>>
    tpu.wait_dma2 semaphore(%arg12 : memref<!tpu.dma_semaphore, #tpu.memory_space<semaphore_mem>>) src(%arg8 : memref<64x768xf32, #tpu.memory_space<vmem>>) dst(%dma_wait3A_911 : memref<64x768xf32, #tpu.memory_space<hbm>>)
    %add3A_912 = arith.constant 128 : i32
    %add3A_913 = arith.addi %mul3A_2, %add3A_912 : i32
    %dma_start3A_914 = arith.constant 0 : i32
    %dma_start3A_915 = tpu.memref_slice %arg2[%add3A_913, %dma_start3A_914] : memref<8192x768xf32, #tpu.memory_space<hbm>> -> memref<64x768xf32, #tpu.memory_space<hbm>>
    %dma_start3A_916 = arith.constant 0 : i32
    %dma_start3A_917 = tpu.memref_slice %arg2[%add3A_913, %dma_start3A_916] : memref<8192x768xf32, #tpu.memory_space<hbm>> -> memref<64x768xf32, #tpu.memory_space<hbm>>
    tpu.enqueue_dma source(%dma_start3A_917 : memref<64x768xf32, #tpu.memory_space<hbm>>) target(%arg8 : memref<64x768xf32, #tpu.memory_space<vmem>>) target_semaphore(%arg10 : memref<!tpu.dma_semaphore, #tpu.memory_space<semaphore_mem>>)
    %dma_wait3A_918 = arith.constant 0 : i32
    %dma_wait3A_919 = tpu.memref_slice %arg2[%add3A_913, %dma_wait3A_918] : memref<8192x768xf32, #tpu.memory_space<hbm>> -> memref<64x768xf32, #tpu.memory_space<hbm>>
    %dma_wait3A_920 = arith.constant 0 : i32
    %dma_wait3A_921 = tpu.memref_slice %arg2[%add3A_913, %dma_wait3A_920] : memref<8192x768xf32, #tpu.memory_space<hbm>> -> memref<64x768xf32, #tpu.memory_space<hbm>>
    tpu.wait_dma2 semaphore(%arg10 : memref<!tpu.dma_semaphore, #tpu.memory_space<semaphore_mem>>) src(%dma_wait3A_921 : memref<64x768xf32, #tpu.memory_space<hbm>>) dst(%arg8 : memref<64x768xf32, #tpu.memory_space<vmem>>)
    %scan3A_922 = arith.constant 0 : i32
    %scan3A_923 = arith.constant 0 : i32
    %scan3A_924 = arith.constant 16 : i32
    %scan3A_925 = arith.addi %scan3A_923, %scan3A_924 : i32
    %scan3A_926 = arith.constant 1 : i32
    scf.for %scan3A_964 = %scan3A_923 to %scan3A_925 step %scan3A_926  : i32 {
      %mul3A_965 = arith.constant 4 : i32
      %mul3A_966 = arith.muli %scan3A_964, %mul3A_965 : i32
      %add3A_967 = arith.constant 0 : i32
      %add3A_968 = arith.addi %mul3A_966, %add3A_967 : i32
      %mul3A_969 = arith.constant 4 : i32
      %mul3A_970 = arith.muli %scan3A_964, %mul3A_969 : i32
      %add3A_971 = arith.constant 1 : i32
      %add3A_972 = arith.addi %mul3A_970, %add3A_971 : i32
      %mul3A_973 = arith.constant 4 : i32
      %mul3A_974 = arith.muli %scan3A_964, %mul3A_973 : i32
      %add3A_975 = arith.constant 2 : i32
      %add3A_976 = arith.addi %mul3A_974, %add3A_975 : i32
      %mul3A_977 = arith.constant 4 : i32
      %mul3A_978 = arith.muli %scan3A_964, %mul3A_977 : i32
      %add3A_979 = arith.constant 3 : i32
      %add3A_980 = arith.addi %mul3A_978, %add3A_979 : i32
      %add3A_981 = arith.constant 128 : i32
      %add3A_982 = arith.addi %add3A_981, %add3A_968 : i32
      %broadcast_in_dim3A_983 = vector.broadcast %add3A_982 : i32 to vector<16xi32>
      %gather3A = tpu.vector_load_idx %arg6[%broadcast_in_dim3A_983] : memref<256xi32, #tpu.memory_space<vmem>>[vector<16xi32>], vector<16xi32>,
      %add3A_984 = arith.constant 128 : i32
      %add3A_985 = arith.addi %add3A_984, %add3A_972 : i32
      %broadcast_in_dim3A_986 = vector.broadcast %add3A_985 : i32 to vector<16xi32>
      %gather3A_987 = tpu.vector_load_idx %arg6[%broadcast_in_dim3A_986] : memref<256xi32, #tpu.memory_space<vmem>>[vector<16xi32>], vector<16xi32>,
      %add3A_988 = arith.constant 128 : i32
      %add3A_989 = arith.addi %add3A_988, %add3A_976 : i32
      %broadcast_in_dim3A_990 = vector.broadcast %add3A_989 : i32 to vector<16xi32>
      %gather3A_991 = tpu.vector_load_idx %arg6[%broadcast_in_dim3A_990] : memref<256xi32, #tpu.memory_space<vmem>>[vector<16xi32>], vector<16xi32>,
      %add3A_992 = arith.constant 128 : i32
      %add3A_993 = arith.addi %add3A_992, %add3A_980 : i32
      %broadcast_in_dim3A_994 = vector.broadcast %add3A_993 : i32 to vector<16xi32>
      %gather3A_995 = tpu.vector_load_idx %arg6[%broadcast_in_dim3A_994] : memref<256xi32, #tpu.memory_space<vmem>>[vector<16xi32>], vector<16xi32>,
      %broadcast_in_dim3A_996 = arith.constant 30 : i32
      %broadcast_in_dim3A_997 = vector.broadcast %broadcast_in_dim3A_996 : i32 to vector<16xi32>
      %add3A_998 = arith.constant 128 : i32
      %add3A_999 = arith.addi %mul3A_2, %add3A_998 : i32
      %add3A_1000 = arith.addi %add3A_999, %add3A_968 : i32
      %and3A_1001 = arith.constant 2047 : i32
      %and3A_1002 = arith.andi %add3A_1000, %and3A_1001 : i32
      %eq3A = arith.constant 0 : i32
      %eq3A_1003 = arith.cmpi eq, %and3A_1002, %eq3A : i32
      %broadcast_in_dim3A_1004 = vector.broadcast %eq3A_1003 : i1 to vector<16xi1>
      %select_n3A = arith.select %broadcast_in_dim3A_1004, %broadcast_in_dim3A_997, %gather3A : vector<16xi1>, vector<16xi32>
      %add3A_1005 = arith.constant 128 : i32
      %add3A_1006 = arith.addi %mul3A_2, %add3A_1005 : i32
      %add3A_1007 = arith.addi %add3A_1006, %add3A_972 : i32
      %and3A_1008 = arith.constant 2047 : i32
      %and3A_1009 = arith.andi %add3A_1007, %and3A_1008 : i32
      %eq3A_1010 = arith.constant 0 : i32
      %eq3A_1011 = arith.cmpi eq, %and3A_1009, %eq3A_1010 : i32
      %broadcast_in_dim3A_1012 = vector.broadcast %eq3A_1011 : i1 to vector<16xi1>
      %select_n3A_1013 = arith.select %broadcast_in_dim3A_1012, %broadcast_in_dim3A_997, %gather3A_987 : vector<16xi1>, vector<16xi32>
      %add3A_1014 = arith.constant 128 : i32
      %add3A_1015 = arith.addi %mul3A_2, %add3A_1014 : i32
      %add3A_1016 = arith.addi %add3A_1015, %add3A_976 : i32
      %and3A_1017 = arith.constant 2047 : i32
      %and3A_1018 = arith.andi %add3A_1016, %and3A_1017 : i32
      %eq3A_1019 = arith.constant 0 : i32
      %eq3A_1020 = arith.cmpi eq, %and3A_1018, %eq3A_1019 : i32
      %broadcast_in_dim3A_1021 = vector.broadcast %eq3A_1020 : i1 to vector<16xi1>
      %select_n3A_1022 = arith.select %broadcast_in_dim3A_1021, %broadcast_in_dim3A_997, %gather3A_991 : vector<16xi1>, vector<16xi32>
      %add3A_1023 = arith.constant 128 : i32
      %add3A_1024 = arith.addi %mul3A_2, %add3A_1023 : i32
      %add3A_1025 = arith.addi %add3A_1024, %add3A_980 : i32
      %and3A_1026 = arith.constant 2047 : i32
      %and3A_1027 = arith.andi %add3A_1025, %and3A_1026 : i32
      %eq3A_1028 = arith.constant 0 : i32
      %eq3A_1029 = arith.cmpi eq, %and3A_1027, %eq3A_1028 : i32
      %broadcast_in_dim3A_1030 = vector.broadcast %eq3A_1029 : i1 to vector<16xi1>
      %select_n3A_1031 = arith.select %broadcast_in_dim3A_1030, %broadcast_in_dim3A_997, %gather3A_995 : vector<16xi1>, vector<16xi32>
      %mul3A_1032 = arith.constant 768 : i32
      %mul3A_1033 = vector.broadcast %mul3A_1032 : i32 to vector<16xi32>
      %mul3A_1034 = arith.muli %select_n3A, %mul3A_1033 : vector<16xi32>
      %add3A_1035 = arith.addi %mul3A_1034, %iota3A : vector<16xi32>
      %mul3A_1036 = arith.constant 768 : i32
      %mul3A_1037 = vector.broadcast %mul3A_1036 : i32 to vector<16xi32>
      %mul3A_1038 = arith.muli %select_n3A_1013, %mul3A_1037 : vector<16xi32>
      %add3A_1039 = arith.addi %mul3A_1038, %iota3A : vector<16xi32>
      %mul3A_1040 = arith.constant 768 : i32
      %mul3A_1041 = vector.broadcast %mul3A_1040 : i32 to vector<16xi32>
      %mul3A_1042 = arith.muli %select_n3A_1022, %mul3A_1041 : vector<16xi32>
      %add3A_1043 = arith.addi %mul3A_1042, %iota3A : vector<16xi32>
      %mul3A_1044 = arith.constant 768 : i32
      %mul3A_1045 = vector.broadcast %mul3A_1044 : i32 to vector<16xi32>
      %mul3A_1046 = arith.muli %select_n3A_1031, %mul3A_1045 : vector<16xi32>
      %add3A_1047 = arith.addi %mul3A_1046, %iota3A : vector<16xi32>
      %parallel_loop3A = arith.constant 0 : i32
      %parallel_loop3A_1048 = arith.constant 768 : i32
      %parallel_loop3A_1049 = arith.constant 16 : i32
      scf.for %parallel_loop3A_1050 = %parallel_loop3A to %parallel_loop3A_1048 step %parallel_loop3A_1049  : i32 {
        %parallel_loop3A_1051 = vector.broadcast %parallel_loop3A_1050 : i32 to vector<16xi32>
        %parallel_loop3A_1052 = arith.addi %add3A_1035, %parallel_loop3A_1051 : vector<16xi32>
        %parallel_loop3A_1053 = tpu.vector_load_idx %arg7[%parallel_loop3A_1052] : memref<24576xf32, #tpu.memory_space<vmem>>[vector<16xi32>], vector<16xf32>,
        %parallel_loop3A_1054 = arith.index_cast %add3A_968 : i32 to index
        %parallel_loop3A_1055 = arith.index_cast %parallel_loop3A_1050 : i32 to index
        %parallel_loop3A_1056 = tpu.vector_load %arg8[%parallel_loop3A_1054, %parallel_loop3A_1055] {strides = array<i32>} : memref<64x768xf32, #tpu.memory_space<vmem>>, vector<16xf32>,
        tpu.vector_store %arg8[%parallel_loop3A_1054, %parallel_loop3A_1055], %parallel_loop3A_1053 {add = true, strides = array<i32>} : memref<64x768xf32, #tpu.memory_space<vmem>>, vector<16xf32>,
        %parallel_loop3A_1057 = arith.addi %add3A_1039, %parallel_loop3A_1051 : vector<16xi32>
        %parallel_loop3A_1058 = tpu.vector_load_idx %arg7[%parallel_loop3A_1057] : memref<24576xf32, #tpu.memory_space<vmem>>[vector<16xi32>], vector<16xf32>,
        %parallel_loop3A_1059 = arith.index_cast %add3A_972 : i32 to index
        %parallel_loop3A_1060 = arith.index_cast %parallel_loop3A_1050 : i32 to index
        %parallel_loop3A_1061 = tpu.vector_load %arg8[%parallel_loop3A_1059, %parallel_loop3A_1060] {strides = array<i32>} : memref<64x768xf32, #tpu.memory_space<vmem>>, vector<16xf32>,
        tpu.vector_store %arg8[%parallel_loop3A_1059, %parallel_loop3A_1060], %parallel_loop3A_1058 {add = true, strides = array<i32>} : memref<64x768xf32, #tpu.memory_space<vmem>>, vector<16xf32>,
        %parallel_loop3A_1062 = arith.addi %add3A_1043, %parallel_loop3A_1051 : vector<16xi32>
        %parallel_loop3A_1063 = tpu.vector_load_idx %arg7[%parallel_loop3A_1062] : memref<24576xf32, #tpu.memory_space<vmem>>[vector<16xi32>], vector<16xf32>,
        %parallel_loop3A_1064 = arith.index_cast %add3A_976 : i32 to index
        %parallel_loop3A_1065 = arith.index_cast %parallel_loop3A_1050 : i32 to index
        %parallel_loop3A_1066 = tpu.vector_load %arg8[%parallel_loop3A_1064, %parallel_loop3A_1065] {strides = array<i32>} : memref<64x768xf32, #tpu.memory_space<vmem>>, vector<16xf32>,
        tpu.vector_store %arg8[%parallel_loop3A_1064, %parallel_loop3A_1065], %parallel_loop3A_1063 {add = true, strides = array<i32>} : memref<64x768xf32, #tpu.memory_space<vmem>>, vector<16xf32>,
        %parallel_loop3A_1067 = arith.addi %add3A_1047, %parallel_loop3A_1051 : vector<16xi32>
        %parallel_loop3A_1068 = tpu.vector_load_idx %arg7[%parallel_loop3A_1067] : memref<24576xf32, #tpu.memory_space<vmem>>[vector<16xi32>], vector<16xf32>,
        %parallel_loop3A_1069 = arith.index_cast %add3A_980 : i32 to index
        %parallel_loop3A_1070 = arith.index_cast %parallel_loop3A_1050 : i32 to index
        %parallel_loop3A_1071 = tpu.vector_load %arg8[%parallel_loop3A_1069, %parallel_loop3A_1070] {strides = array<i32>} : memref<64x768xf32, #tpu.memory_space<vmem>>, vector<16xf32>,
        tpu.vector_store %arg8[%parallel_loop3A_1069, %parallel_loop3A_1070], %parallel_loop3A_1068 {add = true, strides = array<i32>} : memref<64x768xf32, #tpu.memory_space<vmem>>, vector<16xf32>,
      } {sc.loop_unroll_factor = 4 : i64, sc.parallel_access}
    }
    %scan3A_927 = arith.constant 16 : i32
    %add3A_928 = arith.constant 128 : i32
    %add3A_929 = arith.addi %mul3A_2, %add3A_928 : i32
    %dma_start3A_930 = arith.constant 0 : i32
    %dma_start3A_931 = tpu.memref_slice %arg5[%add3A_929, %dma_start3A_930] : memref<8192x768xf32, #tpu.memory_space<hbm>> -> memref<64x768xf32, #tpu.memory_space<hbm>>
    %dma_start3A_932 = arith.constant 0 : i32
    %dma_start3A_933 = tpu.memref_slice %arg5[%add3A_929, %dma_start3A_932] : memref<8192x768xf32, #tpu.memory_space<hbm>> -> memref<64x768xf32, #tpu.memory_space<hbm>>
    tpu.enqueue_dma source(%arg8 : memref<64x768xf32, #tpu.memory_space<vmem>>) target(%dma_start3A_933 : memref<64x768xf32, #tpu.memory_space<hbm>>) target_semaphore(%arg12 : memref<!tpu.dma_semaphore, #tpu.memory_space<semaphore_mem>>)
    %dma_wait3A_934 = arith.constant 0 : i32
    %dma_wait3A_935 = tpu.memref_slice %arg5[%add3A_903, %dma_wait3A_934] : memref<8192x768xf32, #tpu.memory_space<hbm>> -> memref<64x768xf32, #tpu.memory_space<hbm>>
    %dma_wait3A_936 = arith.constant 0 : i32
    %dma_wait3A_937 = tpu.memref_slice %arg5[%add3A_903, %dma_wait3A_936] : memref<8192x768xf32, #tpu.memory_space<hbm>> -> memref<64x768xf32, #tpu.memory_space<hbm>>
    tpu.wait_dma2 semaphore(%arg13 : memref<!tpu.dma_semaphore, #tpu.memory_space<semaphore_mem>>) src(%arg9 : memref<64x768xf32, #tpu.memory_space<vmem>>) dst(%dma_wait3A_937 : memref<64x768xf32, #tpu.memory_space<hbm>>)
    %add3A_938 = arith.constant 192 : i32
    %add3A_939 = arith.addi %mul3A_2, %add3A_938 : i32
    %dma_start3A_940 = arith.constant 0 : i32
    %dma_start3A_941 = tpu.memref_slice %arg2[%add3A_939, %dma_start3A_940] : memref<8192x768xf32, #tpu.memory_space<hbm>> -> memref<64x768xf32, #tpu.memory_space<hbm>>
    %dma_start3A_942 = arith.constant 0 : i32
    %dma_start3A_943 = tpu.memref_slice %arg2[%add3A_939, %dma_start3A_942] : memref<8192x768xf32, #tpu.memory_space<hbm>> -> memref<64x768xf32, #tpu.memory_space<hbm>>
    tpu.enqueue_dma source(%dma_start3A_943 : memref<64x768xf32, #tpu.memory_space<hbm>>) target(%arg9 : memref<64x768xf32, #tpu.memory_space<vmem>>) target_semaphore(%arg11 : memref<!tpu.dma_semaphore, #tpu.memory_space<semaphore_mem>>)
    %dma_wait3A_944 = arith.constant 0 : i32
    %dma_wait3A_945 = tpu.memref_slice %arg2[%add3A_939, %dma_wait3A_944] : memref<8192x768xf32, #tpu.memory_space<hbm>> -> memref<64x768xf32, #tpu.memory_space<hbm>>
    %dma_wait3A_946 = arith.constant 0 : i32
    %dma_wait3A_947 = tpu.memref_slice %arg2[%add3A_939, %dma_wait3A_946] : memref<8192x768xf32, #tpu.memory_space<hbm>> -> memref<64x768xf32, #tpu.memory_space<hbm>>
    tpu.wait_dma2 semaphore(%arg11 : memref<!tpu.dma_semaphore, #tpu.memory_space<semaphore_mem>>) src(%dma_wait3A_947 : memref<64x768xf32, #tpu.memory_space<hbm>>) dst(%arg9 : memref<64x768xf32, #tpu.memory_space<vmem>>)
    %scan3A_948 = arith.constant 0 : i32
    %scan3A_949 = arith.constant 0 : i32
    %scan3A_950 = arith.constant 16 : i32
    %scan3A_951 = arith.addi %scan3A_949, %scan3A_950 : i32
    %scan3A_952 = arith.constant 1 : i32
    scf.for %scan3A_964 = %scan3A_949 to %scan3A_951 step %scan3A_952  : i32 {
      %mul3A_965 = arith.constant 4 : i32
      %mul3A_966 = arith.muli %scan3A_964, %mul3A_965 : i32
      %add3A_967 = arith.constant 0 : i32
      %add3A_968 = arith.addi %mul3A_966, %add3A_967 : i32
      %mul3A_969 = arith.constant 4 : i32
      %mul3A_970 = arith.muli %scan3A_964, %mul3A_969 : i32
      %add3A_971 = arith.constant 1 : i32
      %add3A_972 = arith.addi %mul3A_970, %add3A_971 : i32
      %mul3A_973 = arith.constant 4 : i32
      %mul3A_974 = arith.muli %scan3A_964, %mul3A_973 : i32
      %add3A_975 = arith.constant 2 : i32
      %add3A_976 = arith.addi %mul3A_974, %add3A_975 : i32
      %mul3A_977 = arith.constant 4 : i32
      %mul3A_978 = arith.muli %scan3A_964, %mul3A_977 : i32
      %add3A_979 = arith.constant 3 : i32
      %add3A_980 = arith.addi %mul3A_978, %add3A_979 : i32
      %add3A_981 = arith.constant 192 : i32
      %add3A_982 = arith.addi %add3A_981, %add3A_968 : i32
      %broadcast_in_dim3A_983 = vector.broadcast %add3A_982 : i32 to vector<16xi32>
      %gather3A = tpu.vector_load_idx %arg6[%broadcast_in_dim3A_983] : memref<256xi32, #tpu.memory_space<vmem>>[vector<16xi32>], vector<16xi32>,
      %add3A_984 = arith.constant 192 : i32
      %add3A_985 = arith.addi %add3A_984, %add3A_972 : i32
      %broadcast_in_dim3A_986 = vector.broadcast %add3A_985 : i32 to vector<16xi32>
      %gather3A_987 = tpu.vector_load_idx %arg6[%broadcast_in_dim3A_986] : memref<256xi32, #tpu.memory_space<vmem>>[vector<16xi32>], vector<16xi32>,
      %add3A_988 = arith.constant 192 : i32
      %add3A_989 = arith.addi %add3A_988, %add3A_976 : i32
      %broadcast_in_dim3A_990 = vector.broadcast %add3A_989 : i32 to vector<16xi32>
      %gather3A_991 = tpu.vector_load_idx %arg6[%broadcast_in_dim3A_990] : memref<256xi32, #tpu.memory_space<vmem>>[vector<16xi32>], vector<16xi32>,
      %add3A_992 = arith.constant 192 : i32
      %add3A_993 = arith.addi %add3A_992, %add3A_980 : i32
      %broadcast_in_dim3A_994 = vector.broadcast %add3A_993 : i32 to vector<16xi32>
      %gather3A_995 = tpu.vector_load_idx %arg6[%broadcast_in_dim3A_994] : memref<256xi32, #tpu.memory_space<vmem>>[vector<16xi32>], vector<16xi32>,
      %broadcast_in_dim3A_996 = arith.constant 30 : i32
      %broadcast_in_dim3A_997 = vector.broadcast %broadcast_in_dim3A_996 : i32 to vector<16xi32>
      %add3A_998 = arith.constant 192 : i32
      %add3A_999 = arith.addi %mul3A_2, %add3A_998 : i32
      %add3A_1000 = arith.addi %add3A_999, %add3A_968 : i32
      %and3A_1001 = arith.constant 2047 : i32
      %and3A_1002 = arith.andi %add3A_1000, %and3A_1001 : i32
      %eq3A = arith.constant 0 : i32
      %eq3A_1003 = arith.cmpi eq, %and3A_1002, %eq3A : i32
      %broadcast_in_dim3A_1004 = vector.broadcast %eq3A_1003 : i1 to vector<16xi1>
      %select_n3A = arith.select %broadcast_in_dim3A_1004, %broadcast_in_dim3A_997, %gather3A : vector<16xi1>, vector<16xi32>
      %add3A_1005 = arith.constant 192 : i32
      %add3A_1006 = arith.addi %mul3A_2, %add3A_1005 : i32
      %add3A_1007 = arith.addi %add3A_1006, %add3A_972 : i32
      %and3A_1008 = arith.constant 2047 : i32
      %and3A_1009 = arith.andi %add3A_1007, %and3A_1008 : i32
      %eq3A_1010 = arith.constant 0 : i32
      %eq3A_1011 = arith.cmpi eq, %and3A_1009, %eq3A_1010 : i32
      %broadcast_in_dim3A_1012 = vector.broadcast %eq3A_1011 : i1 to vector<16xi1>
      %select_n3A_1013 = arith.select %broadcast_in_dim3A_1012, %broadcast_in_dim3A_997, %gather3A_987 : vector<16xi1>, vector<16xi32>
      %add3A_1014 = arith.constant 192 : i32
      %add3A_1015 = arith.addi %mul3A_2, %add3A_1014 : i32
      %add3A_1016 = arith.addi %add3A_1015, %add3A_976 : i32
      %and3A_1017 = arith.constant 2047 : i32
      %and3A_1018 = arith.andi %add3A_1016, %and3A_1017 : i32
      %eq3A_1019 = arith.constant 0 : i32
      %eq3A_1020 = arith.cmpi eq, %and3A_1018, %eq3A_1019 : i32
      %broadcast_in_dim3A_1021 = vector.broadcast %eq3A_1020 : i1 to vector<16xi1>
      %select_n3A_1022 = arith.select %broadcast_in_dim3A_1021, %broadcast_in_dim3A_997, %gather3A_991 : vector<16xi1>, vector<16xi32>
      %add3A_1023 = arith.constant 192 : i32
      %add3A_1024 = arith.addi %mul3A_2, %add3A_1023 : i32
      %add3A_1025 = arith.addi %add3A_1024, %add3A_980 : i32
      %and3A_1026 = arith.constant 2047 : i32
      %and3A_1027 = arith.andi %add3A_1025, %and3A_1026 : i32
      %eq3A_1028 = arith.constant 0 : i32
      %eq3A_1029 = arith.cmpi eq, %and3A_1027, %eq3A_1028 : i32
      %broadcast_in_dim3A_1030 = vector.broadcast %eq3A_1029 : i1 to vector<16xi1>
      %select_n3A_1031 = arith.select %broadcast_in_dim3A_1030, %broadcast_in_dim3A_997, %gather3A_995 : vector<16xi1>, vector<16xi32>
      %mul3A_1032 = arith.constant 768 : i32
      %mul3A_1033 = vector.broadcast %mul3A_1032 : i32 to vector<16xi32>
      %mul3A_1034 = arith.muli %select_n3A, %mul3A_1033 : vector<16xi32>
      %add3A_1035 = arith.addi %mul3A_1034, %iota3A : vector<16xi32>
      %mul3A_1036 = arith.constant 768 : i32
      %mul3A_1037 = vector.broadcast %mul3A_1036 : i32 to vector<16xi32>
      %mul3A_1038 = arith.muli %select_n3A_1013, %mul3A_1037 : vector<16xi32>
      %add3A_1039 = arith.addi %mul3A_1038, %iota3A : vector<16xi32>
      %mul3A_1040 = arith.constant 768 : i32
      %mul3A_1041 = vector.broadcast %mul3A_1040 : i32 to vector<16xi32>
      %mul3A_1042 = arith.muli %select_n3A_1022, %mul3A_1041 : vector<16xi32>
      %add3A_1043 = arith.addi %mul3A_1042, %iota3A : vector<16xi32>
      %mul3A_1044 = arith.constant 768 : i32
      %mul3A_1045 = vector.broadcast %mul3A_1044 : i32 to vector<16xi32>
      %mul3A_1046 = arith.muli %select_n3A_1031, %mul3A_1045 : vector<16xi32>
      %add3A_1047 = arith.addi %mul3A_1046, %iota3A : vector<16xi32>
      %parallel_loop3A = arith.constant 0 : i32
      %parallel_loop3A_1048 = arith.constant 768 : i32
      %parallel_loop3A_1049 = arith.constant 16 : i32
      scf.for %parallel_loop3A_1050 = %parallel_loop3A to %parallel_loop3A_1048 step %parallel_loop3A_1049  : i32 {
        %parallel_loop3A_1051 = vector.broadcast %parallel_loop3A_1050 : i32 to vector<16xi32>
        %parallel_loop3A_1052 = arith.addi %add3A_1035, %parallel_loop3A_1051 : vector<16xi32>
        %parallel_loop3A_1053 = tpu.vector_load_idx %arg7[%parallel_loop3A_1052] : memref<24576xf32, #tpu.memory_space<vmem>>[vector<16xi32>], vector<16xf32>,
        %parallel_loop3A_1054 = arith.index_cast %add3A_968 : i32 to index
        %parallel_loop3A_1055 = arith.index_cast %parallel_loop3A_1050 : i32 to index
        %parallel_loop3A_1056 = tpu.vector_load %arg9[%parallel_loop3A_1054, %parallel_loop3A_1055] {strides = array<i32>} : memref<64x768xf32, #tpu.memory_space<vmem>>, vector<16xf32>,
        tpu.vector_store %arg9[%parallel_loop3A_1054, %parallel_loop3A_1055], %parallel_loop3A_1053 {add = true, strides = array<i32>} : memref<64x768xf32, #tpu.memory_space<vmem>>, vector<16xf32>,
        %parallel_loop3A_1057 = arith.addi %add3A_1039, %parallel_loop3A_1051 : vector<16xi32>
        %parallel_loop3A_1058 = tpu.vector_load_idx %arg7[%parallel_loop3A_1057] : memref<24576xf32, #tpu.memory_space<vmem>>[vector<16xi32>], vector<16xf32>,
        %parallel_loop3A_1059 = arith.index_cast %add3A_972 : i32 to index
        %parallel_loop3A_1060 = arith.index_cast %parallel_loop3A_1050 : i32 to index
        %parallel_loop3A_1061 = tpu.vector_load %arg9[%parallel_loop3A_1059, %parallel_loop3A_1060] {strides = array<i32>} : memref<64x768xf32, #tpu.memory_space<vmem>>, vector<16xf32>,
        tpu.vector_store %arg9[%parallel_loop3A_1059, %parallel_loop3A_1060], %parallel_loop3A_1058 {add = true, strides = array<i32>} : memref<64x768xf32, #tpu.memory_space<vmem>>, vector<16xf32>,
        %parallel_loop3A_1062 = arith.addi %add3A_1043, %parallel_loop3A_1051 : vector<16xi32>
        %parallel_loop3A_1063 = tpu.vector_load_idx %arg7[%parallel_loop3A_1062] : memref<24576xf32, #tpu.memory_space<vmem>>[vector<16xi32>], vector<16xf32>,
        %parallel_loop3A_1064 = arith.index_cast %add3A_976 : i32 to index
        %parallel_loop3A_1065 = arith.index_cast %parallel_loop3A_1050 : i32 to index
        %parallel_loop3A_1066 = tpu.vector_load %arg9[%parallel_loop3A_1064, %parallel_loop3A_1065] {strides = array<i32>} : memref<64x768xf32, #tpu.memory_space<vmem>>, vector<16xf32>,
        tpu.vector_store %arg9[%parallel_loop3A_1064, %parallel_loop3A_1065], %parallel_loop3A_1063 {add = true, strides = array<i32>} : memref<64x768xf32, #tpu.memory_space<vmem>>, vector<16xf32>,
        %parallel_loop3A_1067 = arith.addi %add3A_1047, %parallel_loop3A_1051 : vector<16xi32>
        %parallel_loop3A_1068 = tpu.vector_load_idx %arg7[%parallel_loop3A_1067] : memref<24576xf32, #tpu.memory_space<vmem>>[vector<16xi32>], vector<16xf32>,
        %parallel_loop3A_1069 = arith.index_cast %add3A_980 : i32 to index
        %parallel_loop3A_1070 = arith.index_cast %parallel_loop3A_1050 : i32 to index
        %parallel_loop3A_1071 = tpu.vector_load %arg9[%parallel_loop3A_1069, %parallel_loop3A_1070] {strides = array<i32>} : memref<64x768xf32, #tpu.memory_space<vmem>>, vector<16xf32>,
        tpu.vector_store %arg9[%parallel_loop3A_1069, %parallel_loop3A_1070], %parallel_loop3A_1068 {add = true, strides = array<i32>} : memref<64x768xf32, #tpu.memory_space<vmem>>, vector<16xf32>,
      } {sc.loop_unroll_factor = 4 : i64, sc.parallel_access}
    }
    %scan3A_953 = arith.constant 16 : i32
    %add3A_954 = arith.constant 192 : i32
    %add3A_955 = arith.addi %mul3A_2, %add3A_954 : i32
    %dma_start3A_956 = arith.constant 0 : i32
    %dma_start3A_957 = tpu.memref_slice %arg5[%add3A_955, %dma_start3A_956] : memref<8192x768xf32, #tpu.memory_space<hbm>> -> memref<64x768xf32, #tpu.memory_space<hbm>>
    %dma_start3A_958 = arith.constant 0 : i32
    %dma_start3A_959 = tpu.memref_slice %arg5[%add3A_955, %dma_start3A_958] : memref<8192x768xf32, #tpu.memory_space<hbm>> -> memref<64x768xf32, #tpu.memory_space<hbm>>
    tpu.enqueue_dma source(%arg9 : memref<64x768xf32, #tpu.memory_space<vmem>>) target(%dma_start3A_959 : memref<64x768xf32, #tpu.memory_space<hbm>>) target_semaphore(%arg13 : memref<!tpu.dma_semaphore, #tpu.memory_space<semaphore_mem>>)
    %dma_wait3A_960 = arith.constant 0 : i32
    %dma_wait3A_961 = tpu.memref_slice %arg5[%add3A_955, %dma_wait3A_960] : memref<8192x768xf32, #tpu.memory_space<hbm>> -> memref<64x768xf32, #tpu.memory_space<hbm>>
    %dma_wait3A_962 = arith.constant 0 : i32
    %dma_wait3A_963 = tpu.memref_slice %arg5[%add3A_955, %dma_wait3A_962] : memref<8192x768xf32, #tpu.memory_space<hbm>> -> memref<64x768xf32, #tpu.memory_space<hbm>>
    tpu.wait_dma2 semaphore(%arg13 : memref<!tpu.dma_semaphore, #tpu.memory_space<semaphore_mem>>) src(%arg9 : memref<64x768xf32, #tpu.memory_space<vmem>>) dst(%dma_wait3A_963 : memref<64x768xf32, #tpu.memory_space<hbm>>)
    return
  }
}

</mosaic_0001>

<sc_bundles>
// kernel: kernel.3.cloned.1.call-start
scs
__scs_entry_jumppad:
0x0: {  	(pc) =	sbr.rel $0x88, $3  }
0x1: {  	(tag) =	ssettag $0x0;
	lr =	simm.s32 $0x1  }
0x2: {  	[smem:$0x3F9E] =	sst lr;
	_ =	strace $0xD0000000  }
0x3: {  	_ = 	snop  }
0x4: {  	_ = 	snop  }
0x5: {  	_ = 	snop  }
0x6: {  	_ = 	snop  }
0x7: {  	_ = 	snop  }
__scs_overlays_trampoline_lowered:
0x8: {  	[smem:$0x3FAD] =	sst s0  }
0x9: {  	[smem:$0x3FAE] =	sst s1  }
0xa: {  	[smem:$0x3FAF] =	sst s2  }
0xb: {  	[smem:$0x3FB0] =	sst s3  }
0xc: {  	[smem:$0x3FB1] =	sst s4  }
0xd: {  	[smem:$0x3FB2] =	sst s5  }
0xe: {  	[smem:$0x3FB3] =	sst s6  }
0xf: {  	[smem:$0x3FB4] =	sst s7  }
0x10: {  	[smem:$0x3FB5] =	sst s8  }
0x11: {  	[smem:$0x3FB6] =	sst s9;
	s0 =	simm.s32 @!p0 $0x0  }
0x12: {  	s1 =	sld [smem:$0x3F9C];
	s0 =	simm.s32 @p0 $0x1  }
0x13: {  	[smem:$0x3FB7] =	sst s0;
	s0 =	simm.s32 @!p1 $0x0  }
0x14: {  	s2 =	sld [smem:$0x3F9B];
	s0 =	simm.s32 @p1 $0x1  }
0x15: {  	[smem:$0x3FB8] =	sst s0;
	s0 =	simm.s32 @!p2 $0x0  }
0x16: {  	s3 =	sld [smem:$0x3FDB];
	s0 =	simm.s32 @p2 $0x1  }
0x17: {  	s4 =	simm.s32 $0x1BF5;
	[smem:$0x3FBA] =	sst s0  }
0x18: {  	s0 =	sld [smem:$0x3F9D];
	_ =	swait.ge [sflag:s4], $0x0  }
0x19: {  	s7 =	sld [smem:$0x3F9E]  }
0x1a: {  	s8 =	sadd.s32 $0xFFFFE003, lr  }
0x1b: {  	s9 =	sadd.s32 $0xFFFFFEF7, lr;
	s5 =	simm.s32 $0xFFFFFFFF;
	p2 =	slt.u32 s8, $0xFFFFF086  }
0x1c: {  	p1 =	slt.u32 s9, $0xF7A;
	s5 =	simm.s32 @!p2 $0x0  }
0x1d: {  	s5 =	simm.s32 @p1 $0x1;
	p0 =	seq.s32 s7, s2  }
0x1e: {  	s7 =	smul.u32 @!p0 $0xF7A, s2;
	p2 =	seq.s32 @!p0 s5, $0x0  }
0x1f: {  	s9 =	smul.u32 $0xF7A, s1;
	s8 =	simm.s32 @!p0 $0x1BF5;
	p2 =	por !p2, p0  }
0x20: {  	[sflag:s8] =	ssyncset.s32 @!p0 $0xFFFFF086;
	s6 =	sadd.s32 @!p0 s3, s7;
	s7 =	simm.s32 @!p0 $0x108  }
0x21: {  	s3 =	sadd.s32 s3, s9;
	s6 =	sadd.s32 @!p0 $0x88, s6;
	s7 =	simm.s32 @p2 $0x1082  }
0x22: {  	[simem:s7], [sflag:s8] =	dma.local @!p0 [hbm:s6], $0xF7A  }
0x23: {  	s9 =	sor.u32 $0xD0000000, s2;
	s6 =	simm.s32 $0x108;
	_ =	swait.ge @!p0 [sflag:s8], $0x0  }
0x24: {  	s3 =	sadd.s32 $0x88, s3;
	s6 =	simm.s32 @!p1 $0x1082;
	[sflag:s4] =	ssyncset.s32 $0xFFFFF086  }
0x25: {  	[simem:s6], [sflag:s4] =	dma.local [hbm:s3], $0xF7A  }
0x26: {  	[smem:$0x3F9E] =	sst s1;
	(tag) =	ssettag s2;
	_ =	strace s9  }
0x27: {  	s1 =	sld [smem:$0x3FAE]  }
0x28: {  	s2 =	sld [smem:$0x3FAF]  }
0x29: {  	s4 =	sld [smem:$0x3FB1]  }
0x2a: {  	p0 =	seq.s32 s5, $0x0;
	s5 =	sld [smem:$0x3FB2]  }
0x2b: {  	s6 =	sld [smem:$0x3FB3]  }
0x2c: {  	s7 =	sld [smem:$0x3FB4]  }
0x2d: {  	s3 =	simm.s32 $0x108;
	s8 =	sld [smem:$0x3FB5]  }
0x2e: {  	s3 =	simm.s32 @!p0 $0x1082;
	s9 =	sld [smem:$0x3FB6]  }
0x2f: {  	lr =	sadd.s32 s0, s3;
	s0 =	sld [smem:$0x3FAD]  }
0x30: {  	s3 =	sld [smem:$0x3FB0]  }
0x31: {  	[smem:$0x3FB9] =	sst s10  }
0x32: {  	s10 =	sld [smem:$0x3FB7];
	_ =	sdelay $0x3  }
0x33: {  	p0 =	seq.s32 s10, $0x1;
	s10 =	sld [smem:$0x3FB9];
	_ =	sdelay $0x3  }
0x34: {  	[smem:$0x3FB9] =	sst s10  }
0x35: {  	s10 =	sld [smem:$0x3FB8];
	_ =	sdelay $0x3  }
0x36: {  	p1 =	seq.s32 s10, $0x1;
	s10 =	sld [smem:$0x3FB9];
	_ =	sdelay $0x3  }
0x37: {  	[smem:$0x3FB9] =	sst s10  }
0x38: {  	s10 =	sld [smem:$0x3FBA]  }
0x39: {  	_ = 	snop;
	(pc) =	sbr.ind lr, $3  }
0x3a: {  	_ = 	snop  }
0x3b: {  	_ = 	snop  }
0x3c: {  	p2 =	seq.s32 s10, $0x1;
	s10 =	sld [smem:$0x3FB9]  }
0x3d: {  	_ =	shalt  }
0x3e: {  	_ =	shalt  }
0x3f: {  	_ =	shalt  }
0x40: {  	_ =	shalt  }
0x41: {  	_ =	shalt  }
0x42: {  	_ =	shalt  }
0x43: {  	_ =	shalt  }
0x44: {  	_ =	shalt  }
0x45: {  	_ =	shalt  }
0x46: {  	_ =	shalt  }
0x47: {  	_ =	shalt  }
0x48: {  	_ =	shalt  }
0x49: {  	_ =	shalt  }
0x4a: {  	_ =	shalt  }
0x4b: {  	_ =	shalt  }
0x4c: {  	_ =	shalt  }
0x4d: {  	_ =	shalt  }
0x4e: {  	_ =	shalt  }
0x4f: {  	_ =	shalt  }
0x50: {  	_ =	shalt  }
0x51: {  	_ =	shalt  }
0x52: {  	_ =	shalt  }
0x53: {  	_ =	shalt  }
0x54: {  	_ =	shalt  }
0x55: {  	_ =	shalt  }
0x56: {  	_ =	shalt  }
0x57: {  	_ =	shalt  }
0x58: {  	_ =	shalt  }
0x59: {  	_ =	shalt  }
0x5a: {  	_ =	shalt  }
0x5b: {  	_ =	shalt  }
0x5c: {  	_ =	shalt  }
0x5d: {  	_ =	shalt  }
0x5e: {  	_ =	shalt  }
0x5f: {  	_ =	shalt  }
0x60: {  	_ =	shalt  }
0x61: {  	_ =	shalt  }
0x62: {  	_ =	shalt  }
0x63: {  	_ =	shalt  }
0x64: {  	_ =	shalt  }
0x65: {  	_ =	shalt  }
0x66: {  	_ =	shalt  }
0x67: {  	_ =	shalt  }
0x68: {  	_ =	shalt  }
0x69: {  	_ =	shalt  }
0x6a: {  	_ =	shalt  }
0x6b: {  	_ =	shalt  }
0x6c: {  	_ =	shalt  }
0x6d: {  	_ =	shalt  }
0x6e: {  	_ =	shalt  }
0x6f: {  	_ =	shalt  }
0x70: {  	_ =	shalt  }
0x71: {  	_ =	shalt  }
0x72: {  	_ =	shalt  }
0x73: {  	_ =	shalt  }
0x74: {  	_ =	shalt  }
0x75: {  	_ =	shalt  }
0x76: {  	_ =	shalt  }
0x77: {  	_ =	shalt  }
0x78: {  	_ =	shalt  }
0x79: {  	_ =	shalt  }
0x7a: {  	_ =	shalt  }
0x7b: {  	_ =	shalt  }
0x7c: {  	_ =	shalt  }
0x7d: {  	_ =	shalt  }
0x7e: {  	_ =	shalt  }
0x7f: {  	_ =	shalt  }
0x80: {  	_ =	shalt  }
0x81: {  	_ =	shalt  }
0x82: {  	_ =	shalt  }
0x83: {  	_ =	shalt  }
0x84: {  	_ =	shalt  }
0x85: {  	_ =	shalt  }
0x86: {  	_ =	shalt  }
0x87: {  	_ =	shalt  }
.Lfunc_end0:
.L_simem_size_0:
called_computation_lowered:
.L_overlay_start_0:
0x88: {  	s2 =	sld [smem:$0x3FD9]  }
0x89: {  	s3 =	sld [smem:$0x3FFE];
	_ =	sdelay $0x1  }
0x8a: {  	s1 =	srdreg.scid  }
0x8b: {  	s0 =	sand.u32 $0x1, s1  }
0x8c: {  	s18 =	sshll.u32 s0, $0xA;
	s2 =	sadd.s32 s3, s2  }
0x8d: {  	s2 =	sadd.s32 s2, s18  }
0x8e: {  	[smem:$0x3FC5] =	sst s2  }
0x8f: {  	_ = 	snop  }
0x90: {  	s2 =	sld [smem:$0x3FC9]  }
0x91: {  	s19 =	sld [smem:$0x3FC8]  }
0x92: {  	s4 =	sld [smem:$0x3FC7]  }
0x93: {  	s5 =	sld [smem:$0x3FD0];
	(tm) =	ssettm $0x1  }
0x94: {  	s6 =	sld [smem:$0x3FFB];
	_ =	sdelay $0x3  }
0x95: {  	_ =	strace s6  }
0x96: {  	s6 =	sld [smem:$0x3FFC];
	_ =	sdelay $0x3  }
0x97: {  	_ =	strace s6  }
0x98: {  	s6 =	sld [smem:$0x3FFD];
	_ =	sdelay $0x3  }
0x99: {  	_ =	strace s6  }
0x9a: {  	_ =	strace $0x8FFFFFFF  }
0x9b: {  	s20 =	sld [smem:$0x3FDB];
	_ =	sdelay $0x1  }
0x9c: {  	s7 =	simm.s32 $_scs_section_size  }
0x9d: {  	s8 =	simm.s32 $_size__tile_overlayer_lowered;
	s9 =	simm.s32 $_tile_overlayer_lowered  }
0x9e: {  	s23 =	simm.s32 $0x1BFF;
	s22 =	sshll.u32 s9, $0x1;
	s6 =	sadd.s32 s7, s20  }
0x9f: {  	s10 =	simm.s32 $0x0;
	s21 =	sshll.u32 s8, $0x1;
	s8 =	sadd.s32 s22, s6  }
0xa0: {  	[timem:s10], [sflag:s23] =	dma.local [hbm:s8], s21  }
0xa1: {  	_ =	swait.ge [sflag:s23], s21  }
0xa2: {  	s7 =	ssub.s32 $0x0, s21;
	[sflag:s23] =	ssyncset.done $0x0  }
0xa3: {  	[sflag:s23] =	ssyncadd.s32 s7;
	_ =	sdelay $0x1  }
0xa4: {  	s24 =	simm.s32 $0x1B8B  }
0xa5: {  	_ =	swait.ge [sflag:s24], $0x1  }
0xa6: {  	[sflag:s24] =	ssyncset.done $0x0  }
0xa7: {  	s25 =	simm.s32 $0x1B8E;
	[sflag:s24] =	ssyncadd.s32 $0xFFFFFFFF  }
0xa8: {  	s26 =	simm.s32 $execute0_lowered;
	[smem:$0x3FD2] =	sst s25  }
0xa9: {  	s7 =	sshll.u32 s26, $0x1;
	_ =	strace $0x80000046;
	[dreg:$0x1] =	wrdreg $0xFFFFFFFF  }
0xaa: {  	s28 =	simm.s32 $_size_execute0_lowered;
	s6 =	sadd.s32 s6, s7;
	[dreg:$0x0] =	wrdreg $0x0  }
0xab: {  	s7 =	sshll.u32 s28, $0x1;
	[dreg:$0x2] =	wrdreg s6  }
0xac: {  	[dreg:$0x3] =	wrdreg s7  }
0xad: {  	[dreg:$0x4] =	wrdreg $0xC0  }
0xae: {  	_ =	task [dreg:s10], $0x5FFFF  }
0xaf: {  	[dreg:$0x1] =	wrdreg $0xFFFFFFFF  }
0xb0: {  	[dreg:$0x0] =	wrdreg $0x60  }
0xb1: {  	[dreg:$0x2] =	wrdreg s2  }
0xb2: {  	[dreg:$0x3] =	wrdreg s19  }
0xb3: {  	[dreg:$0x4] =	wrdreg s4  }
0xb4: {  	[dreg:$0x5] =	wrdreg s5  }
0xb5: {  	[dreg:$0x6] =	wrdreg $0x9  }
0xb6: {  	_ =	task.clear_ibuf [dreg:s10], $0x7FFFF;
	_ =	strace $0x90000046  }
0xb7: {  	s29 =	simm.s32 $0x9;
	_ =	strace $0x80000048  }
0xb8: {  	_ =	swait.ge [sflag:s29], $0x1  }
0xb9: {  	[sflag:s29] =	ssyncadd.s32 $0xFFFFFFFF  }
0xba: {  	_ =	strace $0x90000048  }
0xbb: {  	_ =	sfence  }
0xbc: {  	s30 =	sld [smem:$0x0];
	_ =	sdelay $0x2  }
0xbd: {  	s31 =	sshll.u32 s1, $0xD;
	s1 =	sshrl.u32 s1, $0x2  }
0xbe: {  	s3 =	sand.u32 $0x4000, s31;
	s1 =	sadd.s32 s1, s30  }
0xbf: {  	s0 =	sor.u32 s3, s0;
	s1 =	sshll.u32 s1, $0x11  }
0xc0: {  	s0 =	sor.u32 s1, s0  }
0xc1: {  	s0 =	sadd.s32 $0x8F2B, s0  }
0xc2: {  	[sflag:s0] =	ssyncadd.remote.s32 $0x1  }
0xc3: {  	_ =	sfence.sel $0xFFFF  }
0xc4: {  	[dreg:$0x0] =	wrdreg $0xFFFFFFFF;
	(pc) =	sbr.abs _section_cstart, $3  }
0xc5: {  	[dreg:$0x1] =	wrdreg $0xFFFFFFFF  }
0xc6: {  	_ =	task.clear_ibuf [dreg:s10], $0x2FFFF;
	_ =	strace $0x9FFFFFFF  }
0xc7: {  	(tm) =	ssettm $0x7FFFFFFF  }
tec
execute0_lowered:
.L_overlay_start_1:
0x0: {  	(tag) =	ssettag $0x1  }
0x1: {  	s0 =	rddreg [dreg:$0x0]  }
0x2: {  	s1 =	rddreg [dreg:$0x1]  }
0x3: {  	s8 =	rddreg [dreg:$0x2]  }
0x4: {  	s3 =	rddreg [dreg:$0x3];
	s9 =	simm.s32 $0x0  }
0x5: {  	[smem:$0x7FF] =	sst s9;
	s15 =	sadd.s32 $0x10, s8  }
0x6: {  	s16 =	sadd.s32 $0x20, s8;
	_ =	strace $0x80000047;
	[dreg:$0x8] =	wrdreg s15  }
0x7: {  	s17 =	sadd.s32 $0x30, s8;
	[dreg:$0x9] =	wrdreg s16  }
0x8: {  	s18 =	sadd.s32 $0x40, s8;
	[dreg:$0xa] =	wrdreg s17  }
0x9: {  	s19 =	sadd.s32 $0x50, s8;
	[dreg:$0xb] =	wrdreg s18  }
0xa: {  	s20 =	sadd.s32 $0x60, s8;
	[dreg:$0xc] =	wrdreg s19  }
0xb: {  	s21 =	sadd.s32 $0x70, s8;
	[dreg:$0xd] =	wrdreg s20  }
0xc: {  	s22 =	sadd.s32 $0x300, s8;
	[dreg:$0xe] =	wrdreg s21  }
0xd: {  	s23 =	sadd.s32 $0x310, s8;
	[dreg:$0xf] =	wrdreg s22  }
0xe: {  	s24 =	sadd.s32 $0x320, s8;
	[dreg:$0x10] =	wrdreg s23  }
0xf: {  	s11 =	sadd.s32 $0x340, s8;
	[dreg:$0x11] =	wrdreg s24  }
0x10: {  	s2 =	srdreg.scid;
	s12 =	sadd.s32 $0x350, s8;
	[dreg:$0x1c] =	wrdreg s11  }
0x11: {  	s7 =	stileid.u32;
	s13 =	sadd.s32 $0x360, s8;
	[dreg:$0x1d] =	wrdreg s12  }
0x12: {  	s31 =	simm.s32 $0x6100;
	[dreg:$0x1e] =	wrdreg s13;
	s15 =	sadd.s32 $0x600, s8  }
0x13: {  	s2 =	sand.u32 $0x1, s2;
	s16 =	sadd.s32 $0x610, s8;
	[smem:$0x7F0] =	sst s15  }
0x14: {  	s4 =	sshll.u32 s7, $0x1;
	s17 =	sadd.s32 $0x620, s8;
	[smem:$0x7F1] =	sst s16  }
0x15: {  	s7 =	sshll.u32 s7, $0x2;
	s18 =	sadd.s32 $0x630, s8;
	[smem:$0x7F2] =	sst s17  }
0x16: {  	s4 =	sor.u32 s2, s4;
	s19 =	sadd.s32 $0x640, s8;
	[smem:$0x7F3] =	sst s18  }
0x17: {  	s7 =	sand.u32 $0x30, s7;
	s20 =	sadd.s32 $0x650, s8;
	[smem:$0x7F4] =	sst s19  }
0x18: {  	s21 =	sadd.s32 $0x660, s8;
	s22 =	sadd.s32 $0x670, s8;
	[smem:$0x7F5] =	sst s20  }
0x19: {  	s23 =	sadd.s32 $0x900, s8;
	s5 =	smul.u32 $0x6000, s4;
	[smem:$0x7F6] =	sst s21  }
0x1a: {  	s14 =	sshll.u32 s4, $0x8;
	s4 =	sshll.u32 s4, $0x7;
	[smem:$0x7F7] =	sst s22  }
0x1b: {  	s1 =	sadd.s32 s1, s7;
	s7 =	sadd.s32 $0x330, s8;
	[smem:$0x7F8] =	sst s23  }
0x1c: {  	[dreg:$0x1a] =	wrdreg s7;
	s24 =	sand.u32 $0x700, s14;
	s14 =	sadd.s32 $0x370, s8  }
0x1d: {  	s4 =	sand.u32 $0x380, s4;
	s10 =	sadd.s32 s0, s5;
	[dreg:$0x1f] =	wrdreg s14  }
0x1e: {  	s2 =	ssub.s32 $0x2, s2;
	s1 =	sadd.s32 s4, s1;
	[dreg:$0x7] =	wrdreg s10  }
0x1f: {  	s25 =	sadd.s32 s3, s5;
	s26 =	sor.u32 $0x1800, s5;
	[dreg:$0x12] =	wrdreg s1  }
0x20: {  	s6 =	sshrl.u32 s2, $0x1;
	[dreg:$0x13] =	wrdreg s25;
	s28 =	sadd.s32 s0, s26  }
0x21: {  	s29 =	sadd.s32 $0x3000, s5;
	s1 =	sadd.s32 s3, s26;
	[dreg:$0x14] =	wrdreg s28  }
0x22: {  	s4 =	sadd.s32 $0x4800, s5;
	s30 =	sadd.s32 s0, s29;
	[dreg:$0x15] =	wrdreg s1  }
0x23: {  	s15 =	simm.s32 $0x80;
	s0 =	sadd.s32 s0, s4;
	[dreg:$0x16] =	wrdreg s30  }
0x24: {  	s2 =	ssub.s32 s2, s6;
	s5 =	sadd.s32 s3, s4;
	[dreg:$0x18] =	wrdreg s0  }
0x25: {  	s16 =	simm.s32 $0x400;
	s10 =	smax.u32 s2, $0x1;
	[dreg:$0x19] =	wrdreg s5  }
0x26: {  	s17 =	simm.s32 $0x100;
	s25 =	sadd.s32 $0x910, s8;
	[dreg:$0x1b] =	wrdreg s10  }
0x27: {  	s18 =	simm.s32 $0x5;
	s26 =	sadd.s32 $0x920, s8;
	[smem:$0x7F9] =	sst s25  }
.Ltmp0:
0x28: {  	s1 =	sadd.s32 s3, s29;
	[smem:$0x7FA] =	sst s26;
	(pc) =	sbr.rel .LBB2_1-.Ltmp0, $4  }
0x29: {  	s19 =	simm.s32 $0x1;
	s28 =	sadd.s32 $0x930, s8;
	[dreg:$0x17] =	wrdreg s1  }
0x2a: {  	s20 =	simm.s32 $0x12100;
	s29 =	sadd.s32 $0x940, s8;
	[smem:$0x7FB] =	sst s28  }
0x2b: {  	v0 =	vlaneseq.u32;
	s21 =	simm.s32 $0x2;
	s30 =	sadd.s32 $0x950, s8;
	[smem:$0x7FC] =	sst s29  }
0x2c: {  	v1 =	vimm.f32 $0.0e+00;
	v2 =	vor.u32 $0x5A00, v0;
	s23 =	simm.s32 $0x4;
	s25 =	simm.s32 $0x0;
	[smem:$0x7FD] =	sst s30  }
.LBB2_33:
0x2d: {  	s9 =	simm.s32 $0x0;
	s0 =	rddreg [dreg:$0x19]  }
0x2e: {  	[hbm4b:s0+s9] =	stream.linear.scatter [tilespmem:s20], [sflag:$0x4], $0xC000, $0x38;
	[tilespmem:$0x1E100] =	vst v63  }
0x2f: {  	_ =	swait.ge [sflag:s23], $0xC000  }
0x30: {  	s25 =	sadd.s32 $0x1, s25;
	s30 =	rddreg [dreg:$0x1b]  }
0x31: {  	p0 =	sne.s32 s25, s30  }
.Ltmp1:
0x32: {  	_ = 	snop;
	(pc) =	sbr.rel @!p0 .LBB2_34-.Ltmp1, $3  }
0x33: {  	_ =	sdelay $0x1  }
0x34: {  	[sflag:s23] =	ssyncset.done $0x0  }
0x35: {  	[sflag:s23] =	ssyncadd.s32 $0xFFFF4000  }
.LBB2_1:
0x36: {  	s0 =	rddreg [dreg:$0x7]  }
0x37: {  	s26 =	rddreg [dreg:$0x2]  }
0x38: {  	[tilespmem:s31], [sflag:$0x1] =	stream.linear.gather [hbm4b:s0+s9], $0xC000, $0x38;
	[tilespmem:$0x1E100] =	vst v63  }
0x39: {  	s28 =	rddreg [dreg:$0x8]  }
0x3a: {  	[tilespmem:s17], [sflag:$0x5] =	stream.strided.gather [hbm4b:s26+s15], $0x300, s16, s15, $0x38;
	[tilespmem:$0x1E100] =	vst v63  }
0x3b: {  	s29 =	rddreg [dreg:$0x9]  }
0x3c: {  	[tilespmem:s16], [sflag:$0x5] =	stream.strided.gather [hbm4b:s28+s15], $0x300, s16, s15, $0x38;
	[tilespmem:$0x1E100] =	vst v63  }
0x3d: {  	s1 =	simm.s32 $0x700;
	s30 =	rddreg [dreg:$0xa]  }
0x3e: {  	[tilespmem:s1], [sflag:$0x5] =	stream.strided.gather [hbm4b:s29+s15], $0x300, s16, s15, $0x38;
	[tilespmem:$0x1E100] =	vst v63  }
0x3f: {  	s2 =	rddreg [dreg:$0xb];
	s31 =	simm.s32 $0xA00  }
0x40: {  	[tilespmem:s31], [sflag:$0x5] =	stream.strided.gather [hbm4b:s30+s15], $0x300, s16, s15, $0x38;
	[tilespmem:$0x1E100] =	vst v63  }
0x41: {  	s3 =	simm.s32 $0xD00;
	s4 =	rddreg [dreg:$0xc]  }
0x42: {  	[tilespmem:s3], [sflag:$0x5] =	stream.strided.gather [hbm4b:s2+s15], $0x300, s16, s15, $0x38;
	[tilespmem:$0x1E100] =	vst v63  }
0x43: {  	s5 =	simm.s32 $0x1000;
	s6 =	rddreg [dreg:$0xd]  }
0x44: {  	[tilespmem:s5], [sflag:$0x5] =	stream.strided.gather [hbm4b:s4+s15], $0x300, s16, s15, $0x38;
	[tilespmem:$0x1E100] =	vst v63  }
0x45: {  	s7 =	simm.s32 $0x1300;
	s8 =	rddreg [dreg:$0xe]  }
0x46: {  	[tilespmem:s7], [sflag:$0x5] =	stream.strided.gather [hbm4b:s6+s15], $0x300, s16, s15, $0x38;
	[tilespmem:$0x1E100] =	vst v63  }
0x47: {  	s10 =	simm.s32 $0x1600;
	s11 =	rddreg [dreg:$0xf]  }
0x48: {  	[tilespmem:s10], [sflag:$0x5] =	stream.strided.gather [hbm4b:s8+s15], $0x300, s16, s15, $0x38;
	[tilespmem:$0x1E100] =	vst v63  }
0x49: {  	s12 =	simm.s32 $0x1900;
	s13 =	rddreg [dreg:$0x10]  }
0x4a: {  	[tilespmem:s12], [sflag:$0x5] =	stream.strided.gather [hbm4b:s11+s15], $0x300, s16, s15, $0x38;
	[tilespmem:$0x1E100] =	vst v63  }
0x4b: {  	s14 =	simm.s32 $0x1C00;
	s22 =	rddreg [dreg:$0x11]  }
0x4c: {  	[tilespmem:s14], [sflag:$0x5] =	stream.strided.gather [hbm4b:s13+s15], $0x300, s16, s15, $0x38;
	[tilespmem:$0x1E100] =	vst v63  }
0x4d: {  	s26 =	simm.s32 $0x1F00;
	s28 =	rddreg [dreg:$0x1a]  }
0x4e: {  	[tilespmem:s26], [sflag:$0x5] =	stream.strided.gather [hbm4b:s22+s15], $0x300, s16, s15, $0x38;
	[tilespmem:$0x1E100] =	vst v63  }
0x4f: {  	s29 =	simm.s32 $0x2200;
	s30 =	rddreg [dreg:$0x1c]  }
0x50: {  	[tilespmem:s29], [sflag:$0x5] =	stream.strided.gather [hbm4b:s28+s15], $0x300, s16, s15, $0x38;
	[tilespmem:$0x1E100] =	vst v63  }
0x51: {  	s31 =	simm.s32 $0x2500;
	s2 =	rddreg [dreg:$0x1d]  }
0x52: {  	[tilespmem:s31], [sflag:$0x5] =	stream.strided.gather [hbm4b:s30+s15], $0x300, s16, s15, $0x38;
	[tilespmem:$0x1E100] =	vst v63  }
0x53: {  	s3 =	simm.s32 $0x2800;
	s4 =	rddreg [dreg:$0x1e]  }
0x54: {  	[tilespmem:s3], [sflag:$0x5] =	stream.strided.gather [hbm4b:s2+s15], $0x300, s16, s15, $0x38;
	[tilespmem:$0x1E100] =	vst v63  }
0x55: {  	s5 =	simm.s32 $0x2B00;
	s6 =	rddreg [dreg:$0x1f]  }
0x56: {  	[tilespmem:s5], [sflag:$0x5] =	stream.strided.gather [hbm4b:s4+s15], $0x300, s16, s15, $0x38;
	[tilespmem:$0x1E100] =	vst v63  }
0x57: {  	s7 =	simm.s32 $0x2E00;
	s8 =	sld [smem:$0x7F0]  }
0x58: {  	[tilespmem:s7], [sflag:$0x5] =	stream.strided.gather [hbm4b:s6+s15], $0x300, s16, s15, $0x38;
	[tilespmem:$0x1E100] =	vst v63  }
0x59: {  	s10 =	simm.s32 $0x3100;
	s11 =	sld [smem:$0x7F1]  }
0x5a: {  	[tilespmem:s10], [sflag:$0x5] =	stream.strided.gather [hbm4b:s8+s15], $0x300, s16, s15, $0x38;
	[tilespmem:$0x1E100] =	vst v63  }
0x5b: {  	s12 =	simm.s32 $0x3400;
	s13 =	sld [smem:$0x7F2]  }
0x5c: {  	[tilespmem:s12], [sflag:$0x5] =	stream.strided.gather [hbm4b:s11+s15], $0x300, s16, s15, $0x38;
	[tilespmem:$0x1E100] =	vst v63  }
0x5d: {  	s14 =	simm.s32 $0x3700;
	s22 =	sld [smem:$0x7F3]  }
0x5e: {  	[tilespmem:s14], [sflag:$0x5] =	stream.strided.gather [hbm4b:s13+s15], $0x300, s16, s15, $0x38;
	[tilespmem:$0x1E100] =	vst v63  }
0x5f: {  	s26 =	simm.s32 $0x3A00;
	s28 =	sld [smem:$0x7F4]  }
0x60: {  	[tilespmem:s26], [sflag:$0x5] =	stream.strided.gather [hbm4b:s22+s15], $0x300, s16, s15, $0x38;
	[tilespmem:$0x1E100] =	vst v63  }
0x61: {  	s29 =	simm.s32 $0x3D00;
	s30 =	sld [smem:$0x7F5]  }
0x62: {  	[tilespmem:s29], [sflag:$0x5] =	stream.strided.gather [hbm4b:s28+s15], $0x300, s16, s15, $0x38;
	[tilespmem:$0x1E100] =	vst v63  }
0x63: {  	s31 =	simm.s32 $0x4000;
	s2 =	sld [smem:$0x7F6]  }
0x64: {  	[tilespmem:s31], [sflag:$0x5] =	stream.strided.gather [hbm4b:s30+s15], $0x300, s16, s15, $0x38;
	[tilespmem:$0x1E100] =	vst v63  }
0x65: {  	s3 =	simm.s32 $0x4300;
	s4 =	sld [smem:$0x7F7]  }
0x66: {  	[tilespmem:s3], [sflag:$0x5] =	stream.strided.gather [hbm4b:s2+s15], $0x300, s16, s15, $0x38;
	[tilespmem:$0x1E100] =	vst v63  }
0x67: {  	s5 =	simm.s32 $0x4600;
	s6 =	sld [smem:$0x7F8]  }
0x68: {  	[tilespmem:s5], [sflag:$0x5] =	stream.strided.gather [hbm4b:s4+s15], $0x300, s16, s15, $0x38;
	[tilespmem:$0x1E100] =	vst v63  }
0x69: {  	s7 =	simm.s32 $0x4900;
	s8 =	sld [smem:$0x7F9]  }
0x6a: {  	[tilespmem:s7], [sflag:$0x5] =	stream.strided.gather [hbm4b:s6+s15], $0x300, s16, s15, $0x38;
	[tilespmem:$0x1E100] =	vst v63  }
0x6b: {  	s10 =	simm.s32 $0x4C00;
	s11 =	sld [smem:$0x7FA]  }
0x6c: {  	[tilespmem:s10], [sflag:$0x5] =	stream.strided.gather [hbm4b:s8+s15], $0x300, s16, s15, $0x38;
	[tilespmem:$0x1E100] =	vst v63  }
0x6d: {  	s12 =	simm.s32 $0x4F00;
	s13 =	sld [smem:$0x7FB]  }
0x6e: {  	[tilespmem:s12], [sflag:$0x5] =	stream.strided.gather [hbm4b:s11+s15], $0x300, s16, s15, $0x38;
	[tilespmem:$0x1E100] =	vst v63  }
0x6f: {  	s14 =	simm.s32 $0x5200;
	s22 =	sld [smem:$0x7FC]  }
0x70: {  	[tilespmem:s14], [sflag:$0x5] =	stream.strided.gather [hbm4b:s13+s15], $0x300, s16, s15, $0x38;
	[tilespmem:$0x1E100] =	vst v63  }
0x71: {  	s26 =	simm.s32 $0x5500;
	s28 =	sld [smem:$0x7FD]  }
0x72: {  	[tilespmem:s26], [sflag:$0x5] =	stream.strided.gather [hbm4b:s22+s15], $0x300, s16, s15, $0x38;
	[tilespmem:$0x1E100] =	vst v63  }
0x73: {  	s29 =	simm.s32 $0x5800  }
0x74: {  	[tilespmem:s29], [sflag:$0x5] =	stream.strided.gather [hbm4b:s28+s15], $0x300, s16, s15, $0x38;
	[tilespmem:$0x1E100] =	vst v63  }
0x75: {  	s30 =	rddreg [dreg:$0x12];
	s31 =	simm.s32 $0x200  }
0x76: {  	[tilespmem:s9], [sflag:$0x5] =	stream.strided.gather [hbm4b:s30+s15], $0x100, s31, s15, $0x38;
	[tilespmem:$0x1E100] =	vst v63  }
0x77: {  	[tilespmem:$0x5B00] =	vst v1  }
0x78: {  	[tilespmem:$0x5B10] =	vst v1  }
0x79: {  	[tilespmem:$0x5B20] =	vst v1  }
0x7a: {  	[tilespmem:$0x5B30] =	vst v1  }
0x7b: {  	[tilespmem:$0x5B40] =	vst v1  }
0x7c: {  	[tilespmem:$0x5B50] =	vst v1  }
0x7d: {  	[tilespmem:$0x5B60] =	vst v1  }
0x7e: {  	[tilespmem:$0x5B70] =	vst v1  }
0x7f: {  	[tilespmem:$0x5B80] =	vst v1  }
0x80: {  	[tilespmem:$0x5B90] =	vst v1  }
0x81: {  	[tilespmem:$0x5BA0] =	vst v1  }
0x82: {  	[tilespmem:$0x5BB0] =	vst v1  }
0x83: {  	[tilespmem:$0x5BC0] =	vst v1  }
0x84: {  	[tilespmem:$0x5BD0] =	vst v1  }
0x85: {  	[tilespmem:$0x5BE0] =	vst v1  }
0x86: {  	[tilespmem:$0x5BF0] =	vst v1  }
0x87: {  	[tilespmem:$0x5C00] =	vst v1  }
0x88: {  	[tilespmem:$0x5C10] =	vst v1  }
0x89: {  	[tilespmem:$0x5C20] =	vst v1  }
0x8a: {  	[tilespmem:$0x5C30] =	vst v1  }
0x8b: {  	[tilespmem:$0x5C40] =	vst v1  }
0x8c: {  	[tilespmem:$0x5C50] =	vst v1  }
0x8d: {  	[tilespmem:$0x5C60] =	vst v1  }
0x8e: {  	[tilespmem:$0x5C70] =	vst v1  }
0x8f: {  	[tilespmem:$0x5C80] =	vst v1  }
0x90: {  	[tilespmem:$0x5C90] =	vst v1  }
0x91: {  	[tilespmem:$0x5CA0] =	vst v1  }
0x92: {  	[tilespmem:$0x5CB0] =	vst v1  }
0x93: {  	[tilespmem:$0x5CC0] =	vst v1  }
0x94: {  	[tilespmem:$0x5CD0] =	vst v1  }
0x95: {  	[tilespmem:$0x5CE0] =	vst v1  }
0x96: {  	[tilespmem:$0x5CF0] =	vst v1  }
0x97: {  	[tilespmem:$0x5D00] =	vst v1  }
0x98: {  	[tilespmem:$0x5D10] =	vst v1  }
0x99: {  	[tilespmem:$0x5D20] =	vst v1  }
0x9a: {  	[tilespmem:$0x5D30] =	vst v1  }
0x9b: {  	[tilespmem:$0x5D40] =	vst v1  }
0x9c: {  	[tilespmem:$0x5D50] =	vst v1  }
0x9d: {  	[tilespmem:$0x5D60] =	vst v1  }
0x9e: {  	[tilespmem:$0x5D70] =	vst v1  }
0x9f: {  	[tilespmem:$0x5D80] =	vst v1  }
0xa0: {  	[tilespmem:$0x5D90] =	vst v1  }
0xa1: {  	[tilespmem:$0x5DA0] =	vst v1  }
0xa2: {  	[tilespmem:$0x5DB0] =	vst v1  }
0xa3: {  	[tilespmem:$0x5DC0] =	vst v1  }
0xa4: {  	[tilespmem:$0x5DD0] =	vst v1  }
0xa5: {  	[tilespmem:$0x5DE0] =	vst v1  }
0xa6: {  	[tilespmem:$0x5DF0] =	vst v1  }
0xa7: {  	[tilespmem:$0x5E00] =	vst v1  }
0xa8: {  	[tilespmem:$0x5E10] =	vst v1  }
0xa9: {  	[tilespmem:$0x5E20] =	vst v1  }
0xaa: {  	[tilespmem:$0x5E30] =	vst v1  }
0xab: {  	[tilespmem:$0x5E40] =	vst v1  }
0xac: {  	[tilespmem:$0x5E50] =	vst v1  }
0xad: {  	[tilespmem:$0x5E60] =	vst v1  }
0xae: {  	[tilespmem:$0x5E70] =	vst v1  }
0xaf: {  	[tilespmem:$0x5E80] =	vst v1  }
0xb0: {  	[tilespmem:$0x5E90] =	vst v1  }
0xb1: {  	[tilespmem:$0x5EA0] =	vst v1  }
0xb2: {  	[tilespmem:$0x5EB0] =	vst v1  }
0xb3: {  	[tilespmem:$0x5EC0] =	vst v1  }
0xb4: {  	[tilespmem:$0x5ED0] =	vst v1  }
0xb5: {  	[tilespmem:$0x5EE0] =	vst v1  }
0xb6: {  	[tilespmem:$0x5EF0] =	vst v1  }
0xb7: {  	[tilespmem:$0x5F00] =	vst v1  }
0xb8: {  	[tilespmem:$0x5F10] =	vst v1  }
0xb9: {  	[tilespmem:$0x5F20] =	vst v1  }
0xba: {  	[tilespmem:$0x5F30] =	vst v1  }
0xbb: {  	[tilespmem:$0x5F40] =	vst v1  }
0xbc: {  	[tilespmem:$0x5F50] =	vst v1  }
0xbd: {  	[tilespmem:$0x5F60] =	vst v1  }
0xbe: {  	[tilespmem:$0x5F70] =	vst v1  }
0xbf: {  	[tilespmem:$0x5F80] =	vst v1  }
0xc0: {  	[tilespmem:$0x5F90] =	vst v1  }
0xc1: {  	[tilespmem:$0x5FA0] =	vst v1  }
0xc2: {  	[tilespmem:$0x5FB0] =	vst v1  }
0xc3: {  	[tilespmem:$0x5FC0] =	vst v1  }
0xc4: {  	[tilespmem:$0x5FD0] =	vst v1  }
0xc5: {  	[tilespmem:$0x5FE0] =	vst v1  }
0xc6: {  	[tilespmem:$0x5FF0] =	vst v1  }
0xc7: {  	[tilespmem:$0x6000] =	vst v1  }
0xc8: {  	[tilespmem:$0x6010] =	vst v1  }
0xc9: {  	[tilespmem:$0x6020] =	vst v1  }
0xca: {  	[tilespmem:$0x6030] =	vst v1  }
0xcb: {  	[tilespmem:$0x6040] =	vst v1  }
0xcc: {  	[tilespmem:$0x6050] =	vst v1  }
0xcd: {  	[tilespmem:$0x6060] =	vst v1  }
0xce: {  	[tilespmem:$0x6070] =	vst v1  }
0xcf: {  	[tilespmem:$0x6080] =	vst v1  }
0xd0: {  	[tilespmem:$0x6090] =	vst v1  }
0xd1: {  	[tilespmem:$0x60A0] =	vst v1  }
0xd2: {  	[tilespmem:$0x60B0] =	vst v1  }
0xd3: {  	[tilespmem:$0x60C0] =	vst v1  }
0xd4: {  	[tilespmem:$0x60D0] =	vst v1  }
0xd5: {  	[tilespmem:$0x60E0] =	vst v1  }
0xd6: {  	[tilespmem:$0x60F0] =	vst v1  }
0xd7: {  	_ =	swait.ge [sflag:s18], $0x300  }
0xd8: {  	[sflag:s18] =	ssyncset.done $0x0  }
0xd9: {  	[sflag:s18] =	ssyncadd.s32 $0xFFFFFD00  }
0xda: {  	_ =	swait.ge [sflag:s18], $0x300  }
0xdb: {  	[sflag:s18] =	ssyncset.done $0x0  }
0xdc: {  	[sflag:s18] =	ssyncadd.s32 $0xFFFFFD00  }
0xdd: {  	_ =	swait.ge [sflag:s18], $0x300  }
0xde: {  	[sflag:s18] =	ssyncset.done $0x0  }
0xdf: {  	[sflag:s18] =	ssyncadd.s32 $0xFFFFFD00  }
0xe0: {  	_ =	swait.ge [sflag:s18], $0x300  }
0xe1: {  	[sflag:s18] =	ssyncset.done $0x0  }
0xe2: {  	[sflag:s18] =	ssyncadd.s32 $0xFFFFFD00  }
0xe3: {  	_ =	swait.ge [sflag:s18], $0x300  }
0xe4: {  	[sflag:s18] =	ssyncset.done $0x0  }
0xe5: {  	[sflag:s18] =	ssyncadd.s32 $0xFFFFFD00  }
0xe6: {  	_ =	swait.ge [sflag:s18], $0x300  }
0xe7: {  	[sflag:s18] =	ssyncset.done $0x0  }
0xe8: {  	[sflag:s18] =	ssyncadd.s32 $0xFFFFFD00  }
0xe9: {  	_ =	swait.ge [sflag:s18], $0x300  }
0xea: {  	[sflag:s18] =	ssyncset.done $0x0  }
0xeb: {  	[sflag:s18] =	ssyncadd.s32 $0xFFFFFD00  }
0xec: {  	_ =	swait.ge [sflag:s18], $0x300  }
0xed: {  	[sflag:s18] =	ssyncset.done $0x0  }
0xee: {  	[sflag:s18] =	ssyncadd.s32 $0xFFFFFD00  }
0xef: {  	_ =	swait.ge [sflag:s18], $0x300  }
0xf0: {  	[sflag:s18] =	ssyncset.done $0x0  }
0xf1: {  	[sflag:s18] =	ssyncadd.s32 $0xFFFFFD00  }
0xf2: {  	_ =	swait.ge [sflag:s18], $0x300  }
0xf3: {  	[sflag:s18] =	ssyncset.done $0x0  }
0xf4: {  	[sflag:s18] =	ssyncadd.s32 $0xFFFFFD00  }
0xf5: {  	_ =	swait.ge [sflag:s18], $0x300  }
0xf6: {  	[sflag:s18] =	ssyncset.done $0x0  }
0xf7: {  	[sflag:s18] =	ssyncadd.s32 $0xFFFFFD00  }
0xf8: {  	_ =	swait.ge [sflag:s18], $0x300  }
0xf9: {  	[sflag:s18] =	ssyncset.done $0x0  }
0xfa: {  	[sflag:s18] =	ssyncadd.s32 $0xFFFFFD00  }
0xfb: {  	_ =	swait.ge [sflag:s18], $0x300  }
0xfc: {  	[sflag:s18] =	ssyncset.done $0x0  }
0xfd: {  	[sflag:s18] =	ssyncadd.s32 $0xFFFFFD00  }
0xfe: {  	_ =	swait.ge [sflag:s18], $0x300  }
0xff: {  	[sflag:s18] =	ssyncset.done $0x0  }
0x100: {  	[sflag:s18] =	ssyncadd.s32 $0xFFFFFD00  }
0x101: {  	_ =	swait.ge [sflag:s18], $0x300  }
0x102: {  	[sflag:s18] =	ssyncset.done $0x0  }
0x103: {  	[sflag:s18] =	ssyncadd.s32 $0xFFFFFD00  }
0x104: {  	_ =	swait.ge [sflag:s18], $0x300  }
0x105: {  	[sflag:s18] =	ssyncset.done $0x0  }
0x106: {  	[sflag:s18] =	ssyncadd.s32 $0xFFFFFD00  }
0x107: {  	_ =	swait.ge [sflag:s18], $0x300  }
0x108: {  	[sflag:s18] =	ssyncset.done $0x0  }
0x109: {  	[sflag:s18] =	ssyncadd.s32 $0xFFFFFD00  }
0x10a: {  	_ =	swait.ge [sflag:s18], $0x300  }
0x10b: {  	[sflag:s18] =	ssyncset.done $0x0  }
0x10c: {  	[sflag:s18] =	ssyncadd.s32 $0xFFFFFD00  }
0x10d: {  	_ =	swait.ge [sflag:s18], $0x300  }
0x10e: {  	[sflag:s18] =	ssyncset.done $0x0  }
0x10f: {  	[sflag:s18] =	ssyncadd.s32 $0xFFFFFD00  }
0x110: {  	_ =	swait.ge [sflag:s18], $0x300  }
0x111: {  	[sflag:s18] =	ssyncset.done $0x0  }
0x112: {  	[sflag:s18] =	ssyncadd.s32 $0xFFFFFD00  }
0x113: {  	_ =	swait.ge [sflag:s18], $0x300  }
0x114: {  	[sflag:s18] =	ssyncset.done $0x0  }
0x115: {  	[sflag:s18] =	ssyncadd.s32 $0xFFFFFD00  }
0x116: {  	_ =	swait.ge [sflag:s18], $0x300  }
0x117: {  	[sflag:s18] =	ssyncset.done $0x0  }
0x118: {  	[sflag:s18] =	ssyncadd.s32 $0xFFFFFD00  }
0x119: {  	_ =	swait.ge [sflag:s18], $0x300  }
0x11a: {  	[sflag:s18] =	ssyncset.done $0x0  }
0x11b: {  	[sflag:s18] =	ssyncadd.s32 $0xFFFFFD00  }
0x11c: {  	_ =	swait.ge [sflag:s18], $0x300  }
0x11d: {  	[sflag:s18] =	ssyncset.done $0x0  }
0x11e: {  	[sflag:s18] =	ssyncadd.s32 $0xFFFFFD00  }
0x11f: {  	_ =	swait.ge [sflag:s18], $0x300  }
0x120: {  	[sflag:s18] =	ssyncset.done $0x0  }
0x121: {  	[sflag:s18] =	ssyncadd.s32 $0xFFFFFD00  }
0x122: {  	_ =	swait.ge [sflag:s18], $0x300  }
0x123: {  	[sflag:s18] =	ssyncset.done $0x0  }
0x124: {  	[sflag:s18] =	ssyncadd.s32 $0xFFFFFD00  }
0x125: {  	_ =	swait.ge [sflag:s18], $0x300  }
0x126: {  	[sflag:s18] =	ssyncset.done $0x0  }
0x127: {  	[sflag:s18] =	ssyncadd.s32 $0xFFFFFD00  }
0x128: {  	_ =	swait.ge [sflag:s18], $0x300  }
0x129: {  	[sflag:s18] =	ssyncset.done $0x0  }
0x12a: {  	[sflag:s18] =	ssyncadd.s32 $0xFFFFFD00  }
0x12b: {  	_ =	swait.ge [sflag:s18], $0x300  }
0x12c: {  	[sflag:s18] =	ssyncset.done $0x0  }
0x12d: {  	[sflag:s18] =	ssyncadd.s32 $0xFFFFFD00  }
0x12e: {  	_ =	swait.ge [sflag:s18], $0x300  }
0x12f: {  	[sflag:s18] =	ssyncset.done $0x0  }
0x130: {  	[sflag:s18] =	ssyncadd.s32 $0xFFFFFD00  }
0x131: {  	_ =	swait.ge [sflag:s18], $0x100  }
0x132: {  	[sflag:s18] =	ssyncset.done $0x0  }
0x133: {  	[sflag:s18] =	ssyncadd.s32 $0xFFFFFF00  }
0x134: {  	_ =	swait.ge [sflag:s19], $0xC000  }
0x135: {  	[sflag:s19] =	ssyncset.done $0x0  }
0x136: {  	s26 =	simm.s32 $0x0;
	[sflag:s19] =	ssyncadd.s32 $0xFFFF4000  }
.LBB2_2:
0x137: {  	s0 =	sshll.u32 s26, $0x2  }
0x138: {  	v3 =	vmov s0  }
0x139: {  	v3 =	vbroadcast v3, $0x0;
	_ =	sdelay $0x4  }
0x13a: {  	s6 =	simm.s32 $0x0  }
0x13b: {  	s10 =	sor.u32 $0x1, s0;
	v3 =	vld.idx.msk [tilespmem:v3+s6+$0x0], $0xffff  }
0x13c: {  	v4 =	vmov s10  }
0x13d: {  	v4 =	vbroadcast v4, $0x0;
	_ =	sdelay $0x2  }
0x13e: {  	s5 =	sor.u32 $0x2, s0;
	v3 =	vmul.u32 $0x300, v3  }
0x13f: {  	s3 =	sor.u32 s24, s26;
	v5 =	vmov s5  }
0x140: {  	s4 =	sshrl.u32 s26, $0x1;
	p0 =	seq.s32 s3, $0x0;
	v5 =	vbroadcast v5, $0x0;
	v3 =	vor.u32 v0, v3  }
0x141: {  	s1 =	smul.u32 $0x6000, s4;
	s3 =	simm.s32 $0x20;
	v4 =	vld.idx.msk [tilespmem:v4+s6+$0x0], $0xffff;
	v3 =	vpsel p0, v2, v3  }
0x142: {  	s0 =	simm.s32 $0x0;
	v6 =	vadd.s32 s3, v3  }
0x143: {  	s2 =	sshll.u32 s26, $0x9;
	s4 =	sshllo.u32 s26, $0x2;
	s1 =	sshra.s32 s1, $0x2;
	v7 =	vadd.s32 s0, v3  }
0x144: {  	s2 =	sand.u32 $0x200, s2;
	v8 =	vmov s4;
	s7 =	sadd.s32 $0x6100, s1;
	s1 =	simm.s32 $0x10  }
0x145: {  	[dreg:$0x6] =	wrdreg s2;
	s2 =	simm.s32 $0x30;
	v9 =	vadd.s32 s1, v3  }
0x146: {  	[dreg:$0x5] =	wrdreg s7;
	v5 =	vld.idx.msk [tilespmem:v5+s6+$0x0], $0xffff;
	v4 =	vmul.u32 $0x300, v4;
	v10 =	vadd.s32 s2, v3  }
0x147: {  	v6 =	vld.idx.msk [tilespmem:v6+s17+$0x0], $0xffff  }
0x148: {  	s9 =	sand.u32 $0x1C00, s6;
	s7 =	rddreg [dreg:$0x5];
	v4 =	vor.u32 v0, v4;
	v7 =	vld.idx.msk [tilespmem:v7+s17+$0x0], $0xffff  }
0x149: {  	s8 =	rddreg [dreg:$0x6];
	v8 =	vld.idx.msk [tilespmem:v8+s6+$0x0], $0xffff;
	s7 =	sadd.s32 s9, s7;
	v11 =	vadd.s32 s3, v4  }
0x14a: {  	s30 =	sand.u32 $0x60, s3;
	s11 =	sadd.s32 s8, s7;
	v9 =	vld.idx.msk [tilespmem:v9+s17+$0x0], $0xffff  }
0x14b: {  	s9 =	sand.u32 $0x40, s0;
	s8 =	sadd.s32 s30, s11;
	v10 =	vld.idx.msk [tilespmem:v10+s17+$0x0], $0xffff  }
0x14c: {  	s12 =	sadd.s32 s9, s11;
	v12 =	vadd.s32 s0, v4;
	[tilespmem:s8+$0x0] =	vst.add.f32.msk $0xffff, v6  }
0x14d: {  	v5 =	vmul.u32 $0x300, v5;
	s8 =	sand.u32 $0x50, s1;
	v6 =	vadd.s32 s1, v4;
	[tilespmem:s12+$0x0] =	vst.add.f32.msk $0xffff, v7  }
0x14e: {  	s6 =	sand.u32 $0x70, s2;
	s13 =	sadd.s32 s8, s11;
	v7 =	vld.idx.msk [tilespmem:v11+s17+$0x0], $0xffff  }
0x14f: {  	s10 =	sshll.u32 s10, $0x7;
	v5 =	vor.u32 v0, v5;
	s11 =	sadd.s32 s6, s11;
	v11 =	vadd.s32 s2, v4;
	[tilespmem:s13+$0x0] =	vst.add.f32.msk $0xffff, v9  }
0x150: {  	s28 =	sand.u32 $0x280, s10;
	v9 =	vadd.s32 s3, v5;
	[tilespmem:s11+$0x0] =	vst.add.f32.msk $0xffff, v10  }
0x151: {  	s10 =	sadd.s32 s28, s7;
	v10 =	vld.idx.msk [tilespmem:v12+s17+$0x0], $0xffff  }
0x152: {  	s14 =	sadd.s32 s30, s10;
	v8 =	vmul.u32 $0x300, v8;
	v13 =	vadd.s32 s0, v5;
	v12 =	vld.idx.msk [tilespmem:v6+s17+$0x0], $0xffff  }
0x153: {  	[tilespmem:s14+$0x0] =	vst.add.f32.msk $0xffff, v7  }
0x154: {  	v6 =	vor.u32 v0, v8;
	v8 =	vld.idx.msk [tilespmem:v11+s17+$0x0], $0xffff  }
0x155: {  	s22 =	sadd.s32 s9, s10;
	v7 =	vld.idx.msk [tilespmem:v9+s17+$0x0], $0xffff  }
0x156: {  	s5 =	sshll.u32 s5, $0x7;
	[tilespmem:s22+$0x0] =	vst.add.f32.msk $0xffff, v10;
	v10 =	vadd.s32 s1, v5  }
0x157: {  	s29 =	sand.u32 $0x300, s5;
	s12 =	sadd.s32 s8, s10;
	v9 =	vadd.s32 s3, v6;
	v14 =	vld.idx.msk [tilespmem:v13+s17+$0x0], $0xffff  }
0x158: {  	s5 =	sadd.s32 s29, s7;
	s14 =	sadd.s32 s6, s10;
	[tilespmem:s12+$0x0] =	vst.add.f32.msk $0xffff, v12  }
0x159: {  	p1 =	por $0x1, $0x1;
	s13 =	sadd.s32 s30, s5;
	v12 =	vadd.s32 s2, v5;
	[tilespmem:s14+$0x0] =	vst.add.f32.msk $0xffff, v8  }
.Ltmp2:
0x15a: {  	[tilespmem:s13+$0x0] =	vst.add.f32.msk $0xffff, v7;
	(pc) =	sbr.rel @!p1 .LBB2_3-.Ltmp2, $4  }
0x15b: {  	s4 =	sshll.u32 s4, $0x7;
	v13 =	vld.idx.msk [tilespmem:v10+s17+$0x0], $0xffff  }
0x15c: {  	s31 =	sand.u32 $0x380, s4;
	s22 =	sadd.s32 s9, s5;
	v11 =	vld.idx.msk [tilespmem:v9+s17+$0x0], $0xffff  }
0x15d: {  	s7 =	sadd.s32 s31, s7;
	p0 =	por $0x0, $0x0;
	[tilespmem:s22+$0x0] =	vst.add.f32.msk $0xffff, v14  }
0x15e: {  	s11 =	sadd.s32 s8, s5;
	s10 =	sadd.s32 s6, s5;
	s12 =	simm.s32 $0x70;
	v8 =	vadd.s32 s0, v6;
	v10 =	vadd.s32 s1, v6;
	v9 =	vadd.s32 s2, v6;
	v12 =	vld.idx.msk [tilespmem:v12+s17+$0x0], $0xffff  }
0x15f: {  	_ =	sdelay $0x2  }
0x160: {  	s5 =	simm.s32 $0x60  }
0x161: {  	v8 =	vld.idx.msk [tilespmem:v8+s17+$0x0], $0xffff;
	v7 =	vadd.s32 s5, v3  }
0x162: {  	v14 =	vadd.s32 s12, v3;
	s0 =	sadd.s32 s30, s7;
	s3 =	simm.s32 $0x40;
	[tilespmem:s11+$0x0] =	vst.add.f32.msk $0xffff, v13  }
0x163: {  	s13 =	simm.s32 $0x50;
	[tilespmem:s0+$0x0] =	vst.add.f32.msk $0xffff, v11;
	v11 =	vadd.s32 s3, v3  }
0x164: {  	v15 =	vadd.s32 s13, v3;
	v10 =	vld.idx.msk [tilespmem:v10+s17+$0x0], $0xffff  }
0x165: {  	[tilespmem:s10+$0x0] =	vst.add.f32.msk $0xffff, v12  }
0x166: {  	s1 =	simm.s32 $0x200;
	v7 =	vld.idx.msk [tilespmem:v7+s17+$0x0], $0xffff  }
0x167: {  	s22 =	rddreg [dreg:$0x5];
	s4 =	sand.u32 $0x1C00, s1;
	v12 =	vadd.s32 s5, v4;
	v13 =	vld.idx.msk [tilespmem:v14+s17+$0x0], $0xffff  }
0x168: {  	s2 =	rddreg [dreg:$0x6];
	s22 =	sadd.s32 s4, s22;
	v11 =	vld.idx.msk [tilespmem:v11+s17+$0x0], $0xffff  }
0x169: {  	s30 =	sand.u32 $0x60, s5;
	s11 =	sadd.s32 s9, s7;
	s10 =	sadd.s32 s2, s22;
	v14 =	vld.idx.msk [tilespmem:v15+s17+$0x0], $0xffff  }
0x16a: {  	s4 =	sadd.s32 s30, s10;
	[tilespmem:s11+$0x0] =	vst.add.f32.msk $0xffff, v8  }
0x16b: {  	s0 =	sand.u32 $0x40, s3;
	v8 =	vadd.s32 s3, v4;
	[tilespmem:s4+$0x0] =	vst.add.f32.msk $0xffff, v7  }
0x16c: {  	s14 =	sadd.s32 s0, s10;
	s4 =	sand.u32 $0x50, s13;
	v7 =	vld.idx.msk [tilespmem:v12+s17+$0x0], $0xffff  }
0x16d: {  	s2 =	sand.u32 $0x70, s12;
	[tilespmem:s14+$0x0] =	vst.add.f32.msk $0xffff, v11;
	s11 =	sadd.s32 s4, s10  }
0x16e: {  	s10 =	sadd.s32 s2, s10;
	v11 =	vadd.s32 s13, v4;
	[tilespmem:s11+$0x0] =	vst.add.f32.msk $0xffff, v14  }
0x16f: {  	s9 =	sadd.s32 s28, s22;
	[tilespmem:s10+$0x0] =	vst.add.f32.msk $0xffff, v13  }
0x170: {  	s14 =	sadd.s32 s30, s9;
	v12 =	vadd.s32 s5, v5;
	v8 =	vld.idx.msk [tilespmem:v8+s17+$0x0], $0xffff  }
0x171: {  	v13 =	vadd.s32 s12, v4;
	[tilespmem:s14+$0x0] =	vst.add.f32.msk $0xffff, v7  }
0x172: {  	v7 =	vld.idx.msk [tilespmem:v9+s17+$0x0], $0xffff  }
0x173: {  	s8 =	sadd.s32 s8, s7;
	v9 =	vld.idx.msk [tilespmem:v11+s17+$0x0], $0xffff  }
0x174: {  	[tilespmem:s8+$0x0] =	vst.add.f32.msk $0xffff, v10;
	v11 =	vadd.s32 s3, v5  }
0x175: {  	v12 =	vld.idx.msk [tilespmem:v12+s17+$0x0], $0xffff  }
0x176: {  	s11 =	sadd.s32 s0, s9;
	v13 =	vld.idx.msk [tilespmem:v13+s17+$0x0], $0xffff  }
0x177: {  	s14 =	sadd.s32 s4, s9;
	[tilespmem:s11+$0x0] =	vst.add.f32.msk $0xffff, v8;
	v8 =	vadd.s32 s13, v5  }
0x178: {  	v14 =	vadd.s32 s5, v6;
	s10 =	sadd.s32 s29, s22;
	[tilespmem:s14+$0x0] =	vst.add.f32.msk $0xffff, v9  }
0x179: {  	s8 =	sadd.s32 s30, s10;
	v9 =	vadd.s32 s12, v5;
	v15 =	vld.idx.msk [tilespmem:v11+s17+$0x0], $0xffff  }
0x17a: {  	p1 =	por $0x1, $0x1;
	s11 =	sadd.s32 s2, s9;
	[tilespmem:s8+$0x0] =	vst.add.f32.msk $0xffff, v12  }
.Ltmp3:
0x17b: {  	[tilespmem:s11+$0x0] =	vst.add.f32.msk $0xffff, v13;
	(pc) =	sbr.rel @!p1 .LBB2_5-.Ltmp3, $4  }
0x17c: {  	v13 =	vld.idx.msk [tilespmem:v8+s17+$0x0], $0xffff;
	v8 =	vadd.s32 s3, v6  }
0x17d: {  	p0 =	por $0x1, $0x1;
	v11 =	vld.idx.msk [tilespmem:v14+s17+$0x0], $0xffff  }
0x17e: {  	s5 =	sadd.s32 s6, s7;
	s7 =	sadd.s32 s31, s22;
	s14 =	sadd.s32 s0, s10;
	v12 =	vld.idx.msk [tilespmem:v9+s17+$0x0], $0xffff  }
0x17f: {  	v10 =	vadd.s32 s13, v6;
	s6 =	simm.s32 $0xB0;
	s11 =	sadd.s32 s4, s10;
	s10 =	sadd.s32 s2, s10;
	v9 =	vadd.s32 s12, v6;
	[tilespmem:s14+$0x0] =	vst.add.f32.msk $0xffff, v15  }
.LBB2_6:
0x180: {  	_ = 	snop  }
0x181: {  	v14 =	vadd.s32 s6, v3;
	v17 =	vld.idx.msk [tilespmem:v8+s17+$0x0], $0xffff  }
0x182: {  	s9 =	sadd.s32 s30, s7;
	[tilespmem:s5+$0x0] =	vst.add.f32.msk $0xffff, v7  }
0x183: {  	s8 =	sadd.s32 $0xFFFFFFF0, s6;
	[tilespmem:s9+$0x0] =	vst.add.f32.msk $0xffff, v11  }
0x184: {  	s3 =	sadd.s32 $0xFFFFFFE0, s6;
	v20 =	vadd.s32 s8, v3;
	[tilespmem:s11+$0x0] =	vst.add.f32.msk $0xffff, v13  }
0x185: {  	s12 =	sadd.s32 $0xFFFFFFD0, s6;
	s22 =	sand.u32 $0x70, s6;
	s14 =	sadd.s32 s0, s7;
	v18 =	vadd.s32 s3, v3;
	[tilespmem:s10+$0x0] =	vst.add.f32.msk $0xffff, v12  }
0x186: {  	s5 =	sadd.s32 s2, s7;
	s1 =	sadd.s32 $0x200, s1;
	s13 =	sand.u32 $0x50, s3;
	v11 =	vadd.s32 s12, v3;
	v12 =	vld.idx.msk [tilespmem:v14+s17+$0x0], $0xffff  }
0x187: {  	s0 =	sand.u32 $0x40, s12;
	v7 =	vadd.s32 s3, v6;
	p1 =	slt.u32 s12, $0x2C0;
	s2 =	smov.u32 s22;
	v24 =	vld.idx.msk [tilespmem:v10+s17+$0x0], $0xffff  }
0x188: {  	v21 =	vadd.s32 s12, v4;
	v22 =	vadd.s32 s12, v5;
	v8 =	vadd.s32 s12, v6;
	s22 =	sand.u32 $0x1C00, s1;
	s9 =	sadd.s32 s4, s7;
	s12 =	rddreg [dreg:$0x5];
	v10 =	vmovc v7;
	v7 =	vld.idx.msk [tilespmem:v9+s17+$0x0], $0xffff  }
0x189: {  	v19 =	vadd.s32 s3, v4;
	v23 =	vadd.s32 s3, v5;
	s4 =	smov.u32 s13;
	s13 =	rddreg [dreg:$0x6];
	s3 =	sadd.s32 s22, s12;
	v14 =	vld.idx.msk [tilespmem:v20+s17+$0x0], $0xffff  }
0x18a: {  	v18 =	vld.idx.msk [tilespmem:v18+s17+$0x0], $0xffff;
	s7 =	sadd.s32 s13, s3  }
0x18b: {  	v63 =	vadd.s32 s8, v4;
	s30 =	sand.u32 $0x60, s8;
	s11 =	sadd.s32 s0, s7;
	v11 =	vld.idx.msk [tilespmem:v11+s17+$0x0], $0xffff  }
0x18c: {  	s13 =	sadd.s32 s4, s7;
	s22 =	sadd.s32 s30, s7;
	s7 =	sadd.s32 s2, s7;
	[tilespmem:s14+$0x0] =	vst.add.f32.msk $0xffff, v17  }
0x18d: {  	[tilespmem:s7+$0x0] =	vst.add.f32.msk $0xffff, v12  }
0x18e: {  	[tilespmem:s22+$0x0] =	vst.add.f32.msk $0xffff, v14  }
0x18f: {  	v13 =	vadd.s32 s6, v6;
	[tilespmem:s13+$0x0] =	vst.add.f32.msk $0xffff, v18  }
0x190: {  	v9 =	vmov v13;
	v13 =	vld.idx.msk [tilespmem:v63+s17+$0x0], $0xffff  }
0x191: {  	v15 =	vadd.s32 s6, v4;
	v14 =	vld.idx.msk [tilespmem:v19+s17+$0x0], $0xffff  }
0x192: {  	[tilespmem:s9+$0x0] =	vst.add.f32.msk $0xffff, v24  }
0x193: {  	[tilespmem:s11+$0x0] =	vst.add.f32.msk $0xffff, v11;
	v11 =	vadd.s32 s8, v5;
	s11 =	sadd.s32 s28, s3  }
0x194: {  	v12 =	vld.idx.msk [tilespmem:v21+s17+$0x0], $0xffff;
	s22 =	sadd.s32 s30, s11  }
0x195: {  	[tilespmem:s22+$0x0] =	vst.add.f32.msk $0xffff, v13  }
0x196: {  	s14 =	sadd.s32 s4, s11;
	v13 =	vld.idx.msk [tilespmem:v15+s17+$0x0], $0xffff  }
0x197: {  	[tilespmem:s14+$0x0] =	vst.add.f32.msk $0xffff, v14  }
0x198: {  	v16 =	vadd.s32 s6, v5;
	s13 =	sadd.s32 s0, s11;
	v11 =	vld.idx.msk [tilespmem:v11+s17+$0x0], $0xffff  }
0x199: {  	[tilespmem:s13+$0x0] =	vst.add.f32.msk $0xffff, v12  }
0x19a: {  	s7 =	sadd.s32 s2, s11;
	v15 =	vadd.s32 s8, v6;
	v14 =	vld.idx.msk [tilespmem:v22+s17+$0x0], $0xffff  }
0x19b: {  	[tilespmem:s7+$0x0] =	vst.add.f32.msk $0xffff, v13  }
.Ltmp4:
0x19c: {  	s13 =	sadd.s32 s29, s3;
	v13 =	vld.idx.msk [tilespmem:v23+s17+$0x0], $0xffff;
	(pc) =	sbr.rel @p1 .LBB2_6-.Ltmp4, $4  }
0x19d: {  	s22 =	sadd.s32 s30, s13;
	v12 =	vld.idx.msk [tilespmem:v16+s17+$0x0], $0xffff  }
0x19e: {  	[tilespmem:s22+$0x0] =	vst.add.f32.msk $0xffff, v11  }
0x19f: {  	s6 =	sadd.s32 $0x40, s6;
	s14 =	sadd.s32 s0, s13;
	v11 =	vld.idx.msk [tilespmem:v15+s17+$0x0], $0xffff  }
0x1a0: {  	s11 =	sadd.s32 s4, s13;
	s10 =	sadd.s32 s2, s13;
	s7 =	sadd.s32 s31, s3;
	[tilespmem:s14+$0x0] =	vst.add.f32.msk $0xffff, v14  }
0x1a1: {  	s9 =	smov.u32 s0;
	s8 =	smov.u32 s4;
	s6 =	smov.u32 s2  }
.LBB2_8:
0x1a2: {  	_ =	sdelay $0x3  }
0x1a3: {  	v3 =	vld.idx.msk [tilespmem:v8+s17+$0x0], $0xffff  }
0x1a4: {  	[tilespmem:s11+$0x0] =	vst.add.f32.msk $0xffff, v13  }
0x1a5: {  	[tilespmem:s10+$0x0] =	vst.add.f32.msk $0xffff, v12  }
0x1a6: {  	[tilespmem:s5+$0x0] =	vst.add.f32.msk @p0 $0xffff, v7  }
0x1a7: {  	s26 =	sadd.s32 $0x1, s26;
	v4 =	vld.idx.msk [tilespmem:v10+s17+$0x0], $0xffff  }
0x1a8: {  	v5 =	vld.idx.msk [tilespmem:v9+s17+$0x0], $0xffff;
	p0 =	sne.s32 s26, $0x10  }
.Ltmp5:
0x1a9: {  	s0 =	sadd.s32 s30, s7;
	(pc) =	sbr.rel @p0 .LBB2_2-.Ltmp5, $4  }
.Ltmp6:
0x1aa: {  	s30 =	sadd.s32 s9, s7;
	[tilespmem:s0+$0x0] =	vst.add.f32.msk $0xffff, v11;
	(pc) =	sbr.rel @!p0 .LBB2_9-.Ltmp6, $4  }
0x1ab: {  	s1 =	sadd.s32 s8, s7;
	[tilespmem:s30+$0x0] =	vst.add.f32.msk $0xffff, v3  }
0x1ac: {  	s31 =	sadd.s32 s6, s7;
	[tilespmem:s1+$0x0] =	vst.add.f32.msk $0xffff, v4  }
0x1ad: {  	[tilespmem:s31+$0x0] =	vst.add.f32.msk $0xffff, v5  }
0x1ae: {  	_ = 	snop  }
.LBB2_3:
.Ltmp7:
0x1af: {  	(pc) =	sbr.rel .LBB2_8-.Ltmp7, $2  }
0x1b0: {  	_ =	sdelay $0x2  }
0x1b1: {  	_ = 	snop  }
.LBB2_5:
.Ltmp8:
0x1b2: {  	(pc) =	sbr.rel .LBB2_8-.Ltmp8, $2  }
0x1b3: {  	_ =	sdelay $0x2  }
0x1b4: {  	s9 =	smov.u32 s0;
	s8 =	smov.u32 s4;
	s6 =	smov.u32 s2  }
.LBB2_9:
0x1b5: {  	s26 =	simm.s32 $0x0;
	s0 =	rddreg [dreg:$0x13];
	s31 =	simm.s32 $0x6100  }
0x1b6: {  	[hbm4b:s0+s26] =	stream.linear.scatter [tilespmem:s31], [sflag:$0x3], $0xC000, $0x38;
	[tilespmem:$0x1E100] =	vst v63  }
0x1b7: {  	s30 =	rddreg [dreg:$0x14]  }
0x1b8: {  	[tilespmem:s20], [sflag:$0x2] =	stream.linear.gather [hbm4b:s30+s26], $0xC000, $0x38;
	[tilespmem:$0x1E100] =	vst v63  }
0x1b9: {  	_ =	swait.ge [sflag:s21], $0xC000  }
0x1ba: {  	[sflag:s21] =	ssyncset.done $0x0  }
0x1bb: {  	s28 =	simm.s32 $0x0;
	[sflag:s21] =	ssyncadd.s32 $0xFFFF4000  }
.LBB2_10:
0x1bc: {  	s0 =	sshll.u32 s28, $0x2  }
0x1bd: {  	s1 =	sor.u32 $0x40, s0  }
0x1be: {  	v3 =	vmov s1  }
0x1bf: {  	v3 =	vbroadcast v3, $0x0;
	_ =	sdelay $0x5  }
0x1c0: {  	s8 =	sor.u32 $0x41, s0;
	v3 =	vld.idx.msk [tilespmem:v3+s26+$0x0], $0xffff  }
0x1c1: {  	v4 =	vmov s8  }
0x1c2: {  	v4 =	vbroadcast v4, $0x0;
	_ =	sdelay $0x1  }
0x1c3: {  	s9 =	sor.u32 $0x42, s0  }
0x1c4: {  	v5 =	vmov s9;
	v3 =	vmul.u32 $0x300, v3  }
0x1c5: {  	v5 =	vbroadcast v5, $0x0  }
0x1c6: {  	s3 =	simm.s32 $0x20;
	s0 =	sor.u32 $0x43, s0;
	v3 =	vor.u32 v0, v3  }
0x1c7: {  	s2 =	sshrl.u32 s28, $0x1;
	v7 =	vmov s0;
	s0 =	simm.s32 $0x0;
	v4 =	vld.idx.msk [tilespmem:v4+s26+$0x0], $0xffff;
	v6 =	vadd.s32 s3, v3  }
0x1c8: {  	s4 =	smul.u32 $0x6000, s2;
	s2 =	simm.s32 $0x30;
	v8 =	vadd.s32 s0, v3  }
0x1c9: {  	v10 =	vadd.s32 s2, v3  }
0x1ca: {  	s1 =	simm.s32 $0x10  }
0x1cb: {  	s5 =	sshll.u32 s28, $0x9;
	v5 =	vld.idx.msk [tilespmem:v5+s26+$0x0], $0xffff;
	v9 =	vadd.s32 s1, v3  }
0x1cc: {  	s5 =	sand.u32 $0x200, s5;
	s4 =	sshra.s32 s4, $0x2;
	v4 =	vmul.u32 $0x300, v4;
	v6 =	vld.idx.msk [tilespmem:v6+s17+$0x0], $0xffff  }
0x1cd: {  	s4 =	sor.u32 s5, s4;
	v8 =	vld.idx.msk [tilespmem:v8+s17+$0x0], $0xffff  }
0x1ce: {  	s10 =	sand.u32 $0x1C00, s26;
	s29 =	sadd.s32 $0x12100, s4;
	v4 =	vor.u32 v0, v4;
	v10 =	vld.idx.msk [tilespmem:v10+s17+$0x0], $0xffff  }
0x1cf: {  	s30 =	sand.u32 $0x60, s3;
	s4 =	sadd.s32 s10, s29;
	v7 =	vld.idx.msk [tilespmem:v7+s26+$0x0], $0xffff;
	v11 =	vadd.s32 s3, v4  }
0x1d0: {  	s9 =	sand.u32 $0x40, s0;
	s11 =	sadd.s32 s30, s4;
	v12 =	vadd.s32 s0, v4;
	v9 =	vld.idx.msk [tilespmem:v9+s17+$0x0], $0xffff  }
0x1d1: {  	s7 =	sand.u32 $0x70, s2;
	s12 =	sadd.s32 s9, s4;
	[tilespmem:s11+$0x0] =	vst.add.f32.msk $0xffff, v6  }
0x1d2: {  	s13 =	sadd.s32 s7, s4;
	[tilespmem:s12+$0x0] =	vst.add.f32.msk $0xffff, v8  }
0x1d3: {  	v5 =	vmul.u32 $0x300, v5;
	v6 =	vadd.s32 s1, v4;
	[tilespmem:s13+$0x0] =	vst.add.f32.msk $0xffff, v10  }
0x1d4: {  	v11 =	vld.idx.msk [tilespmem:v11+s17+$0x0], $0xffff  }
0x1d5: {  	s8 =	sand.u32 $0x50, s1;
	v5 =	vor.u32 v0, v5;
	v10 =	vld.idx.msk [tilespmem:v12+s17+$0x0], $0xffff  }
0x1d6: {  	s6 =	sadd.s32 s8, s4;
	v8 =	vadd.s32 s3, v5  }
0x1d7: {  	s14 =	sadd.s32 $0x80, s4;
	[tilespmem:s6+$0x0] =	vst.add.f32.msk $0xffff, v9;
	v9 =	vadd.s32 s2, v4  }
0x1d8: {  	s22 =	sadd.s32 s30, s14;
	v13 =	vadd.s32 s0, v5;
	v12 =	vld.idx.msk [tilespmem:v6+s17+$0x0], $0xffff  }
0x1d9: {  	s10 =	sadd.s32 s9, s14;
	v7 =	vmul.u32 $0x300, v7;
	[tilespmem:s22+$0x0] =	vst.add.f32.msk $0xffff, v11  }
0x1da: {  	[tilespmem:s10+$0x0] =	vst.add.f32.msk $0xffff, v10;
	v10 =	vadd.s32 s1, v5  }
0x1db: {  	v6 =	vor.u32 v0, v7;
	v7 =	vld.idx.msk [tilespmem:v8+s17+$0x0], $0xffff  }
0x1dc: {  	v8 =	vld.idx.msk [tilespmem:v9+s17+$0x0], $0xffff  }
0x1dd: {  	s11 =	sadd.s32 s8, s14;
	v15 =	vld.idx.msk [tilespmem:v13+s17+$0x0], $0xffff  }
0x1de: {  	s12 =	sadd.s32 $0x100, s4;
	v9 =	vadd.s32 s3, v6;
	[tilespmem:s11+$0x0] =	vst.add.f32.msk $0xffff, v12  }
0x1df: {  	p1 =	por $0x1, $0x1;
	v14 =	vadd.s32 s2, v5;
	s13 =	sadd.s32 s30, s12;
	v11 =	vld.idx.msk [tilespmem:v10+s17+$0x0], $0xffff  }
.Ltmp9:
0x1e0: {  	s14 =	sadd.s32 s7, s14;
	[tilespmem:s13+$0x0] =	vst.add.f32.msk $0xffff, v7;
	(pc) =	sbr.rel @!p1 .LBB2_11-.Ltmp9, $4  }
0x1e1: {  	s22 =	sadd.s32 s9, s12;
	[tilespmem:s14+$0x0] =	vst.add.f32.msk $0xffff, v8  }
0x1e2: {  	[tilespmem:s22+$0x0] =	vst.add.f32.msk $0xffff, v15  }
0x1e3: {  	p0 =	por $0x0, $0x0;
	s6 =	sadd.s32 $0x180, s4;
	v12 =	vld.idx.msk [tilespmem:v9+s17+$0x0], $0xffff  }
0x1e4: {  	s10 =	sadd.s32 s7, s12;
	s11 =	sadd.s32 s8, s12;
	s12 =	simm.s32 $0x70;
	v10 =	vadd.s32 s1, v6;
	v7 =	vadd.s32 s0, v6;
	v8 =	vadd.s32 s2, v6;
	v13 =	vld.idx.msk [tilespmem:v14+s17+$0x0], $0xffff  }
0x1e5: {  	_ =	sdelay $0x2  }
0x1e6: {  	s5 =	simm.s32 $0x60  }
0x1e7: {  	v7 =	vld.idx.msk [tilespmem:v7+s17+$0x0], $0xffff;
	v9 =	vadd.s32 s5, v3  }
0x1e8: {  	v14 =	vadd.s32 s12, v3;
	s3 =	simm.s32 $0x50;
	[tilespmem:s11+$0x0] =	vst.add.f32.msk $0xffff, v11  }
0x1e9: {  	s0 =	sadd.s32 s30, s6;
	v15 =	vadd.s32 s3, v3;
	v10 =	vld.idx.msk [tilespmem:v10+s17+$0x0], $0xffff  }
0x1ea: {  	s13 =	simm.s32 $0x40;
	[tilespmem:s0+$0x0] =	vst.add.f32.msk $0xffff, v12  }
0x1eb: {  	v12 =	vadd.s32 s13, v3;
	[tilespmem:s10+$0x0] =	vst.add.f32.msk $0xffff, v13  }
0x1ec: {  	v9 =	vld.idx.msk [tilespmem:v9+s17+$0x0], $0xffff  }
0x1ed: {  	s1 =	simm.s32 $0x200;
	v13 =	vadd.s32 s5, v4;
	v11 =	vld.idx.msk [tilespmem:v14+s17+$0x0], $0xffff  }
0x1ee: {  	s2 =	sadd.s32 s9, s6;
	s10 =	sand.u32 $0x1C00, s1;
	v14 =	vld.idx.msk [tilespmem:v15+s17+$0x0], $0xffff  }
0x1ef: {  	s30 =	sand.u32 $0x60, s5;
	s14 =	sadd.s32 s10, s29;
	[tilespmem:s2+$0x0] =	vst.add.f32.msk $0xffff, v7;
	v7 =	vadd.s32 s3, v4  }
0x1f0: {  	s0 =	sadd.s32 s30, s14;
	v12 =	vld.idx.msk [tilespmem:v12+s17+$0x0], $0xffff  }
0x1f1: {  	s4 =	sand.u32 $0x50, s3;
	[tilespmem:s0+$0x0] =	vst.add.f32.msk $0xffff, v9  }
0x1f2: {  	s22 =	sadd.s32 s4, s14;
	v9 =	vld.idx.msk [tilespmem:v13+s17+$0x0], $0xffff  }
0x1f3: {  	s0 =	sand.u32 $0x40, s13;
	[tilespmem:s22+$0x0] =	vst.add.f32.msk $0xffff, v14;
	v13 =	vadd.s32 s13, v4  }
0x1f4: {  	s2 =	sand.u32 $0x70, s12;
	s11 =	sadd.s32 s0, s14;
	v7 =	vld.idx.msk [tilespmem:v7+s17+$0x0], $0xffff  }
0x1f5: {  	s10 =	sadd.s32 $0x80, s14;
	[tilespmem:s11+$0x0] =	vst.add.f32.msk $0xffff, v12;
	s11 =	sadd.s32 s2, s14;
	v12 =	vadd.s32 s5, v5  }
0x1f6: {  	s22 =	sadd.s32 s30, s10;
	[tilespmem:s11+$0x0] =	vst.add.f32.msk $0xffff, v11  }
0x1f7: {  	[tilespmem:s22+$0x0] =	vst.add.f32.msk $0xffff, v9;
	v9 =	vadd.s32 s12, v4  }
0x1f8: {  	s8 =	sadd.s32 s8, s6;
	v11 =	vld.idx.msk [tilespmem:v13+s17+$0x0], $0xffff  }
0x1f9: {  	[tilespmem:s8+$0x0] =	vst.add.f32.msk $0xffff, v10  }
0x1fa: {  	s22 =	sadd.s32 s4, s10;
	v12 =	vld.idx.msk [tilespmem:v12+s17+$0x0], $0xffff  }
0x1fb: {  	v10 =	vadd.s32 s13, v5;
	[tilespmem:s22+$0x0] =	vst.add.f32.msk $0xffff, v7  }
0x1fc: {  	s11 =	sadd.s32 s0, s10;
	v7 =	vadd.s32 s3, v5;
	v13 =	vld.idx.msk [tilespmem:v9+s17+$0x0], $0xffff  }
0x1fd: {  	s8 =	sadd.s32 $0x100, s14;
	v14 =	vadd.s32 s5, v6;
	[tilespmem:s11+$0x0] =	vst.add.f32.msk $0xffff, v11  }
0x1fe: {  	s9 =	sadd.s32 s30, s8;
	v9 =	vld.idx.msk [tilespmem:v8+s17+$0x0], $0xffff  }
0x1ff: {  	v15 =	vadd.s32 s12, v5;
	[tilespmem:s9+$0x0] =	vst.add.f32.msk $0xffff, v12  }
0x200: {  	p1 =	por $0x1, $0x1;
	v16 =	vld.idx.msk [tilespmem:v10+s17+$0x0], $0xffff  }
.Ltmp10:
0x201: {  	v11 =	vld.idx.msk [tilespmem:v7+s17+$0x0], $0xffff;
	v7 =	vadd.s32 s13, v6;
	(pc) =	sbr.rel @!p1 .LBB2_13-.Ltmp10, $4  }
0x202: {  	s11 =	sadd.s32 s2, s10;
	v12 =	vld.idx.msk [tilespmem:v14+s17+$0x0], $0xffff  }
0x203: {  	p0 =	por $0x1, $0x1;
	[tilespmem:s11+$0x0] =	vst.add.f32.msk $0xffff, v13  }
0x204: {  	s5 =	sadd.s32 s7, s6;
	s6 =	sadd.s32 $0x180, s14;
	s22 =	sadd.s32 s0, s8;
	v13 =	vld.idx.msk [tilespmem:v15+s17+$0x0], $0xffff  }
0x205: {  	s7 =	simm.s32 $0xB0;
	s10 =	sadd.s32 s2, s8;
	v8 =	vadd.s32 s12, v6;
	v10 =	vadd.s32 s3, v6;
	s11 =	sadd.s32 s4, s8;
	[tilespmem:s22+$0x0] =	vst.add.f32.msk $0xffff, v16  }
.LBB2_14:
0x206: {  	s9 =	sadd.s32 $0xFFFFFFE0, s7;
	s8 =	sadd.s32 $0xFFFFFFF0, s7;
	v14 =	vadd.s32 s7, v3;
	v15 =	vadd.s32 s7, v4;
	v16 =	vadd.s32 s7, v5;
	v17 =	vld.idx.msk [tilespmem:v7+s17+$0x0], $0xffff;
	s3 =	sadd.s32 s30, s6  }
0x207: {  	s12 =	sadd.s32 $0xFFFFFFD0, s7;
	s14 =	sand.u32 $0x70, s7;
	v18 =	vadd.s32 s9, v3;
	s13 =	sand.u32 $0x50, s9;
	v19 =	vadd.s32 s9, v4;
	v20 =	vadd.s32 s8, v3;
	[tilespmem:s3+$0x0] =	vst.add.f32.msk $0xffff, v12  }
0x208: {  	s22 =	sadd.s32 s0, s6;
	v12 =	vadd.s32 s12, v3;
	v21 =	vadd.s32 s12, v4;
	v22 =	vadd.s32 s12, v5;
	s0 =	sand.u32 $0x40, s12;
	s3 =	sadd.s32 s4, s6;
	[tilespmem:s5+$0x0] =	vst.add.f32.msk $0xffff, v9  }
0x209: {  	v7 =	vadd.s32 s12, v6;
	v23 =	vadd.s32 s9, v5;
	p1 =	slt.u32 s12, $0x2C0;
	v9 =	vadd.s32 s9, v6;
	s5 =	sadd.s32 s2, s6;
	s4 =	smov.u32 s13;
	[tilespmem:s11+$0x0] =	vst.add.f32.msk $0xffff, v11  }
0x20a: {  	s2 =	smov.u32 s14;
	v11 =	vadd.s32 s7, v6;
	[tilespmem:s10+$0x0] =	vst.add.f32.msk $0xffff, v13  }
0x20b: {  	v13 =	vld.idx.msk [tilespmem:v14+s17+$0x0], $0xffff  }
0x20c: {  	v14 =	vld.idx.msk [tilespmem:v20+s17+$0x0], $0xffff  }
0x20d: {  	v12 =	vld.idx.msk [tilespmem:v12+s17+$0x0], $0xffff  }
0x20e: {  	s1 =	sadd.s32 $0x200, s1;
	v20 =	vadd.s32 s8, v4;
	v18 =	vld.idx.msk [tilespmem:v18+s17+$0x0], $0xffff  }
0x20f: {  	s6 =	sand.u32 $0x1C00, s1;
	v24 =	vld.idx.msk [tilespmem:v10+s17+$0x0], $0xffff;
	v10 =	vmov v9  }
0x210: {  	s30 =	sand.u32 $0x60, s8;
	s6 =	sadd.s32 s6, s29;
	v9 =	vld.idx.msk [tilespmem:v8+s17+$0x0], $0xffff;
	v8 =	vmov v11  }
0x211: {  	s9 =	sadd.s32 s0, s6;
	s10 =	sadd.s32 s4, s6;
	s11 =	sadd.s32 s30, s6;
	[tilespmem:s22+$0x0] =	vst.add.f32.msk $0xffff, v17  }
0x212: {  	[tilespmem:s11+$0x0] =	vst.add.f32.msk $0xffff, v14;
	s11 =	sadd.s32 s2, s6  }
0x213: {  	v11 =	vld.idx.msk [tilespmem:v20+s17+$0x0], $0xffff  }
0x214: {  	[tilespmem:s9+$0x0] =	vst.add.f32.msk $0xffff, v12  }
0x215: {  	v12 =	vadd.s32 s8, v5;
	[tilespmem:s10+$0x0] =	vst.add.f32.msk $0xffff, v18  }
0x216: {  	[tilespmem:s11+$0x0] =	vst.add.f32.msk $0xffff, v13  }
0x217: {  	s9 =	sadd.s32 $0x80, s6;
	v13 =	vld.idx.msk [tilespmem:v21+s17+$0x0], $0xffff  }
0x218: {  	s10 =	sadd.s32 s0, s9;
	s12 =	sadd.s32 s30, s9;
	s11 =	sadd.s32 s4, s9;
	v14 =	vld.idx.msk [tilespmem:v19+s17+$0x0], $0xffff  }
0x219: {  	s9 =	sadd.s32 s2, s9;
	[tilespmem:s12+$0x0] =	vst.add.f32.msk $0xffff, v11  }
0x21a: {  	v11 =	vld.idx.msk [tilespmem:v12+s17+$0x0], $0xffff  }
0x21b: {  	v15 =	vld.idx.msk [tilespmem:v15+s17+$0x0], $0xffff  }
0x21c: {  	v12 =	vadd.s32 s8, v6;
	[tilespmem:s3+$0x0] =	vst.add.f32.msk $0xffff, v24  }
0x21d: {  	[tilespmem:s10+$0x0] =	vst.add.f32.msk $0xffff, v13  }
0x21e: {  	s3 =	sadd.s32 $0x100, s6;
	[tilespmem:s11+$0x0] =	vst.add.f32.msk $0xffff, v14  }
0x21f: {  	s8 =	sadd.s32 s0, s3;
	s10 =	sadd.s32 s30, s3;
	s11 =	sadd.s32 s4, s3;
	v14 =	vld.idx.msk [tilespmem:v22+s17+$0x0], $0xffff  }
0x220: {  	[tilespmem:s10+$0x0] =	vst.add.f32.msk $0xffff, v11;
	s10 =	sadd.s32 s2, s3  }
.Ltmp11:
0x221: {  	v12 =	vld.idx.msk [tilespmem:v12+s17+$0x0], $0xffff;
	(pc) =	sbr.rel @p1 .LBB2_14-.Ltmp11, $4  }
0x222: {  	[tilespmem:s9+$0x0] =	vst.add.f32.msk $0xffff, v15  }
0x223: {  	v11 =	vld.idx.msk [tilespmem:v23+s17+$0x0], $0xffff  }
0x224: {  	v13 =	vld.idx.msk [tilespmem:v16+s17+$0x0], $0xffff  }
0x225: {  	s7 =	sadd.s32 $0x40, s7;
	s6 =	sadd.s32 $0x180, s6;
	[tilespmem:s8+$0x0] =	vst.add.f32.msk $0xffff, v14  }
0x226: {  	s9 =	smov.u32 s0;
	s8 =	smov.u32 s4;
	s7 =	smov.u32 s2  }
.LBB2_16:
0x227: {  	_ =	sdelay $0x3  }
0x228: {  	v3 =	vld.idx.msk [tilespmem:v7+s17+$0x0], $0xffff  }
0x229: {  	[tilespmem:s5+$0x0] =	vst.add.f32.msk @p0 $0xffff, v9  }
0x22a: {  	[tilespmem:s11+$0x0] =	vst.add.f32.msk $0xffff, v11  }
0x22b: {  	[tilespmem:s10+$0x0] =	vst.add.f32.msk $0xffff, v13  }
0x22c: {  	s28 =	sadd.s32 $0x1, s28;
	v4 =	vld.idx.msk [tilespmem:v10+s17+$0x0], $0xffff  }
0x22d: {  	p0 =	sne.s32 s28, $0x10;
	v5 =	vld.idx.msk [tilespmem:v8+s17+$0x0], $0xffff  }
.Ltmp12:
0x22e: {  	s0 =	sadd.s32 s30, s6;
	(pc) =	sbr.rel @p0 .LBB2_10-.Ltmp12, $4  }
.Ltmp13:
0x22f: {  	s29 =	sadd.s32 s9, s6;
	[tilespmem:s0+$0x0] =	vst.add.f32.msk $0xffff, v12;
	(pc) =	sbr.rel @!p0 .LBB2_17-.Ltmp13, $4  }
0x230: {  	s1 =	sadd.s32 s8, s6;
	[tilespmem:s29+$0x0] =	vst.add.f32.msk $0xffff, v3  }
0x231: {  	s30 =	sadd.s32 s7, s6;
	[tilespmem:s1+$0x0] =	vst.add.f32.msk $0xffff, v4  }
0x232: {  	[tilespmem:s30+$0x0] =	vst.add.f32.msk $0xffff, v5  }
0x233: {  	_ = 	snop  }
.LBB2_11:
.Ltmp14:
0x234: {  	(pc) =	sbr.rel .LBB2_16-.Ltmp14, $2  }
0x235: {  	_ =	sdelay $0x2  }
0x236: {  	_ = 	snop  }
.LBB2_13:
.Ltmp15:
0x237: {  	(pc) =	sbr.rel .LBB2_16-.Ltmp15, $2  }
0x238: {  	_ =	sdelay $0x2  }
0x239: {  	s9 =	smov.u32 s0;
	s8 =	smov.u32 s4;
	s7 =	smov.u32 s2  }
.LBB2_17:
0x23a: {  	s26 =	simm.s32 $0x0;
	s0 =	rddreg [dreg:$0x15];
	s29 =	simm.s32 $0x3  }
0x23b: {  	[hbm4b:s0+s26] =	stream.linear.scatter [tilespmem:s20], [sflag:$0x4], $0xC000, $0x38;
	[tilespmem:$0x1E100] =	vst v63  }
0x23c: {  	_ =	swait.ge [sflag:s29], $0xC000  }
0x23d: {  	[sflag:s29] =	ssyncset.done $0x0  }
0x23e: {  	s30 =	rddreg [dreg:$0x16];
	[sflag:s29] =	ssyncadd.s32 $0xFFFF4000  }
0x23f: {  	[tilespmem:s31], [sflag:$0x1] =	stream.linear.gather [hbm4b:s30+s26], $0xC000, $0x38;
	[tilespmem:$0x1E100] =	vst v63  }
0x240: {  	_ =	swait.ge [sflag:s19], $0xC000  }
0x241: {  	[sflag:s19] =	ssyncset.done $0x0  }
0x242: {  	s28 =	simm.s32 $0x0;
	[sflag:s19] =	ssyncadd.s32 $0xFFFF4000  }
.LBB2_18:
0x243: {  	s0 =	sshll.u32 s28, $0x2  }
0x244: {  	s1 =	sor.u32 $0x80, s0  }
0x245: {  	v3 =	vmov s1  }
0x246: {  	v3 =	vbroadcast v3, $0x0;
	_ =	sdelay $0x5  }
0x247: {  	s8 =	sor.u32 $0x81, s0;
	v3 =	vld.idx.msk [tilespmem:v3+s26+$0x0], $0xffff  }
0x248: {  	v4 =	vmov s8  }
0x249: {  	v4 =	vbroadcast v4, $0x0;
	_ =	sdelay $0x1  }
0x24a: {  	s9 =	sor.u32 $0x82, s0  }
0x24b: {  	v5 =	vmov s9;
	v3 =	vmul.u32 $0x300, v3  }
0x24c: {  	v5 =	vbroadcast v5, $0x0  }
0x24d: {  	s3 =	simm.s32 $0x20;
	s0 =	sor.u32 $0x83, s0;
	v3 =	vor.u32 v0, v3  }
0x24e: {  	s2 =	sshrl.u32 s28, $0x1;
	v7 =	vmov s0;
	s0 =	simm.s32 $0x0;
	v4 =	vld.idx.msk [tilespmem:v4+s26+$0x0], $0xffff;
	v6 =	vadd.s32 s3, v3  }
0x24f: {  	s4 =	smul.u32 $0x6000, s2;
	s2 =	simm.s32 $0x30;
	v8 =	vadd.s32 s0, v3  }
0x250: {  	v10 =	vadd.s32 s2, v3  }
0x251: {  	s1 =	simm.s32 $0x10  }
0x252: {  	s5 =	sshll.u32 s28, $0x9;
	v5 =	vld.idx.msk [tilespmem:v5+s26+$0x0], $0xffff;
	v9 =	vadd.s32 s1, v3  }
0x253: {  	s5 =	sand.u32 $0x200, s5;
	s4 =	sshra.s32 s4, $0x2;
	v4 =	vmul.u32 $0x300, v4;
	v6 =	vld.idx.msk [tilespmem:v6+s17+$0x0], $0xffff  }
0x254: {  	s4 =	sor.u32 s5, s4;
	v8 =	vld.idx.msk [tilespmem:v8+s17+$0x0], $0xffff  }
0x255: {  	s10 =	sand.u32 $0x1C00, s26;
	s29 =	sadd.s32 $0x6100, s4;
	v4 =	vor.u32 v0, v4;
	v10 =	vld.idx.msk [tilespmem:v10+s17+$0x0], $0xffff  }
0x256: {  	s30 =	sand.u32 $0x60, s3;
	s4 =	sadd.s32 s10, s29;
	v7 =	vld.idx.msk [tilespmem:v7+s26+$0x0], $0xffff;
	v11 =	vadd.s32 s3, v4  }
0x257: {  	s9 =	sand.u32 $0x40, s0;
	s11 =	sadd.s32 s30, s4;
	v12 =	vadd.s32 s0, v4;
	v9 =	vld.idx.msk [tilespmem:v9+s17+$0x0], $0xffff  }
0x258: {  	s7 =	sand.u32 $0x70, s2;
	s12 =	sadd.s32 s9, s4;
	[tilespmem:s11+$0x0] =	vst.add.f32.msk $0xffff, v6  }
0x259: {  	s13 =	sadd.s32 s7, s4;
	[tilespmem:s12+$0x0] =	vst.add.f32.msk $0xffff, v8  }
0x25a: {  	v5 =	vmul.u32 $0x300, v5;
	v6 =	vadd.s32 s1, v4;
	[tilespmem:s13+$0x0] =	vst.add.f32.msk $0xffff, v10  }
0x25b: {  	v11 =	vld.idx.msk [tilespmem:v11+s17+$0x0], $0xffff  }
0x25c: {  	s8 =	sand.u32 $0x50, s1;
	v5 =	vor.u32 v0, v5;
	v10 =	vld.idx.msk [tilespmem:v12+s17+$0x0], $0xffff  }
0x25d: {  	s6 =	sadd.s32 s8, s4;
	v8 =	vadd.s32 s3, v5  }
0x25e: {  	s14 =	sadd.s32 $0x80, s4;
	[tilespmem:s6+$0x0] =	vst.add.f32.msk $0xffff, v9;
	v9 =	vadd.s32 s2, v4  }
0x25f: {  	s22 =	sadd.s32 s30, s14;
	v13 =	vadd.s32 s0, v5;
	v12 =	vld.idx.msk [tilespmem:v6+s17+$0x0], $0xffff  }
0x260: {  	s10 =	sadd.s32 s9, s14;
	v7 =	vmul.u32 $0x300, v7;
	[tilespmem:s22+$0x0] =	vst.add.f32.msk $0xffff, v11  }
0x261: {  	[tilespmem:s10+$0x0] =	vst.add.f32.msk $0xffff, v10;
	v10 =	vadd.s32 s1, v5  }
0x262: {  	v6 =	vor.u32 v0, v7;
	v7 =	vld.idx.msk [tilespmem:v8+s17+$0x0], $0xffff  }
0x263: {  	v8 =	vld.idx.msk [tilespmem:v9+s17+$0x0], $0xffff  }
0x264: {  	s11 =	sadd.s32 s8, s14;
	v15 =	vld.idx.msk [tilespmem:v13+s17+$0x0], $0xffff  }
0x265: {  	s12 =	sadd.s32 $0x100, s4;
	v9 =	vadd.s32 s3, v6;
	[tilespmem:s11+$0x0] =	vst.add.f32.msk $0xffff, v12  }
0x266: {  	p1 =	por $0x1, $0x1;
	v14 =	vadd.s32 s2, v5;
	s13 =	sadd.s32 s30, s12;
	v11 =	vld.idx.msk [tilespmem:v10+s17+$0x0], $0xffff  }
.Ltmp16:
0x267: {  	s14 =	sadd.s32 s7, s14;
	[tilespmem:s13+$0x0] =	vst.add.f32.msk $0xffff, v7;
	(pc) =	sbr.rel @!p1 .LBB2_19-.Ltmp16, $4  }
0x268: {  	s22 =	sadd.s32 s9, s12;
	[tilespmem:s14+$0x0] =	vst.add.f32.msk $0xffff, v8  }
0x269: {  	[tilespmem:s22+$0x0] =	vst.add.f32.msk $0xffff, v15  }
0x26a: {  	p0 =	por $0x0, $0x0;
	s6 =	sadd.s32 $0x180, s4;
	v12 =	vld.idx.msk [tilespmem:v9+s17+$0x0], $0xffff  }
0x26b: {  	s10 =	sadd.s32 s7, s12;
	s11 =	sadd.s32 s8, s12;
	s12 =	simm.s32 $0x70;
	v10 =	vadd.s32 s1, v6;
	v7 =	vadd.s32 s0, v6;
	v8 =	vadd.s32 s2, v6;
	v13 =	vld.idx.msk [tilespmem:v14+s17+$0x0], $0xffff  }
0x26c: {  	_ =	sdelay $0x2  }
0x26d: {  	s5 =	simm.s32 $0x60  }
0x26e: {  	v7 =	vld.idx.msk [tilespmem:v7+s17+$0x0], $0xffff;
	v9 =	vadd.s32 s5, v3  }
0x26f: {  	v14 =	vadd.s32 s12, v3;
	s3 =	simm.s32 $0x50;
	[tilespmem:s11+$0x0] =	vst.add.f32.msk $0xffff, v11  }
0x270: {  	s0 =	sadd.s32 s30, s6;
	v15 =	vadd.s32 s3, v3;
	v10 =	vld.idx.msk [tilespmem:v10+s17+$0x0], $0xffff  }
0x271: {  	s13 =	simm.s32 $0x40;
	[tilespmem:s0+$0x0] =	vst.add.f32.msk $0xffff, v12  }
0x272: {  	v12 =	vadd.s32 s13, v3;
	[tilespmem:s10+$0x0] =	vst.add.f32.msk $0xffff, v13  }
0x273: {  	v9 =	vld.idx.msk [tilespmem:v9+s17+$0x0], $0xffff  }
0x274: {  	s1 =	simm.s32 $0x200;
	v13 =	vadd.s32 s5, v4;
	v11 =	vld.idx.msk [tilespmem:v14+s17+$0x0], $0xffff  }
0x275: {  	s2 =	sadd.s32 s9, s6;
	s10 =	sand.u32 $0x1C00, s1;
	v14 =	vld.idx.msk [tilespmem:v15+s17+$0x0], $0xffff  }
0x276: {  	s30 =	sand.u32 $0x60, s5;
	s14 =	sadd.s32 s10, s29;
	[tilespmem:s2+$0x0] =	vst.add.f32.msk $0xffff, v7;
	v7 =	vadd.s32 s3, v4  }
0x277: {  	s0 =	sadd.s32 s30, s14;
	v12 =	vld.idx.msk [tilespmem:v12+s17+$0x0], $0xffff  }
0x278: {  	s4 =	sand.u32 $0x50, s3;
	[tilespmem:s0+$0x0] =	vst.add.f32.msk $0xffff, v9  }
0x279: {  	s22 =	sadd.s32 s4, s14;
	v9 =	vld.idx.msk [tilespmem:v13+s17+$0x0], $0xffff  }
0x27a: {  	s0 =	sand.u32 $0x40, s13;
	[tilespmem:s22+$0x0] =	vst.add.f32.msk $0xffff, v14;
	v13 =	vadd.s32 s13, v4  }
0x27b: {  	s2 =	sand.u32 $0x70, s12;
	s11 =	sadd.s32 s0, s14;
	v7 =	vld.idx.msk [tilespmem:v7+s17+$0x0], $0xffff  }
0x27c: {  	s10 =	sadd.s32 $0x80, s14;
	[tilespmem:s11+$0x0] =	vst.add.f32.msk $0xffff, v12;
	s11 =	sadd.s32 s2, s14;
	v12 =	vadd.s32 s5, v5  }
0x27d: {  	s22 =	sadd.s32 s30, s10;
	[tilespmem:s11+$0x0] =	vst.add.f32.msk $0xffff, v11  }
0x27e: {  	[tilespmem:s22+$0x0] =	vst.add.f32.msk $0xffff, v9;
	v9 =	vadd.s32 s12, v4  }
0x27f: {  	s8 =	sadd.s32 s8, s6;
	v11 =	vld.idx.msk [tilespmem:v13+s17+$0x0], $0xffff  }
0x280: {  	[tilespmem:s8+$0x0] =	vst.add.f32.msk $0xffff, v10  }
0x281: {  	s22 =	sadd.s32 s4, s10;
	v12 =	vld.idx.msk [tilespmem:v12+s17+$0x0], $0xffff  }
0x282: {  	v10 =	vadd.s32 s13, v5;
	[tilespmem:s22+$0x0] =	vst.add.f32.msk $0xffff, v7  }
0x283: {  	s11 =	sadd.s32 s0, s10;
	v7 =	vadd.s32 s3, v5;
	v13 =	vld.idx.msk [tilespmem:v9+s17+$0x0], $0xffff  }
0x284: {  	s8 =	sadd.s32 $0x100, s14;
	v14 =	vadd.s32 s5, v6;
	[tilespmem:s11+$0x0] =	vst.add.f32.msk $0xffff, v11  }
0x285: {  	s9 =	sadd.s32 s30, s8;
	v9 =	vld.idx.msk [tilespmem:v8+s17+$0x0], $0xffff  }
0x286: {  	v15 =	vadd.s32 s12, v5;
	[tilespmem:s9+$0x0] =	vst.add.f32.msk $0xffff, v12  }
0x287: {  	p1 =	por $0x1, $0x1;
	v16 =	vld.idx.msk [tilespmem:v10+s17+$0x0], $0xffff  }
.Ltmp17:
0x288: {  	v11 =	vld.idx.msk [tilespmem:v7+s17+$0x0], $0xffff;
	v7 =	vadd.s32 s13, v6;
	(pc) =	sbr.rel @!p1 .LBB2_21-.Ltmp17, $4  }
0x289: {  	s11 =	sadd.s32 s2, s10;
	v12 =	vld.idx.msk [tilespmem:v14+s17+$0x0], $0xffff  }
0x28a: {  	p0 =	por $0x1, $0x1;
	[tilespmem:s11+$0x0] =	vst.add.f32.msk $0xffff, v13  }
0x28b: {  	s5 =	sadd.s32 s7, s6;
	s6 =	sadd.s32 $0x180, s14;
	s22 =	sadd.s32 s0, s8;
	v13 =	vld.idx.msk [tilespmem:v15+s17+$0x0], $0xffff  }
0x28c: {  	s7 =	simm.s32 $0xB0;
	s10 =	sadd.s32 s2, s8;
	v8 =	vadd.s32 s12, v6;
	v10 =	vadd.s32 s3, v6;
	s11 =	sadd.s32 s4, s8;
	[tilespmem:s22+$0x0] =	vst.add.f32.msk $0xffff, v16  }
.LBB2_22:
0x28d: {  	s9 =	sadd.s32 $0xFFFFFFE0, s7;
	s8 =	sadd.s32 $0xFFFFFFF0, s7;
	v14 =	vadd.s32 s7, v3;
	v15 =	vadd.s32 s7, v4;
	v16 =	vadd.s32 s7, v5;
	v17 =	vld.idx.msk [tilespmem:v7+s17+$0x0], $0xffff;
	s3 =	sadd.s32 s30, s6  }
0x28e: {  	s12 =	sadd.s32 $0xFFFFFFD0, s7;
	s14 =	sand.u32 $0x70, s7;
	v18 =	vadd.s32 s9, v3;
	s13 =	sand.u32 $0x50, s9;
	v19 =	vadd.s32 s9, v4;
	v20 =	vadd.s32 s8, v3;
	[tilespmem:s3+$0x0] =	vst.add.f32.msk $0xffff, v12  }
0x28f: {  	s22 =	sadd.s32 s0, s6;
	v12 =	vadd.s32 s12, v3;
	v21 =	vadd.s32 s12, v4;
	v22 =	vadd.s32 s12, v5;
	s0 =	sand.u32 $0x40, s12;
	s3 =	sadd.s32 s4, s6;
	[tilespmem:s5+$0x0] =	vst.add.f32.msk $0xffff, v9  }
0x290: {  	v7 =	vadd.s32 s12, v6;
	v23 =	vadd.s32 s9, v5;
	p1 =	slt.u32 s12, $0x2C0;
	v9 =	vadd.s32 s9, v6;
	s5 =	sadd.s32 s2, s6;
	s4 =	smov.u32 s13;
	[tilespmem:s11+$0x0] =	vst.add.f32.msk $0xffff, v11  }
0x291: {  	s2 =	smov.u32 s14;
	v11 =	vadd.s32 s7, v6;
	[tilespmem:s10+$0x0] =	vst.add.f32.msk $0xffff, v13  }
0x292: {  	v13 =	vld.idx.msk [tilespmem:v14+s17+$0x0], $0xffff  }
0x293: {  	v14 =	vld.idx.msk [tilespmem:v20+s17+$0x0], $0xffff  }
0x294: {  	v12 =	vld.idx.msk [tilespmem:v12+s17+$0x0], $0xffff  }
0x295: {  	s1 =	sadd.s32 $0x200, s1;
	v20 =	vadd.s32 s8, v4;
	v18 =	vld.idx.msk [tilespmem:v18+s17+$0x0], $0xffff  }
0x296: {  	s6 =	sand.u32 $0x1C00, s1;
	v24 =	vld.idx.msk [tilespmem:v10+s17+$0x0], $0xffff;
	v10 =	vmov v9  }
0x297: {  	s30 =	sand.u32 $0x60, s8;
	s6 =	sadd.s32 s6, s29;
	v9 =	vld.idx.msk [tilespmem:v8+s17+$0x0], $0xffff;
	v8 =	vmov v11  }
0x298: {  	s9 =	sadd.s32 s0, s6;
	s10 =	sadd.s32 s4, s6;
	s11 =	sadd.s32 s30, s6;
	[tilespmem:s22+$0x0] =	vst.add.f32.msk $0xffff, v17  }
0x299: {  	[tilespmem:s11+$0x0] =	vst.add.f32.msk $0xffff, v14;
	s11 =	sadd.s32 s2, s6  }
0x29a: {  	v11 =	vld.idx.msk [tilespmem:v20+s17+$0x0], $0xffff  }
0x29b: {  	[tilespmem:s9+$0x0] =	vst.add.f32.msk $0xffff, v12  }
0x29c: {  	v12 =	vadd.s32 s8, v5;
	[tilespmem:s10+$0x0] =	vst.add.f32.msk $0xffff, v18  }
0x29d: {  	[tilespmem:s11+$0x0] =	vst.add.f32.msk $0xffff, v13  }
0x29e: {  	s9 =	sadd.s32 $0x80, s6;
	v13 =	vld.idx.msk [tilespmem:v21+s17+$0x0], $0xffff  }
0x29f: {  	s10 =	sadd.s32 s0, s9;
	s12 =	sadd.s32 s30, s9;
	s11 =	sadd.s32 s4, s9;
	v14 =	vld.idx.msk [tilespmem:v19+s17+$0x0], $0xffff  }
0x2a0: {  	s9 =	sadd.s32 s2, s9;
	[tilespmem:s12+$0x0] =	vst.add.f32.msk $0xffff, v11  }
0x2a1: {  	v11 =	vld.idx.msk [tilespmem:v12+s17+$0x0], $0xffff  }
0x2a2: {  	v15 =	vld.idx.msk [tilespmem:v15+s17+$0x0], $0xffff  }
0x2a3: {  	v12 =	vadd.s32 s8, v6;
	[tilespmem:s3+$0x0] =	vst.add.f32.msk $0xffff, v24  }
0x2a4: {  	[tilespmem:s10+$0x0] =	vst.add.f32.msk $0xffff, v13  }
0x2a5: {  	s3 =	sadd.s32 $0x100, s6;
	[tilespmem:s11+$0x0] =	vst.add.f32.msk $0xffff, v14  }
0x2a6: {  	s8 =	sadd.s32 s0, s3;
	s10 =	sadd.s32 s30, s3;
	s11 =	sadd.s32 s4, s3;
	v14 =	vld.idx.msk [tilespmem:v22+s17+$0x0], $0xffff  }
0x2a7: {  	[tilespmem:s10+$0x0] =	vst.add.f32.msk $0xffff, v11;
	s10 =	sadd.s32 s2, s3  }
.Ltmp18:
0x2a8: {  	v12 =	vld.idx.msk [tilespmem:v12+s17+$0x0], $0xffff;
	(pc) =	sbr.rel @p1 .LBB2_22-.Ltmp18, $4  }
0x2a9: {  	[tilespmem:s9+$0x0] =	vst.add.f32.msk $0xffff, v15  }
0x2aa: {  	v11 =	vld.idx.msk [tilespmem:v23+s17+$0x0], $0xffff  }
0x2ab: {  	v13 =	vld.idx.msk [tilespmem:v16+s17+$0x0], $0xffff  }
0x2ac: {  	s7 =	sadd.s32 $0x40, s7;
	s6 =	sadd.s32 $0x180, s6;
	[tilespmem:s8+$0x0] =	vst.add.f32.msk $0xffff, v14  }
0x2ad: {  	s9 =	smov.u32 s0;
	s8 =	smov.u32 s4;
	s7 =	smov.u32 s2  }
.LBB2_24:
0x2ae: {  	_ =	sdelay $0x3  }
0x2af: {  	v3 =	vld.idx.msk [tilespmem:v7+s17+$0x0], $0xffff  }
0x2b0: {  	[tilespmem:s5+$0x0] =	vst.add.f32.msk @p0 $0xffff, v9  }
0x2b1: {  	[tilespmem:s11+$0x0] =	vst.add.f32.msk $0xffff, v11  }
0x2b2: {  	[tilespmem:s10+$0x0] =	vst.add.f32.msk $0xffff, v13  }
0x2b3: {  	s28 =	sadd.s32 $0x1, s28;
	v4 =	vld.idx.msk [tilespmem:v10+s17+$0x0], $0xffff  }
0x2b4: {  	p0 =	sne.s32 s28, $0x10;
	v5 =	vld.idx.msk [tilespmem:v8+s17+$0x0], $0xffff  }
.Ltmp19:
0x2b5: {  	s0 =	sadd.s32 s30, s6;
	(pc) =	sbr.rel @p0 .LBB2_18-.Ltmp19, $4  }
.Ltmp20:
0x2b6: {  	s29 =	sadd.s32 s9, s6;
	[tilespmem:s0+$0x0] =	vst.add.f32.msk $0xffff, v12;
	(pc) =	sbr.rel @!p0 .LBB2_25-.Ltmp20, $4  }
0x2b7: {  	s1 =	sadd.s32 s8, s6;
	[tilespmem:s29+$0x0] =	vst.add.f32.msk $0xffff, v3  }
0x2b8: {  	s30 =	sadd.s32 s7, s6;
	[tilespmem:s1+$0x0] =	vst.add.f32.msk $0xffff, v4  }
0x2b9: {  	[tilespmem:s30+$0x0] =	vst.add.f32.msk $0xffff, v5  }
0x2ba: {  	_ = 	snop  }
.LBB2_19:
.Ltmp21:
0x2bb: {  	(pc) =	sbr.rel .LBB2_24-.Ltmp21, $2  }
0x2bc: {  	_ =	sdelay $0x2  }
0x2bd: {  	_ = 	snop  }
.LBB2_21:
.Ltmp22:
0x2be: {  	(pc) =	sbr.rel .LBB2_24-.Ltmp22, $2  }
0x2bf: {  	_ =	sdelay $0x2  }
0x2c0: {  	s9 =	smov.u32 s0;
	s8 =	smov.u32 s4;
	s7 =	smov.u32 s2  }
.LBB2_25:
0x2c1: {  	s26 =	simm.s32 $0x0;
	s0 =	rddreg [dreg:$0x17]  }
0x2c2: {  	[hbm4b:s0+s26] =	stream.linear.scatter [tilespmem:s31], [sflag:$0x3], $0xC000, $0x38;
	[tilespmem:$0x1E100] =	vst v63  }
0x2c3: {  	_ =	swait.ge [sflag:s23], $0xC000  }
0x2c4: {  	[sflag:s23] =	ssyncset.done $0x0  }
0x2c5: {  	s30 =	rddreg [dreg:$0x18];
	[sflag:s23] =	ssyncadd.s32 $0xFFFF4000  }
0x2c6: {  	[tilespmem:s20], [sflag:$0x2] =	stream.linear.gather [hbm4b:s30+s26], $0xC000, $0x38;
	[tilespmem:$0x1E100] =	vst v63  }
0x2c7: {  	_ =	swait.ge [sflag:s21], $0xC000  }
0x2c8: {  	[sflag:s21] =	ssyncset.done $0x0  }
0x2c9: {  	s28 =	simm.s32 $0x0;
	[sflag:s21] =	ssyncadd.s32 $0xFFFF4000  }
.LBB2_26:
0x2ca: {  	s0 =	sshll.u32 s28, $0x2  }
0x2cb: {  	s1 =	sor.u32 $0xC0, s0  }
0x2cc: {  	v3 =	vmov s1  }
0x2cd: {  	v3 =	vbroadcast v3, $0x0;
	_ =	sdelay $0x5  }
0x2ce: {  	s8 =	sor.u32 $0xC1, s0;
	v3 =	vld.idx.msk [tilespmem:v3+s26+$0x0], $0xffff  }
0x2cf: {  	v4 =	vmov s8  }
0x2d0: {  	v4 =	vbroadcast v4, $0x0;
	_ =	sdelay $0x1  }
0x2d1: {  	s9 =	sor.u32 $0xC2, s0  }
0x2d2: {  	v5 =	vmov s9;
	v3 =	vmul.u32 $0x300, v3  }
0x2d3: {  	v5 =	vbroadcast v5, $0x0  }
0x2d4: {  	s3 =	simm.s32 $0x20;
	s0 =	sor.u32 $0xC3, s0;
	v3 =	vor.u32 v0, v3  }
0x2d5: {  	s2 =	sshrl.u32 s28, $0x1;
	v7 =	vmov s0;
	s0 =	simm.s32 $0x0;
	v4 =	vld.idx.msk [tilespmem:v4+s26+$0x0], $0xffff;
	v6 =	vadd.s32 s3, v3  }
0x2d6: {  	s4 =	smul.u32 $0x6000, s2;
	s2 =	simm.s32 $0x30;
	v8 =	vadd.s32 s0, v3  }
0x2d7: {  	v10 =	vadd.s32 s2, v3  }
0x2d8: {  	s1 =	simm.s32 $0x10  }
0x2d9: {  	s5 =	sshll.u32 s28, $0x9;
	v5 =	vld.idx.msk [tilespmem:v5+s26+$0x0], $0xffff;
	v9 =	vadd.s32 s1, v3  }
0x2da: {  	s5 =	sand.u32 $0x200, s5;
	s4 =	sshra.s32 s4, $0x2;
	v4 =	vmul.u32 $0x300, v4;
	v6 =	vld.idx.msk [tilespmem:v6+s17+$0x0], $0xffff  }
0x2db: {  	s4 =	sor.u32 s5, s4;
	v8 =	vld.idx.msk [tilespmem:v8+s17+$0x0], $0xffff  }
0x2dc: {  	s10 =	sand.u32 $0x1C00, s26;
	s29 =	sadd.s32 $0x12100, s4;
	v4 =	vor.u32 v0, v4;
	v10 =	vld.idx.msk [tilespmem:v10+s17+$0x0], $0xffff  }
0x2dd: {  	s30 =	sand.u32 $0x60, s3;
	s4 =	sadd.s32 s10, s29;
	v7 =	vld.idx.msk [tilespmem:v7+s26+$0x0], $0xffff;
	v11 =	vadd.s32 s3, v4  }
0x2de: {  	s9 =	sand.u32 $0x40, s0;
	s11 =	sadd.s32 s30, s4;
	v12 =	vadd.s32 s0, v4;
	v9 =	vld.idx.msk [tilespmem:v9+s17+$0x0], $0xffff  }
0x2df: {  	s7 =	sand.u32 $0x70, s2;
	s12 =	sadd.s32 s9, s4;
	[tilespmem:s11+$0x0] =	vst.add.f32.msk $0xffff, v6  }
0x2e0: {  	s13 =	sadd.s32 s7, s4;
	[tilespmem:s12+$0x0] =	vst.add.f32.msk $0xffff, v8  }
0x2e1: {  	v5 =	vmul.u32 $0x300, v5;
	v6 =	vadd.s32 s1, v4;
	[tilespmem:s13+$0x0] =	vst.add.f32.msk $0xffff, v10  }
0x2e2: {  	v11 =	vld.idx.msk [tilespmem:v11+s17+$0x0], $0xffff  }
0x2e3: {  	s8 =	sand.u32 $0x50, s1;
	v5 =	vor.u32 v0, v5;
	v10 =	vld.idx.msk [tilespmem:v12+s17+$0x0], $0xffff  }
0x2e4: {  	s6 =	sadd.s32 s8, s4;
	v8 =	vadd.s32 s3, v5  }
0x2e5: {  	s14 =	sadd.s32 $0x80, s4;
	[tilespmem:s6+$0x0] =	vst.add.f32.msk $0xffff, v9;
	v9 =	vadd.s32 s2, v4  }
0x2e6: {  	s22 =	sadd.s32 s30, s14;
	v13 =	vadd.s32 s0, v5;
	v12 =	vld.idx.msk [tilespmem:v6+s17+$0x0], $0xffff  }
0x2e7: {  	s10 =	sadd.s32 s9, s14;
	v7 =	vmul.u32 $0x300, v7;
	[tilespmem:s22+$0x0] =	vst.add.f32.msk $0xffff, v11  }
0x2e8: {  	[tilespmem:s10+$0x0] =	vst.add.f32.msk $0xffff, v10;
	v10 =	vadd.s32 s1, v5  }
0x2e9: {  	v6 =	vor.u32 v0, v7;
	v7 =	vld.idx.msk [tilespmem:v8+s17+$0x0], $0xffff  }
0x2ea: {  	v8 =	vld.idx.msk [tilespmem:v9+s17+$0x0], $0xffff  }
0x2eb: {  	s11 =	sadd.s32 s8, s14;
	v15 =	vld.idx.msk [tilespmem:v13+s17+$0x0], $0xffff  }
0x2ec: {  	s12 =	sadd.s32 $0x100, s4;
	v9 =	vadd.s32 s3, v6;
	[tilespmem:s11+$0x0] =	vst.add.f32.msk $0xffff, v12  }
0x2ed: {  	p1 =	por $0x1, $0x1;
	v14 =	vadd.s32 s2, v5;
	s13 =	sadd.s32 s30, s12;
	v11 =	vld.idx.msk [tilespmem:v10+s17+$0x0], $0xffff  }
.Ltmp23:
0x2ee: {  	s14 =	sadd.s32 s7, s14;
	[tilespmem:s13+$0x0] =	vst.add.f32.msk $0xffff, v7;
	(pc) =	sbr.rel @!p1 .LBB2_27-.Ltmp23, $4  }
0x2ef: {  	s22 =	sadd.s32 s9, s12;
	[tilespmem:s14+$0x0] =	vst.add.f32.msk $0xffff, v8  }
0x2f0: {  	[tilespmem:s22+$0x0] =	vst.add.f32.msk $0xffff, v15  }
0x2f1: {  	p0 =	por $0x0, $0x0;
	s6 =	sadd.s32 $0x180, s4;
	v12 =	vld.idx.msk [tilespmem:v9+s17+$0x0], $0xffff  }
0x2f2: {  	s10 =	sadd.s32 s7, s12;
	s11 =	sadd.s32 s8, s12;
	s12 =	simm.s32 $0x70;
	v10 =	vadd.s32 s1, v6;
	v7 =	vadd.s32 s0, v6;
	v8 =	vadd.s32 s2, v6;
	v13 =	vld.idx.msk [tilespmem:v14+s17+$0x0], $0xffff  }
0x2f3: {  	_ =	sdelay $0x2  }
0x2f4: {  	s5 =	simm.s32 $0x60  }
0x2f5: {  	v7 =	vld.idx.msk [tilespmem:v7+s17+$0x0], $0xffff;
	v9 =	vadd.s32 s5, v3  }
0x2f6: {  	v14 =	vadd.s32 s12, v3;
	s3 =	simm.s32 $0x50;
	[tilespmem:s11+$0x0] =	vst.add.f32.msk $0xffff, v11  }
0x2f7: {  	s0 =	sadd.s32 s30, s6;
	v15 =	vadd.s32 s3, v3;
	v10 =	vld.idx.msk [tilespmem:v10+s17+$0x0], $0xffff  }
0x2f8: {  	s13 =	simm.s32 $0x40;
	[tilespmem:s0+$0x0] =	vst.add.f32.msk $0xffff, v12  }
0x2f9: {  	v12 =	vadd.s32 s13, v3;
	[tilespmem:s10+$0x0] =	vst.add.f32.msk $0xffff, v13  }
0x2fa: {  	v9 =	vld.idx.msk [tilespmem:v9+s17+$0x0], $0xffff  }
0x2fb: {  	s1 =	simm.s32 $0x200;
	v13 =	vadd.s32 s5, v4;
	v11 =	vld.idx.msk [tilespmem:v14+s17+$0x0], $0xffff  }
0x2fc: {  	s2 =	sadd.s32 s9, s6;
	s10 =	sand.u32 $0x1C00, s1;
	v14 =	vld.idx.msk [tilespmem:v15+s17+$0x0], $0xffff  }
0x2fd: {  	s30 =	sand.u32 $0x60, s5;
	s14 =	sadd.s32 s10, s29;
	[tilespmem:s2+$0x0] =	vst.add.f32.msk $0xffff, v7;
	v7 =	vadd.s32 s3, v4  }
0x2fe: {  	s0 =	sadd.s32 s30, s14;
	v12 =	vld.idx.msk [tilespmem:v12+s17+$0x0], $0xffff  }
0x2ff: {  	s4 =	sand.u32 $0x50, s3;
	[tilespmem:s0+$0x0] =	vst.add.f32.msk $0xffff, v9  }
0x300: {  	s22 =	sadd.s32 s4, s14;
	v9 =	vld.idx.msk [tilespmem:v13+s17+$0x0], $0xffff  }
0x301: {  	s0 =	sand.u32 $0x40, s13;
	[tilespmem:s22+$0x0] =	vst.add.f32.msk $0xffff, v14;
	v13 =	vadd.s32 s13, v4  }
0x302: {  	s2 =	sand.u32 $0x70, s12;
	s11 =	sadd.s32 s0, s14;
	v7 =	vld.idx.msk [tilespmem:v7+s17+$0x0], $0xffff  }
0x303: {  	s10 =	sadd.s32 $0x80, s14;
	[tilespmem:s11+$0x0] =	vst.add.f32.msk $0xffff, v12;
	s11 =	sadd.s32 s2, s14;
	v12 =	vadd.s32 s5, v5  }
0x304: {  	s22 =	sadd.s32 s30, s10;
	[tilespmem:s11+$0x0] =	vst.add.f32.msk $0xffff, v11  }
0x305: {  	[tilespmem:s22+$0x0] =	vst.add.f32.msk $0xffff, v9;
	v9 =	vadd.s32 s12, v4  }
0x306: {  	s8 =	sadd.s32 s8, s6;
	v11 =	vld.idx.msk [tilespmem:v13+s17+$0x0], $0xffff  }
0x307: {  	[tilespmem:s8+$0x0] =	vst.add.f32.msk $0xffff, v10  }
0x308: {  	s22 =	sadd.s32 s4, s10;
	v12 =	vld.idx.msk [tilespmem:v12+s17+$0x0], $0xffff  }
0x309: {  	v10 =	vadd.s32 s13, v5;
	[tilespmem:s22+$0x0] =	vst.add.f32.msk $0xffff, v7  }
0x30a: {  	s11 =	sadd.s32 s0, s10;
	v7 =	vadd.s32 s3, v5;
	v13 =	vld.idx.msk [tilespmem:v9+s17+$0x0], $0xffff  }
0x30b: {  	s8 =	sadd.s32 $0x100, s14;
	v14 =	vadd.s32 s5, v6;
	[tilespmem:s11+$0x0] =	vst.add.f32.msk $0xffff, v11  }
0x30c: {  	s9 =	sadd.s32 s30, s8;
	v9 =	vld.idx.msk [tilespmem:v8+s17+$0x0], $0xffff  }
0x30d: {  	v15 =	vadd.s32 s12, v5;
	[tilespmem:s9+$0x0] =	vst.add.f32.msk $0xffff, v12  }
0x30e: {  	p1 =	por $0x1, $0x1;
	v16 =	vld.idx.msk [tilespmem:v10+s17+$0x0], $0xffff  }
.Ltmp24:
0x30f: {  	v11 =	vld.idx.msk [tilespmem:v7+s17+$0x0], $0xffff;
	v7 =	vadd.s32 s13, v6;
	(pc) =	sbr.rel @!p1 .LBB2_29-.Ltmp24, $4  }
0x310: {  	s11 =	sadd.s32 s2, s10;
	v12 =	vld.idx.msk [tilespmem:v14+s17+$0x0], $0xffff  }
0x311: {  	p0 =	por $0x1, $0x1;
	[tilespmem:s11+$0x0] =	vst.add.f32.msk $0xffff, v13  }
0x312: {  	s5 =	sadd.s32 s7, s6;
	s6 =	sadd.s32 $0x180, s14;
	s22 =	sadd.s32 s0, s8;
	v13 =	vld.idx.msk [tilespmem:v15+s17+$0x0], $0xffff  }
0x313: {  	s7 =	simm.s32 $0xB0;
	s10 =	sadd.s32 s2, s8;
	v8 =	vadd.s32 s12, v6;
	v10 =	vadd.s32 s3, v6;
	s11 =	sadd.s32 s4, s8;
	[tilespmem:s22+$0x0] =	vst.add.f32.msk $0xffff, v16  }
.LBB2_30:
0x314: {  	s9 =	sadd.s32 $0xFFFFFFE0, s7;
	s8 =	sadd.s32 $0xFFFFFFF0, s7;
	v14 =	vadd.s32 s7, v3;
	v15 =	vadd.s32 s7, v4;
	v16 =	vadd.s32 s7, v5;
	v17 =	vld.idx.msk [tilespmem:v7+s17+$0x0], $0xffff;
	s3 =	sadd.s32 s30, s6  }
0x315: {  	s12 =	sadd.s32 $0xFFFFFFD0, s7;
	s14 =	sand.u32 $0x70, s7;
	v18 =	vadd.s32 s9, v3;
	s13 =	sand.u32 $0x50, s9;
	v19 =	vadd.s32 s9, v4;
	v20 =	vadd.s32 s8, v3;
	[tilespmem:s3+$0x0] =	vst.add.f32.msk $0xffff, v12  }
0x316: {  	s22 =	sadd.s32 s0, s6;
	v12 =	vadd.s32 s12, v3;
	v21 =	vadd.s32 s12, v4;
	v22 =	vadd.s32 s12, v5;
	s0 =	sand.u32 $0x40, s12;
	s3 =	sadd.s32 s4, s6;
	[tilespmem:s5+$0x0] =	vst.add.f32.msk $0xffff, v9  }
0x317: {  	v7 =	vadd.s32 s12, v6;
	v23 =	vadd.s32 s9, v5;
	p1 =	slt.u32 s12, $0x2C0;
	v9 =	vadd.s32 s9, v6;
	s5 =	sadd.s32 s2, s6;
	s4 =	smov.u32 s13;
	[tilespmem:s11+$0x0] =	vst.add.f32.msk $0xffff, v11  }
0x318: {  	s2 =	smov.u32 s14;
	v11 =	vadd.s32 s7, v6;
	[tilespmem:s10+$0x0] =	vst.add.f32.msk $0xffff, v13  }
0x319: {  	v13 =	vld.idx.msk [tilespmem:v14+s17+$0x0], $0xffff  }
0x31a: {  	v14 =	vld.idx.msk [tilespmem:v20+s17+$0x0], $0xffff  }
0x31b: {  	v12 =	vld.idx.msk [tilespmem:v12+s17+$0x0], $0xffff  }
0x31c: {  	s1 =	sadd.s32 $0x200, s1;
	v20 =	vadd.s32 s8, v4;
	v18 =	vld.idx.msk [tilespmem:v18+s17+$0x0], $0xffff  }
0x31d: {  	s6 =	sand.u32 $0x1C00, s1;
	v24 =	vld.idx.msk [tilespmem:v10+s17+$0x0], $0xffff;
	v10 =	vmov v9  }
0x31e: {  	s30 =	sand.u32 $0x60, s8;
	s6 =	sadd.s32 s6, s29;
	v9 =	vld.idx.msk [tilespmem:v8+s17+$0x0], $0xffff;
	v8 =	vmov v11  }
0x31f: {  	s9 =	sadd.s32 s0, s6;
	s10 =	sadd.s32 s4, s6;
	s11 =	sadd.s32 s30, s6;
	[tilespmem:s22+$0x0] =	vst.add.f32.msk $0xffff, v17  }
0x320: {  	[tilespmem:s11+$0x0] =	vst.add.f32.msk $0xffff, v14;
	s11 =	sadd.s32 s2, s6  }
0x321: {  	v11 =	vld.idx.msk [tilespmem:v20+s17+$0x0], $0xffff  }
0x322: {  	[tilespmem:s9+$0x0] =	vst.add.f32.msk $0xffff, v12  }
0x323: {  	v12 =	vadd.s32 s8, v5;
	[tilespmem:s10+$0x0] =	vst.add.f32.msk $0xffff, v18  }
0x324: {  	[tilespmem:s11+$0x0] =	vst.add.f32.msk $0xffff, v13  }
0x325: {  	s9 =	sadd.s32 $0x80, s6;
	v13 =	vld.idx.msk [tilespmem:v21+s17+$0x0], $0xffff  }
0x326: {  	s10 =	sadd.s32 s0, s9;
	s12 =	sadd.s32 s30, s9;
	s11 =	sadd.s32 s4, s9;
	v14 =	vld.idx.msk [tilespmem:v19+s17+$0x0], $0xffff  }
0x327: {  	s9 =	sadd.s32 s2, s9;
	[tilespmem:s12+$0x0] =	vst.add.f32.msk $0xffff, v11  }
0x328: {  	v11 =	vld.idx.msk [tilespmem:v12+s17+$0x0], $0xffff  }
0x329: {  	v15 =	vld.idx.msk [tilespmem:v15+s17+$0x0], $0xffff  }
0x32a: {  	v12 =	vadd.s32 s8, v6;
	[tilespmem:s3+$0x0] =	vst.add.f32.msk $0xffff, v24  }
0x32b: {  	[tilespmem:s10+$0x0] =	vst.add.f32.msk $0xffff, v13  }
0x32c: {  	s3 =	sadd.s32 $0x100, s6;
	[tilespmem:s11+$0x0] =	vst.add.f32.msk $0xffff, v14  }
0x32d: {  	s8 =	sadd.s32 s0, s3;
	s10 =	sadd.s32 s30, s3;
	s11 =	sadd.s32 s4, s3;
	v14 =	vld.idx.msk [tilespmem:v22+s17+$0x0], $0xffff  }
0x32e: {  	[tilespmem:s10+$0x0] =	vst.add.f32.msk $0xffff, v11;
	s10 =	sadd.s32 s2, s3  }
.Ltmp25:
0x32f: {  	v12 =	vld.idx.msk [tilespmem:v12+s17+$0x0], $0xffff;
	(pc) =	sbr.rel @p1 .LBB2_30-.Ltmp25, $4  }
0x330: {  	[tilespmem:s9+$0x0] =	vst.add.f32.msk $0xffff, v15  }
0x331: {  	v11 =	vld.idx.msk [tilespmem:v23+s17+$0x0], $0xffff  }
0x332: {  	v13 =	vld.idx.msk [tilespmem:v16+s17+$0x0], $0xffff  }
0x333: {  	s7 =	sadd.s32 $0x40, s7;
	s6 =	sadd.s32 $0x180, s6;
	[tilespmem:s8+$0x0] =	vst.add.f32.msk $0xffff, v14  }
0x334: {  	s9 =	smov.u32 s0;
	s8 =	smov.u32 s4;
	s7 =	smov.u32 s2  }
.LBB2_32:
0x335: {  	_ =	sdelay $0x3  }
0x336: {  	v3 =	vld.idx.msk [tilespmem:v7+s17+$0x0], $0xffff  }
0x337: {  	[tilespmem:s5+$0x0] =	vst.add.f32.msk @p0 $0xffff, v9  }
0x338: {  	[tilespmem:s11+$0x0] =	vst.add.f32.msk $0xffff, v11  }
0x339: {  	[tilespmem:s10+$0x0] =	vst.add.f32.msk $0xffff, v13  }
0x33a: {  	s28 =	sadd.s32 $0x1, s28;
	v4 =	vld.idx.msk [tilespmem:v10+s17+$0x0], $0xffff  }
0x33b: {  	p0 =	sne.s32 s28, $0x10;
	v5 =	vld.idx.msk [tilespmem:v8+s17+$0x0], $0xffff  }
.Ltmp26:
0x33c: {  	s0 =	sadd.s32 s30, s6;
	(pc) =	sbr.rel @p0 .LBB2_26-.Ltmp26, $4  }
.Ltmp27:
0x33d: {  	s29 =	sadd.s32 s9, s6;
	[tilespmem:s0+$0x0] =	vst.add.f32.msk $0xffff, v12;
	(pc) =	sbr.rel @!p0 .LBB2_33-.Ltmp27, $4  }
0x33e: {  	s1 =	sadd.s32 s8, s6;
	[tilespmem:s29+$0x0] =	vst.add.f32.msk $0xffff, v3  }
0x33f: {  	s30 =	sadd.s32 s7, s6;
	[tilespmem:s1+$0x0] =	vst.add.f32.msk $0xffff, v4  }
0x340: {  	[tilespmem:s30+$0x0] =	vst.add.f32.msk $0xffff, v5  }
0x341: {  	_ = 	snop  }
.LBB2_27:
.Ltmp28:
0x342: {  	(pc) =	sbr.rel .LBB2_32-.Ltmp28, $2  }
0x343: {  	_ =	sdelay $0x2  }
0x344: {  	_ = 	snop  }
.LBB2_29:
.Ltmp29:
0x345: {  	(pc) =	sbr.rel .LBB2_32-.Ltmp29, $2  }
0x346: {  	_ =	sdelay $0x2  }
0x347: {  	s9 =	smov.u32 s0;
	s8 =	smov.u32 s4;
	s7 =	smov.u32 s2  }
.LBB2_34:
0x348: {  	_ =	sfence.sel $0x180000  }
0x349: {  	[bflag:$0x0] =	sbarrier.arrive $0xFFFF  }
0x34a: {  	_ =	strace $0x90000047  }
0x34b: {  	s0 =	stileid.u32;
	[bflag:$0x2] =	sbarrier.arrive $0xFFFF  }
0x34c: {  	p0 =	sne.s32 s0, $0x0;
	s0 =	rddreg [dreg:$0x4]  }
0x34d: {  	s0 =	sadd.s32 @!p0 $0x100000, s0  }
0x34e: {  	[sflag:s0] =	ssyncadd.tile.s32 @!p0 $0x1;
	_ =	shalt  }
.Lfunc_end2:
_tile_overlayer_lowered:
.L_overlay_start_2:
0x34f: {  	(tag) =	ssettag $0x2  }
0x350: {  	s0 =	rddreg [dreg:$0x0];
	s2 =	stileid.u32  }
0x351: {  	s1 =	rddreg [dreg:$0x1];
	p0 =	sne.s32 s2, $0x0  }
0x352: {  	s3 =	rddreg [dreg:$0x2];
	[bflag:$0x3] =	sbarrier.arrive $0xFFFF;
	s2 =	simm.s32 @!p0 $0x1C06  }
0x353: {  	[timem:s3], [sflag:s2] =	dma.local @!p0 [hbm:s0], s1  }
0x354: {  	s0 =	simm.s32 @!p0 $0x6  }
0x355: {  	_ =	swait.ge @!p0 [sflag:s0], s1  }
0x356: {  	s1 =	ssub.s32 @!p0 $0x0, s1;
	[sflag:s0] =	ssyncset.done @!p0 $0x0  }
0x357: {  	[sflag:s0] =	ssyncadd.s32 @!p0 s1  }
0x358: {  	[bflag:$0x3] =	sbarrier.arrive $0xFFFF  }
0x359: {  	_ =	shalt  }

</sc_bundles>
